<compile_context>
chip_gen: v7x
topology: tpu7x:2x2x1
jax: 0.10.2.dev20260603
libtpu: 0.0.44.dev20260713+nightly
codegen_flags: <defaults>
</compile_context>

<pallas_src>
import functools

import jax
import jax.numpy as jnp
from jax import lax
from jax.experimental import pallas as pl
from jax.experimental.pallas import tpu as pltpu
from jax.experimental.pallas import tpu_sc as plsc

VOCAB = 32
HIDDEN = 128
B = 4096
L = 200
N = B * L
NC = 2
NS = 16
NW = NC * NS
PER_W = N // NW
LANES = 16
RB = L // 8
CB = B // 128


def _table_body(emb_ref, w1_ref, b1_ref, w2_ref, b2_ref, out_ref):
    h = jnp.dot(emb_ref[...], w1_ref[...], preferred_element_type=jnp.float32)
    h = jnp.maximum(h + b1_ref[...], 0.0)
    v = lax.dot_general(w2_ref[...], h, (((1,), (1,)), ((), ())),
                        preferred_element_type=jnp.float32)
    out_ref[:, :VOCAB] = v + b2_ref[...]


def _compute_table(emb, W1, b1, W2, b2):
    return pl.pallas_call(
        _table_body,
        out_shape=jax.ShapeDtypeStruct((1, 128), jnp.float32),
    )(emb, W1, b1.reshape(1, HIDDEN), W2.reshape(1, HIDDEN), b2.reshape(1, 1))


_MESH = plsc.VectorSubcoreMesh(core_axis_name="c", subcore_axis_name="s")

_GATHER_DNUMS = lax.GatherDimensionNumbers(
    offset_dims=(), collapsed_slice_dims=(0,), start_index_map=(0,))


def _vreg_gather(src16, idx16):
    return lax.gather(
        src16, idx16[:, None], dimension_numbers=_GATHER_DNUMS,
        slice_sizes=(1,), mode=lax.GatherScatterMode.PROMISE_IN_BOUNDS)


@functools.partial(
    pl.kernel,
    mesh=_MESH,
    out_type=jax.ShapeDtypeStruct((L, CB, 128), jnp.float32),
    scratch_types=[
        pltpu.VMEM((128,), jnp.float32),
        pltpu.VMEM((RB, 8, 128), jnp.int32),
        pltpu.VMEM((L, 128), jnp.float32),
        pltpu.SemaphoreType.DMA,
        pltpu.SemaphoreType.DMA,
    ],
)
def _gather_kernel(table_hbm, x_hbm, out_hbm, table_v, idx_v, out_v,
                   sem_in, sem_out):
    w = lax.axis_index("s") * NC + lax.axis_index("c")
    in_dma = pltpu.make_async_copy(x_hbm.at[:, w], idx_v, sem_in)
    in_dma.start()
    pltpu.sync_copy(table_hbm, table_v)
    t_lo = table_v[pl.ds(0, LANES)]
    t_hi = table_v[pl.ds(LANES, LANES)]
    in_dma.wait()

    def lookup(idx16):
        low = jnp.bitwise_and(idx16, LANES - 1)
        g_lo = _vreg_gather(t_lo, low)
        g_hi = _vreg_gather(t_hi, low)
        return jnp.where(idx16 < LANES, g_lo, g_hi)

    @plsc.parallel_loop(0, RB)
    def body(p):
        for r in range(8):
            for c8 in range(8):
                sl = pl.ds(c8 * LANES, LANES)
                out_v[p * 8 + r, sl] = lookup(idx_v[p, r, sl])
        pltpu.make_async_copy(
            out_v.at[pl.ds(p * 8, 8)],
            out_hbm.at[pl.ds(p * 8, 8), w], sem_out).start()
    pltpu.make_async_copy(out_v, out_hbm.at[:, w], sem_out).wait()


def kernel(x, emb, W1, b1, W2, b2):
    table = _compute_table(emb, W1, b1, W2, b2).reshape(128)
    xs = x.reshape(CB, 128, RB, 8).transpose(2, 0, 3, 1)
    out3 = _gather_kernel(table, xs)
    return out3.transpose(1, 2, 0).reshape(B, L, 1)

# --- scband reference (transcript-rebuilt; emitter-appended) ---
"""Pipeline reference for scband-critic-network-24850680775287 (READ-ONLY COPY).

The authoritative reference and input builder live on the scoring server;
editing this copy changes nothing except your own understanding.
"""

import jax, jax.numpy as jnp
import numpy as np

VOCAB = 32
HIDDEN = 128

def setup_inputs(seed: int = 0) -> dict:
    key = jax.random.key(seed)
    k_x, k_emb, k_w1, k_b1, k_w2, k_b2 = jax.random.split(key, 6)
    x = jax.random.randint(k_x, (4096, 200), 0, VOCAB, dtype=jnp.int64 if jax.config.jax_enable_x64 else jnp.int32)
    # nn.Embed with uniform() init: uniform in [0, 0.01) by default scale=1e-2
    emb = jax.random.uniform(k_emb, (VOCAB, HIDDEN), dtype=jnp.float32) * 0.01
    # Dense default: lecun_normal kernel, zeros bias
    W1 = jax.random.normal(k_w1, (HIDDEN, HIDDEN), dtype=jnp.float32) / np.sqrt(HIDDEN)
    b1 = jnp.zeros((HIDDEN,), dtype=jnp.float32)
    W2 = jax.random.normal(k_w2, (HIDDEN, 1), dtype=jnp.float32) / np.sqrt(HIDDEN)
    b2 = jnp.zeros((1,), dtype=jnp.float32)
    return {"x": x, "emb": emb, "W1": W1, "b1": b1, "W2": W2, "b2": b2}

def reference(x, emb, W1, b1, W2, b2):
    h = jnp.take(emb, x, axis=0)            # [B, L, HIDDEN] embedding lookup
    h = jnp.dot(h, W1) + b1                 # Dense(hidden_size)
    h = jax.nn.relu(h)
    value = jnp.dot(h, W2) + b2             # Dense(1)
    return value

if __name__ == "__main__":
    import jax
    _d = setup_inputs()
    print(jax.jit(kernel)(*tuple(_d.values())))

</pallas_src>

<mosaic_0001>
#map = affine_map<(d0, d1) -> (0)>
#map1 = affine_map<(d0, d1) -> (0, 0, 0, 0)>
#map2 = affine_map<(d0, d1) -> (0, 0, 0)>
module attributes {stable_mosaic.version = 14 : i64} {
  func.func @_gather_kernel(%arg0: i32, %arg1: i32, %arg2: memref<128xf32, #tpu.memory_space<hbm>>, %arg3: memref<25x32x8x128xi32, #tpu.memory_space<hbm>>, %arg4: memref<200x32x128xf32, #tpu.memory_space<hbm>>, %arg5: memref<128xf32, #tpu.memory_space<vmem>>, %arg6: memref<25x8x128xi32, #tpu.memory_space<vmem>>, %arg7: memref<200x128xf32, #tpu.memory_space<vmem>>, %arg8: memref<!tpu.dma_semaphore, #tpu.memory_space<semaphore_mem>>, %arg9: memref<!tpu.dma_semaphore, #tpu.memory_space<semaphore_mem>>) attributes {dimension_semantics = [#tpu.dimension_semantics<core_parallel>, #tpu.dimension_semantics<subcore_parallel>], iteration_bounds = array<i64: 2, 16>, scalar_prefetch = 0 : i64, scratch_operands = 5 : i64, tpu.core_type = #tpu.core_type<sc_vector_subcore>, window_params = [{transform_indices = #map}, {transform_indices = #map1}, {transform_indices = #map2}]} {
    %mul3A = arith.constant 2 : i32
    %mul3A_0 = arith.muli %arg1, %mul3A : i32
    %add3A = arith.addi %mul3A_0, %arg0 : i32
    %dma_start3A = arith.constant 0 : i32
    %dma_start3A_1 = arith.constant 0 : i32
    %dma_start3A_2 = arith.constant 0 : i32
    %dma_start3A_3 = tpu.memref_slice %arg3[%dma_start3A, %add3A, %dma_start3A_1, %dma_start3A_2] : memref<25x32x8x128xi32, #tpu.memory_space<hbm>> -> memref<25x1x8x128xi32, #tpu.memory_space<hbm>>
    %dma_start3A_4 = tpu.memref_squeeze %dma_start3A_3 : memref<25x1x8x128xi32, #tpu.memory_space<hbm>> -> memref<25x8x128xi32, #tpu.memory_space<hbm>>
    %dma_start3A_5 = arith.constant 0 : i32
    %dma_start3A_6 = arith.constant 0 : i32
    %dma_start3A_7 = arith.constant 0 : i32
    %dma_start3A_8 = tpu.memref_slice %arg3[%dma_start3A_5, %add3A, %dma_start3A_6, %dma_start3A_7] : memref<25x32x8x128xi32, #tpu.memory_space<hbm>> -> memref<25x1x8x128xi32, #tpu.memory_space<hbm>>
    %dma_start3A_9 = tpu.memref_squeeze %dma_start3A_8 : memref<25x1x8x128xi32, #tpu.memory_space<hbm>> -> memref<25x8x128xi32, #tpu.memory_space<hbm>>
    tpu.enqueue_dma source(%dma_start3A_9 : memref<25x8x128xi32, #tpu.memory_space<hbm>>) target(%arg6 : memref<25x8x128xi32, #tpu.memory_space<vmem>>) target_semaphore(%arg8 : memref<!tpu.dma_semaphore, #tpu.memory_space<semaphore_mem>>)
    "tpu.region"() ({
      %run_scoped3A = tpu.sem_alloc : memref<!tpu.dma_semaphore, #tpu.memory_space<semaphore_mem>>
      tpu.enqueue_dma source(%arg2 : memref<128xf32, #tpu.memory_space<hbm>>) target(%arg5 : memref<128xf32, #tpu.memory_space<vmem>>) target_semaphore(%run_scoped3A : memref<!tpu.dma_semaphore, #tpu.memory_space<semaphore_mem>>)
      tpu.wait_dma2 semaphore(%run_scoped3A : memref<!tpu.dma_semaphore, #tpu.memory_space<semaphore_mem>>) src(%arg2 : memref<128xf32, #tpu.memory_space<hbm>>) dst(%arg5 : memref<128xf32, #tpu.memory_space<vmem>>)
      tpu.yield
    }) : () -> ()
    %get3A = arith.constant 0 : index
    %get3A_10 = tpu.vector_load %arg5[%get3A] {strides = array<i32>} : memref<128xf32, #tpu.memory_space<vmem>>, vector<16xf32>,
    %get3A_11 = vector.shape_cast %get3A_10 : vector<16xf32> to vector<16xf32>
    %get3A_12 = arith.constant 16 : index
    %get3A_13 = tpu.vector_load %arg5[%get3A_12] {strides = array<i32>} : memref<128xf32, #tpu.memory_space<vmem>>, vector<16xf32>,
    %get3A_14 = vector.shape_cast %get3A_13 : vector<16xf32> to vector<16xf32>
    %dma_wait3A = arith.constant 0 : i32
    %dma_wait3A_15 = arith.constant 0 : i32
    %dma_wait3A_16 = arith.constant 0 : i32
    %dma_wait3A_17 = tpu.memref_slice %arg3[%dma_wait3A, %add3A, %dma_wait3A_15, %dma_wait3A_16] : memref<25x32x8x128xi32, #tpu.memory_space<hbm>> -> memref<25x1x8x128xi32, #tpu.memory_space<hbm>>
    %dma_wait3A_18 = tpu.memref_squeeze %dma_wait3A_17 : memref<25x1x8x128xi32, #tpu.memory_space<hbm>> -> memref<25x8x128xi32, #tpu.memory_space<hbm>>
    %dma_wait3A_19 = arith.constant 0 : i32
    %dma_wait3A_20 = arith.constant 0 : i32
    %dma_wait3A_21 = arith.constant 0 : i32
    %dma_wait3A_22 = tpu.memref_slice %arg3[%dma_wait3A_19, %add3A, %dma_wait3A_20, %dma_wait3A_21] : memref<25x32x8x128xi32, #tpu.memory_space<hbm>> -> memref<25x1x8x128xi32, #tpu.memory_space<hbm>>
    %dma_wait3A_23 = tpu.memref_squeeze %dma_wait3A_22 : memref<25x1x8x128xi32, #tpu.memory_space<hbm>> -> memref<25x8x128xi32, #tpu.memory_space<hbm>>
    tpu.wait_dma2 semaphore(%arg8 : memref<!tpu.dma_semaphore, #tpu.memory_space<semaphore_mem>>) src(%dma_wait3A_23 : memref<25x8x128xi32, #tpu.memory_space<hbm>>) dst(%arg6 : memref<25x8x128xi32, #tpu.memory_space<vmem>>)
    %parallel_loop3A = arith.constant 0 : i32
    %parallel_loop3A_24 = arith.constant 25 : i32
    %parallel_loop3A_25 = arith.constant 1 : i32
    scf.for %parallel_loop3A_34 = %parallel_loop3A to %parallel_loop3A_24 step %parallel_loop3A_25  : i32 {
      %parallel_loop3A_35 = arith.constant 0 : i32
      %parallel_loop3A_36 = arith.index_cast %parallel_loop3A_34 : i32 to index
      %parallel_loop3A_37 = arith.index_cast %parallel_loop3A_35 : i32 to index
      %parallel_loop3A_38 = arith.constant 0 : index
      %parallel_loop3A_39 = tpu.vector_load %arg6[%parallel_loop3A_36, %parallel_loop3A_37, %parallel_loop3A_38] {strides = array<i32>} : memref<25x8x128xi32, #tpu.memory_space<vmem>>, vector<1x1x16xi32>,
      %parallel_loop3A_40 = vector.shape_cast %parallel_loop3A_39 : vector<1x1x16xi32> to vector<16xi32>
      %parallel_loop3A_41 = arith.constant 15 : i32
      %parallel_loop3A_42 = vector.broadcast %parallel_loop3A_41 : i32 to vector<16xi32>
      %parallel_loop3A_43 = arith.andi %parallel_loop3A_40, %parallel_loop3A_42 : vector<16xi32>
      %parallel_loop3A_44 = vector.shape_cast %parallel_loop3A_43 : vector<16xi32> to vector<16x1xi32>
      %parallel_loop3A_45 = vector.shape_cast %parallel_loop3A_44 : vector<16x1xi32> to vector<16xi32>
      %parallel_loop3A_46 = tpu.dynamic_gather %get3A_11[%parallel_loop3A_45] in [0] : vector<16xf32>, vector<16xi32> -> vector<16xf32>
      %parallel_loop3A_47 = vector.shape_cast %parallel_loop3A_43 : vector<16xi32> to vector<16x1xi32>
      %parallel_loop3A_48 = vector.shape_cast %parallel_loop3A_47 : vector<16x1xi32> to vector<16xi32>
      %parallel_loop3A_49 = tpu.dynamic_gather %get3A_14[%parallel_loop3A_48] in [0] : vector<16xf32>, vector<16xi32> -> vector<16xf32>
      %parallel_loop3A_50 = arith.constant 16 : i32
      %parallel_loop3A_51 = vector.broadcast %parallel_loop3A_50 : i32 to vector<16xi32>
      %parallel_loop3A_52 = arith.cmpi slt, %parallel_loop3A_40, %parallel_loop3A_51 : vector<16xi32>
      %parallel_loop3A_53 = arith.select %parallel_loop3A_52, %parallel_loop3A_46, %parallel_loop3A_49 : vector<16xi1>, vector<16xf32>
      %parallel_loop3A_54 = arith.constant 8 : i32
      %parallel_loop3A_55 = arith.muli %parallel_loop3A_34, %parallel_loop3A_54 : i32
      %parallel_loop3A_56 = arith.constant 0 : i32
      %parallel_loop3A_57 = arith.addi %parallel_loop3A_55, %parallel_loop3A_56 : i32
      %parallel_loop3A_58 = arith.index_cast %parallel_loop3A_57 : i32 to index
      %parallel_loop3A_59 = arith.constant 0 : index
      %parallel_loop3A_60 = tpu.vector_load %arg7[%parallel_loop3A_58, %parallel_loop3A_59] {strides = array<i32>} : memref<200x128xf32, #tpu.memory_space<vmem>>, vector<1x16xf32>,
      %parallel_loop3A_61 = vector.shape_cast %parallel_loop3A_60 : vector<1x16xf32> to vector<16xf32>
      %parallel_loop3A_62 = vector.shape_cast %parallel_loop3A_53 : vector<16xf32> to vector<1x16xf32>
      tpu.vector_store %arg7[%parallel_loop3A_58, %parallel_loop3A_59], %parallel_loop3A_62 {strides = array<i32>} : memref<200x128xf32, #tpu.memory_space<vmem>>, vector<1x16xf32>,
      %parallel_loop3A_63 = arith.constant 0 : i32
      %parallel_loop3A_64 = arith.index_cast %parallel_loop3A_34 : i32 to index
      %parallel_loop3A_65 = arith.index_cast %parallel_loop3A_63 : i32 to index
      %parallel_loop3A_66 = arith.constant 16 : index
      %parallel_loop3A_67 = tpu.vector_load %arg6[%parallel_loop3A_64, %parallel_loop3A_65, %parallel_loop3A_66] {strides = array<i32>} : memref<25x8x128xi32, #tpu.memory_space<vmem>>, vector<1x1x16xi32>,
      %parallel_loop3A_68 = vector.shape_cast %parallel_loop3A_67 : vector<1x1x16xi32> to vector<16xi32>
      %parallel_loop3A_69 = arith.constant 15 : i32
      %parallel_loop3A_70 = vector.broadcast %parallel_loop3A_69 : i32 to vector<16xi32>
      %parallel_loop3A_71 = arith.andi %parallel_loop3A_68, %parallel_loop3A_70 : vector<16xi32>
      %parallel_loop3A_72 = vector.shape_cast %parallel_loop3A_71 : vector<16xi32> to vector<16x1xi32>
      %parallel_loop3A_73 = vector.shape_cast %parallel_loop3A_72 : vector<16x1xi32> to vector<16xi32>
      %parallel_loop3A_74 = tpu.dynamic_gather %get3A_11[%parallel_loop3A_73] in [0] : vector<16xf32>, vector<16xi32> -> vector<16xf32>
      %parallel_loop3A_75 = vector.shape_cast %parallel_loop3A_71 : vector<16xi32> to vector<16x1xi32>
      %parallel_loop3A_76 = vector.shape_cast %parallel_loop3A_75 : vector<16x1xi32> to vector<16xi32>
      %parallel_loop3A_77 = tpu.dynamic_gather %get3A_14[%parallel_loop3A_76] in [0] : vector<16xf32>, vector<16xi32> -> vector<16xf32>
      %parallel_loop3A_78 = arith.constant 16 : i32
      %parallel_loop3A_79 = vector.broadcast %parallel_loop3A_78 : i32 to vector<16xi32>
      %parallel_loop3A_80 = arith.cmpi slt, %parallel_loop3A_68, %parallel_loop3A_79 : vector<16xi32>
      %parallel_loop3A_81 = arith.select %parallel_loop3A_80, %parallel_loop3A_74, %parallel_loop3A_77 : vector<16xi1>, vector<16xf32>
      %parallel_loop3A_82 = arith.constant 8 : i32
      %parallel_loop3A_83 = arith.muli %parallel_loop3A_34, %parallel_loop3A_82 : i32
      %parallel_loop3A_84 = arith.constant 0 : i32
      %parallel_loop3A_85 = arith.addi %parallel_loop3A_83, %parallel_loop3A_84 : i32
      %parallel_loop3A_86 = arith.index_cast %parallel_loop3A_85 : i32 to index
      %parallel_loop3A_87 = arith.constant 16 : index
      %parallel_loop3A_88 = tpu.vector_load %arg7[%parallel_loop3A_86, %parallel_loop3A_87] {strides = array<i32>} : memref<200x128xf32, #tpu.memory_space<vmem>>, vector<1x16xf32>,
      %parallel_loop3A_89 = vector.shape_cast %parallel_loop3A_88 : vector<1x16xf32> to vector<16xf32>
      %parallel_loop3A_90 = vector.shape_cast %parallel_loop3A_81 : vector<16xf32> to vector<1x16xf32>
      tpu.vector_store %arg7[%parallel_loop3A_86, %parallel_loop3A_87], %parallel_loop3A_90 {strides = array<i32>} : memref<200x128xf32, #tpu.memory_space<vmem>>, vector<1x16xf32>,
      %parallel_loop3A_91 = arith.constant 0 : i32
      %parallel_loop3A_92 = arith.index_cast %parallel_loop3A_34 : i32 to index
      %parallel_loop3A_93 = arith.index_cast %parallel_loop3A_91 : i32 to index
      %parallel_loop3A_94 = arith.constant 32 : index
      %parallel_loop3A_95 = tpu.vector_load %arg6[%parallel_loop3A_92, %parallel_loop3A_93, %parallel_loop3A_94] {strides = array<i32>} : memref<25x8x128xi32, #tpu.memory_space<vmem>>, vector<1x1x16xi32>,
      %parallel_loop3A_96 = vector.shape_cast %parallel_loop3A_95 : vector<1x1x16xi32> to vector<16xi32>
      %parallel_loop3A_97 = arith.constant 15 : i32
      %parallel_loop3A_98 = vector.broadcast %parallel_loop3A_97 : i32 to vector<16xi32>
      %parallel_loop3A_99 = arith.andi %parallel_loop3A_96, %parallel_loop3A_98 : vector<16xi32>
      %parallel_loop3A_100 = vector.shape_cast %parallel_loop3A_99 : vector<16xi32> to vector<16x1xi32>
      %parallel_loop3A_101 = vector.shape_cast %parallel_loop3A_100 : vector<16x1xi32> to vector<16xi32>
      %parallel_loop3A_102 = tpu.dynamic_gather %get3A_11[%parallel_loop3A_101] in [0] : vector<16xf32>, vector<16xi32> -> vector<16xf32>
      %parallel_loop3A_103 = vector.shape_cast %parallel_loop3A_99 : vector<16xi32> to vector<16x1xi32>
      %parallel_loop3A_104 = vector.shape_cast %parallel_loop3A_103 : vector<16x1xi32> to vector<16xi32>
      %parallel_loop3A_105 = tpu.dynamic_gather %get3A_14[%parallel_loop3A_104] in [0] : vector<16xf32>, vector<16xi32> -> vector<16xf32>
      %parallel_loop3A_106 = arith.constant 16 : i32
      %parallel_loop3A_107 = vector.broadcast %parallel_loop3A_106 : i32 to vector<16xi32>
      %parallel_loop3A_108 = arith.cmpi slt, %parallel_loop3A_96, %parallel_loop3A_107 : vector<16xi32>
      %parallel_loop3A_109 = arith.select %parallel_loop3A_108, %parallel_loop3A_102, %parallel_loop3A_105 : vector<16xi1>, vector<16xf32>
      %parallel_loop3A_110 = arith.constant 8 : i32
      %parallel_loop3A_111 = arith.muli %parallel_loop3A_34, %parallel_loop3A_110 : i32
      %parallel_loop3A_112 = arith.constant 0 : i32
      %parallel_loop3A_113 = arith.addi %parallel_loop3A_111, %parallel_loop3A_112 : i32
      %parallel_loop3A_114 = arith.index_cast %parallel_loop3A_113 : i32 to index
      %parallel_loop3A_115 = arith.constant 32 : index
      %parallel_loop3A_116 = tpu.vector_load %arg7[%parallel_loop3A_114, %parallel_loop3A_115] {strides = array<i32>} : memref<200x128xf32, #tpu.memory_space<vmem>>, vector<1x16xf32>,
      %parallel_loop3A_117 = vector.shape_cast %parallel_loop3A_116 : vector<1x16xf32> to vector<16xf32>
      %parallel_loop3A_118 = vector.shape_cast %parallel_loop3A_109 : vector<16xf32> to vector<1x16xf32>
      tpu.vector_store %arg7[%parallel_loop3A_114, %parallel_loop3A_115], %parallel_loop3A_118 {strides = array<i32>} : memref<200x128xf32, #tpu.memory_space<vmem>>, vector<1x16xf32>,
      %parallel_loop3A_119 = arith.constant 0 : i32
      %parallel_loop3A_120 = arith.index_cast %parallel_loop3A_34 : i32 to index
      %parallel_loop3A_121 = arith.index_cast %parallel_loop3A_119 : i32 to index
      %parallel_loop3A_122 = arith.constant 48 : index
      %parallel_loop3A_123 = tpu.vector_load %arg6[%parallel_loop3A_120, %parallel_loop3A_121, %parallel_loop3A_122] {strides = array<i32>} : memref<25x8x128xi32, #tpu.memory_space<vmem>>, vector<1x1x16xi32>,
      %parallel_loop3A_124 = vector.shape_cast %parallel_loop3A_123 : vector<1x1x16xi32> to vector<16xi32>
      %parallel_loop3A_125 = arith.constant 15 : i32
      %parallel_loop3A_126 = vector.broadcast %parallel_loop3A_125 : i32 to vector<16xi32>
      %parallel_loop3A_127 = arith.andi %parallel_loop3A_124, %parallel_loop3A_126 : vector<16xi32>
      %parallel_loop3A_128 = vector.shape_cast %parallel_loop3A_127 : vector<16xi32> to vector<16x1xi32>
      %parallel_loop3A_129 = vector.shape_cast %parallel_loop3A_128 : vector<16x1xi32> to vector<16xi32>
      %parallel_loop3A_130 = tpu.dynamic_gather %get3A_11[%parallel_loop3A_129] in [0] : vector<16xf32>, vector<16xi32> -> vector<16xf32>
      %parallel_loop3A_131 = vector.shape_cast %parallel_loop3A_127 : vector<16xi32> to vector<16x1xi32>
      %parallel_loop3A_132 = vector.shape_cast %parallel_loop3A_131 : vector<16x1xi32> to vector<16xi32>
      %parallel_loop3A_133 = tpu.dynamic_gather %get3A_14[%parallel_loop3A_132] in [0] : vector<16xf32>, vector<16xi32> -> vector<16xf32>
      %parallel_loop3A_134 = arith.constant 16 : i32
      %parallel_loop3A_135 = vector.broadcast %parallel_loop3A_134 : i32 to vector<16xi32>
      %parallel_loop3A_136 = arith.cmpi slt, %parallel_loop3A_124, %parallel_loop3A_135 : vector<16xi32>
      %parallel_loop3A_137 = arith.select %parallel_loop3A_136, %parallel_loop3A_130, %parallel_loop3A_133 : vector<16xi1>, vector<16xf32>
      %parallel_loop3A_138 = arith.constant 8 : i32
      %parallel_loop3A_139 = arith.muli %parallel_loop3A_34, %parallel_loop3A_138 : i32
      %parallel_loop3A_140 = arith.constant 0 : i32
      %parallel_loop3A_141 = arith.addi %parallel_loop3A_139, %parallel_loop3A_140 : i32
      %parallel_loop3A_142 = arith.index_cast %parallel_loop3A_141 : i32 to index
      %parallel_loop3A_143 = arith.constant 48 : index
      %parallel_loop3A_144 = tpu.vector_load %arg7[%parallel_loop3A_142, %parallel_loop3A_143] {strides = array<i32>} : memref<200x128xf32, #tpu.memory_space<vmem>>, vector<1x16xf32>,
      %parallel_loop3A_145 = vector.shape_cast %parallel_loop3A_144 : vector<1x16xf32> to vector<16xf32>
      %parallel_loop3A_146 = vector.shape_cast %parallel_loop3A_137 : vector<16xf32> to vector<1x16xf32>
      tpu.vector_store %arg7[%parallel_loop3A_142, %parallel_loop3A_143], %parallel_loop3A_146 {strides = array<i32>} : memref<200x128xf32, #tpu.memory_space<vmem>>, vector<1x16xf32>,
      %parallel_loop3A_147 = arith.constant 0 : i32
      %parallel_loop3A_148 = arith.index_cast %parallel_loop3A_34 : i32 to index
      %parallel_loop3A_149 = arith.index_cast %parallel_loop3A_147 : i32 to index
      %parallel_loop3A_150 = arith.constant 64 : index
      %parallel_loop3A_151 = tpu.vector_load %arg6[%parallel_loop3A_148, %parallel_loop3A_149, %parallel_loop3A_150] {strides = array<i32>} : memref<25x8x128xi32, #tpu.memory_space<vmem>>, vector<1x1x16xi32>,
      %parallel_loop3A_152 = vector.shape_cast %parallel_loop3A_151 : vector<1x1x16xi32> to vector<16xi32>
      %parallel_loop3A_153 = arith.constant 15 : i32
      %parallel_loop3A_154 = vector.broadcast %parallel_loop3A_153 : i32 to vector<16xi32>
      %parallel_loop3A_155 = arith.andi %parallel_loop3A_152, %parallel_loop3A_154 : vector<16xi32>
      %parallel_loop3A_156 = vector.shape_cast %parallel_loop3A_155 : vector<16xi32> to vector<16x1xi32>
      %parallel_loop3A_157 = vector.shape_cast %parallel_loop3A_156 : vector<16x1xi32> to vector<16xi32>
      %parallel_loop3A_158 = tpu.dynamic_gather %get3A_11[%parallel_loop3A_157] in [0] : vector<16xf32>, vector<16xi32> -> vector<16xf32>
      %parallel_loop3A_159 = vector.shape_cast %parallel_loop3A_155 : vector<16xi32> to vector<16x1xi32>
      %parallel_loop3A_160 = vector.shape_cast %parallel_loop3A_159 : vector<16x1xi32> to vector<16xi32>
      %parallel_loop3A_161 = tpu.dynamic_gather %get3A_14[%parallel_loop3A_160] in [0] : vector<16xf32>, vector<16xi32> -> vector<16xf32>
      %parallel_loop3A_162 = arith.constant 16 : i32
      %parallel_loop3A_163 = vector.broadcast %parallel_loop3A_162 : i32 to vector<16xi32>
      %parallel_loop3A_164 = arith.cmpi slt, %parallel_loop3A_152, %parallel_loop3A_163 : vector<16xi32>
      %parallel_loop3A_165 = arith.select %parallel_loop3A_164, %parallel_loop3A_158, %parallel_loop3A_161 : vector<16xi1>, vector<16xf32>
      %parallel_loop3A_166 = arith.constant 8 : i32
      %parallel_loop3A_167 = arith.muli %parallel_loop3A_34, %parallel_loop3A_166 : i32
      %parallel_loop3A_168 = arith.constant 0 : i32
      %parallel_loop3A_169 = arith.addi %parallel_loop3A_167, %parallel_loop3A_168 : i32
      %parallel_loop3A_170 = arith.index_cast %parallel_loop3A_169 : i32 to index
      %parallel_loop3A_171 = arith.constant 64 : index
      %parallel_loop3A_172 = tpu.vector_load %arg7[%parallel_loop3A_170, %parallel_loop3A_171] {strides = array<i32>} : memref<200x128xf32, #tpu.memory_space<vmem>>, vector<1x16xf32>,
      %parallel_loop3A_173 = vector.shape_cast %parallel_loop3A_172 : vector<1x16xf32> to vector<16xf32>
      %parallel_loop3A_174 = vector.shape_cast %parallel_loop3A_165 : vector<16xf32> to vector<1x16xf32>
      tpu.vector_store %arg7[%parallel_loop3A_170, %parallel_loop3A_171], %parallel_loop3A_174 {strides = array<i32>} : memref<200x128xf32, #tpu.memory_space<vmem>>, vector<1x16xf32>,
      %parallel_loop3A_175 = arith.constant 0 : i32
      %parallel_loop3A_176 = arith.index_cast %parallel_loop3A_34 : i32 to index
      %parallel_loop3A_177 = arith.index_cast %parallel_loop3A_175 : i32 to index
      %parallel_loop3A_178 = arith.constant 80 : index
      %parallel_loop3A_179 = tpu.vector_load %arg6[%parallel_loop3A_176, %parallel_loop3A_177, %parallel_loop3A_178] {strides = array<i32>} : memref<25x8x128xi32, #tpu.memory_space<vmem>>, vector<1x1x16xi32>,
      %parallel_loop3A_180 = vector.shape_cast %parallel_loop3A_179 : vector<1x1x16xi32> to vector<16xi32>
      %parallel_loop3A_181 = arith.constant 15 : i32
      %parallel_loop3A_182 = vector.broadcast %parallel_loop3A_181 : i32 to vector<16xi32>
      %parallel_loop3A_183 = arith.andi %parallel_loop3A_180, %parallel_loop3A_182 : vector<16xi32>
      %parallel_loop3A_184 = vector.shape_cast %parallel_loop3A_183 : vector<16xi32> to vector<16x1xi32>
      %parallel_loop3A_185 = vector.shape_cast %parallel_loop3A_184 : vector<16x1xi32> to vector<16xi32>
      %parallel_loop3A_186 = tpu.dynamic_gather %get3A_11[%parallel_loop3A_185] in [0] : vector<16xf32>, vector<16xi32> -> vector<16xf32>
      %parallel_loop3A_187 = vector.shape_cast %parallel_loop3A_183 : vector<16xi32> to vector<16x1xi32>
      %parallel_loop3A_188 = vector.shape_cast %parallel_loop3A_187 : vector<16x1xi32> to vector<16xi32>
      %parallel_loop3A_189 = tpu.dynamic_gather %get3A_14[%parallel_loop3A_188] in [0] : vector<16xf32>, vector<16xi32> -> vector<16xf32>
      %parallel_loop3A_190 = arith.constant 16 : i32
      %parallel_loop3A_191 = vector.broadcast %parallel_loop3A_190 : i32 to vector<16xi32>
      %parallel_loop3A_192 = arith.cmpi slt, %parallel_loop3A_180, %parallel_loop3A_191 : vector<16xi32>
      %parallel_loop3A_193 = arith.select %parallel_loop3A_192, %parallel_loop3A_186, %parallel_loop3A_189 : vector<16xi1>, vector<16xf32>
      %parallel_loop3A_194 = arith.constant 8 : i32
      %parallel_loop3A_195 = arith.muli %parallel_loop3A_34, %parallel_loop3A_194 : i32
      %parallel_loop3A_196 = arith.constant 0 : i32
      %parallel_loop3A_197 = arith.addi %parallel_loop3A_195, %parallel_loop3A_196 : i32
      %parallel_loop3A_198 = arith.index_cast %parallel_loop3A_197 : i32 to index
      %parallel_loop3A_199 = arith.constant 80 : index
      %parallel_loop3A_200 = tpu.vector_load %arg7[%parallel_loop3A_198, %parallel_loop3A_199] {strides = array<i32>} : memref<200x128xf32, #tpu.memory_space<vmem>>, vector<1x16xf32>,
      %parallel_loop3A_201 = vector.shape_cast %parallel_loop3A_200 : vector<1x16xf32> to vector<16xf32>
      %parallel_loop3A_202 = vector.shape_cast %parallel_loop3A_193 : vector<16xf32> to vector<1x16xf32>
      tpu.vector_store %arg7[%parallel_loop3A_198, %parallel_loop3A_199], %parallel_loop3A_202 {strides = array<i32>} : memref<200x128xf32, #tpu.memory_space<vmem>>, vector<1x16xf32>,
      %parallel_loop3A_203 = arith.constant 0 : i32
      %parallel_loop3A_204 = arith.index_cast %parallel_loop3A_34 : i32 to index
      %parallel_loop3A_205 = arith.index_cast %parallel_loop3A_203 : i32 to index
      %parallel_loop3A_206 = arith.constant 96 : index
      %parallel_loop3A_207 = tpu.vector_load %arg6[%parallel_loop3A_204, %parallel_loop3A_205, %parallel_loop3A_206] {strides = array<i32>} : memref<25x8x128xi32, #tpu.memory_space<vmem>>, vector<1x1x16xi32>,
      %parallel_loop3A_208 = vector.shape_cast %parallel_loop3A_207 : vector<1x1x16xi32> to vector<16xi32>
      %parallel_loop3A_209 = arith.constant 15 : i32
      %parallel_loop3A_210 = vector.broadcast %parallel_loop3A_209 : i32 to vector<16xi32>
      %parallel_loop3A_211 = arith.andi %parallel_loop3A_208, %parallel_loop3A_210 : vector<16xi32>
      %parallel_loop3A_212 = vector.shape_cast %parallel_loop3A_211 : vector<16xi32> to vector<16x1xi32>
      %parallel_loop3A_213 = vector.shape_cast %parallel_loop3A_212 : vector<16x1xi32> to vector<16xi32>
      %parallel_loop3A_214 = tpu.dynamic_gather %get3A_11[%parallel_loop3A_213] in [0] : vector<16xf32>, vector<16xi32> -> vector<16xf32>
      %parallel_loop3A_215 = vector.shape_cast %parallel_loop3A_211 : vector<16xi32> to vector<16x1xi32>
      %parallel_loop3A_216 = vector.shape_cast %parallel_loop3A_215 : vector<16x1xi32> to vector<16xi32>
      %parallel_loop3A_217 = tpu.dynamic_gather %get3A_14[%parallel_loop3A_216] in [0] : vector<16xf32>, vector<16xi32> -> vector<16xf32>
      %parallel_loop3A_218 = arith.constant 16 : i32
      %parallel_loop3A_219 = vector.broadcast %parallel_loop3A_218 : i32 to vector<16xi32>
      %parallel_loop3A_220 = arith.cmpi slt, %parallel_loop3A_208, %parallel_loop3A_219 : vector<16xi32>
      %parallel_loop3A_221 = arith.select %parallel_loop3A_220, %parallel_loop3A_214, %parallel_loop3A_217 : vector<16xi1>, vector<16xf32>
      %parallel_loop3A_222 = arith.constant 8 : i32
      %parallel_loop3A_223 = arith.muli %parallel_loop3A_34, %parallel_loop3A_222 : i32
      %parallel_loop3A_224 = arith.constant 0 : i32
      %parallel_loop3A_225 = arith.addi %parallel_loop3A_223, %parallel_loop3A_224 : i32
      %parallel_loop3A_226 = arith.index_cast %parallel_loop3A_225 : i32 to index
      %parallel_loop3A_227 = arith.constant 96 : index
      %parallel_loop3A_228 = tpu.vector_load %arg7[%parallel_loop3A_226, %parallel_loop3A_227] {strides = array<i32>} : memref<200x128xf32, #tpu.memory_space<vmem>>, vector<1x16xf32>,
      %parallel_loop3A_229 = vector.shape_cast %parallel_loop3A_228 : vector<1x16xf32> to vector<16xf32>
      %parallel_loop3A_230 = vector.shape_cast %parallel_loop3A_221 : vector<16xf32> to vector<1x16xf32>
      tpu.vector_store %arg7[%parallel_loop3A_226, %parallel_loop3A_227], %parallel_loop3A_230 {strides = array<i32>} : memref<200x128xf32, #tpu.memory_space<vmem>>, vector<1x16xf32>,
      %parallel_loop3A_231 = arith.constant 0 : i32
      %parallel_loop3A_232 = arith.index_cast %parallel_loop3A_34 : i32 to index
      %parallel_loop3A_233 = arith.index_cast %parallel_loop3A_231 : i32 to index
      %parallel_loop3A_234 = arith.constant 112 : index
      %parallel_loop3A_235 = tpu.vector_load %arg6[%parallel_loop3A_232, %parallel_loop3A_233, %parallel_loop3A_234] {strides = array<i32>} : memref<25x8x128xi32, #tpu.memory_space<vmem>>, vector<1x1x16xi32>,
      %parallel_loop3A_236 = vector.shape_cast %parallel_loop3A_235 : vector<1x1x16xi32> to vector<16xi32>
      %parallel_loop3A_237 = arith.constant 15 : i32
      %parallel_loop3A_238 = vector.broadcast %parallel_loop3A_237 : i32 to vector<16xi32>
      %parallel_loop3A_239 = arith.andi %parallel_loop3A_236, %parallel_loop3A_238 : vector<16xi32>
      %parallel_loop3A_240 = vector.shape_cast %parallel_loop3A_239 : vector<16xi32> to vector<16x1xi32>
      %parallel_loop3A_241 = vector.shape_cast %parallel_loop3A_240 : vector<16x1xi32> to vector<16xi32>
      %parallel_loop3A_242 = tpu.dynamic_gather %get3A_11[%parallel_loop3A_241] in [0] : vector<16xf32>, vector<16xi32> -> vector<16xf32>
      %parallel_loop3A_243 = vector.shape_cast %parallel_loop3A_239 : vector<16xi32> to vector<16x1xi32>
      %parallel_loop3A_244 = vector.shape_cast %parallel_loop3A_243 : vector<16x1xi32> to vector<16xi32>
      %parallel_loop3A_245 = tpu.dynamic_gather %get3A_14[%parallel_loop3A_244] in [0] : vector<16xf32>, vector<16xi32> -> vector<16xf32>
      %parallel_loop3A_246 = arith.constant 16 : i32
      %parallel_loop3A_247 = vector.broadcast %parallel_loop3A_246 : i32 to vector<16xi32>
      %parallel_loop3A_248 = arith.cmpi slt, %parallel_loop3A_236, %parallel_loop3A_247 : vector<16xi32>
      %parallel_loop3A_249 = arith.select %parallel_loop3A_248, %parallel_loop3A_242, %parallel_loop3A_245 : vector<16xi1>, vector<16xf32>
      %parallel_loop3A_250 = arith.constant 8 : i32
      %parallel_loop3A_251 = arith.muli %parallel_loop3A_34, %parallel_loop3A_250 : i32
      %parallel_loop3A_252 = arith.constant 0 : i32
      %parallel_loop3A_253 = arith.addi %parallel_loop3A_251, %parallel_loop3A_252 : i32
      %parallel_loop3A_254 = arith.index_cast %parallel_loop3A_253 : i32 to index
      %parallel_loop3A_255 = arith.constant 112 : index
      %parallel_loop3A_256 = tpu.vector_load %arg7[%parallel_loop3A_254, %parallel_loop3A_255] {strides = array<i32>} : memref<200x128xf32, #tpu.memory_space<vmem>>, vector<1x16xf32>,
      %parallel_loop3A_257 = vector.shape_cast %parallel_loop3A_256 : vector<1x16xf32> to vector<16xf32>
      %parallel_loop3A_258 = vector.shape_cast %parallel_loop3A_249 : vector<16xf32> to vector<1x16xf32>
      tpu.vector_store %arg7[%parallel_loop3A_254, %parallel_loop3A_255], %parallel_loop3A_258 {strides = array<i32>} : memref<200x128xf32, #tpu.memory_space<vmem>>, vector<1x16xf32>,
      %parallel_loop3A_259 = arith.constant 1 : i32
      %parallel_loop3A_260 = arith.index_cast %parallel_loop3A_34 : i32 to index
      %parallel_loop3A_261 = arith.index_cast %parallel_loop3A_259 : i32 to index
      %parallel_loop3A_262 = arith.constant 0 : index
      %parallel_loop3A_263 = tpu.vector_load %arg6[%parallel_loop3A_260, %parallel_loop3A_261, %parallel_loop3A_262] {strides = array<i32>} : memref<25x8x128xi32, #tpu.memory_space<vmem>>, vector<1x1x16xi32>,
      %parallel_loop3A_264 = vector.shape_cast %parallel_loop3A_263 : vector<1x1x16xi32> to vector<16xi32>
      %parallel_loop3A_265 = arith.constant 15 : i32
      %parallel_loop3A_266 = vector.broadcast %parallel_loop3A_265 : i32 to vector<16xi32>
      %parallel_loop3A_267 = arith.andi %parallel_loop3A_264, %parallel_loop3A_266 : vector<16xi32>
      %parallel_loop3A_268 = vector.shape_cast %parallel_loop3A_267 : vector<16xi32> to vector<16x1xi32>
      %parallel_loop3A_269 = vector.shape_cast %parallel_loop3A_268 : vector<16x1xi32> to vector<16xi32>
      %parallel_loop3A_270 = tpu.dynamic_gather %get3A_11[%parallel_loop3A_269] in [0] : vector<16xf32>, vector<16xi32> -> vector<16xf32>
      %parallel_loop3A_271 = vector.shape_cast %parallel_loop3A_267 : vector<16xi32> to vector<16x1xi32>
      %parallel_loop3A_272 = vector.shape_cast %parallel_loop3A_271 : vector<16x1xi32> to vector<16xi32>
      %parallel_loop3A_273 = tpu.dynamic_gather %get3A_14[%parallel_loop3A_272] in [0] : vector<16xf32>, vector<16xi32> -> vector<16xf32>
      %parallel_loop3A_274 = arith.constant 16 : i32
      %parallel_loop3A_275 = vector.broadcast %parallel_loop3A_274 : i32 to vector<16xi32>
      %parallel_loop3A_276 = arith.cmpi slt, %parallel_loop3A_264, %parallel_loop3A_275 : vector<16xi32>
      %parallel_loop3A_277 = arith.select %parallel_loop3A_276, %parallel_loop3A_270, %parallel_loop3A_273 : vector<16xi1>, vector<16xf32>
      %parallel_loop3A_278 = arith.constant 8 : i32
      %parallel_loop3A_279 = arith.muli %parallel_loop3A_34, %parallel_loop3A_278 : i32
      %parallel_loop3A_280 = arith.constant 1 : i32
      %parallel_loop3A_281 = arith.addi %parallel_loop3A_279, %parallel_loop3A_280 : i32
      %parallel_loop3A_282 = arith.index_cast %parallel_loop3A_281 : i32 to index
      %parallel_loop3A_283 = arith.constant 0 : index
      %parallel_loop3A_284 = tpu.vector_load %arg7[%parallel_loop3A_282, %parallel_loop3A_283] {strides = array<i32>} : memref<200x128xf32, #tpu.memory_space<vmem>>, vector<1x16xf32>,
      %parallel_loop3A_285 = vector.shape_cast %parallel_loop3A_284 : vector<1x16xf32> to vector<16xf32>
      %parallel_loop3A_286 = vector.shape_cast %parallel_loop3A_277 : vector<16xf32> to vector<1x16xf32>
      tpu.vector_store %arg7[%parallel_loop3A_282, %parallel_loop3A_283], %parallel_loop3A_286 {strides = array<i32>} : memref<200x128xf32, #tpu.memory_space<vmem>>, vector<1x16xf32>,
      %parallel_loop3A_287 = arith.constant 1 : i32
      %parallel_loop3A_288 = arith.index_cast %parallel_loop3A_34 : i32 to index
      %parallel_loop3A_289 = arith.index_cast %parallel_loop3A_287 : i32 to index
      %parallel_loop3A_290 = arith.constant 16 : index
      %parallel_loop3A_291 = tpu.vector_load %arg6[%parallel_loop3A_288, %parallel_loop3A_289, %parallel_loop3A_290] {strides = array<i32>} : memref<25x8x128xi32, #tpu.memory_space<vmem>>, vector<1x1x16xi32>,
      %parallel_loop3A_292 = vector.shape_cast %parallel_loop3A_291 : vector<1x1x16xi32> to vector<16xi32>
      %parallel_loop3A_293 = arith.constant 15 : i32
      %parallel_loop3A_294 = vector.broadcast %parallel_loop3A_293 : i32 to vector<16xi32>
      %parallel_loop3A_295 = arith.andi %parallel_loop3A_292, %parallel_loop3A_294 : vector<16xi32>
      %parallel_loop3A_296 = vector.shape_cast %parallel_loop3A_295 : vector<16xi32> to vector<16x1xi32>
      %parallel_loop3A_297 = vector.shape_cast %parallel_loop3A_296 : vector<16x1xi32> to vector<16xi32>
      %parallel_loop3A_298 = tpu.dynamic_gather %get3A_11[%parallel_loop3A_297] in [0] : vector<16xf32>, vector<16xi32> -> vector<16xf32>
      %parallel_loop3A_299 = vector.shape_cast %parallel_loop3A_295 : vector<16xi32> to vector<16x1xi32>
      %parallel_loop3A_300 = vector.shape_cast %parallel_loop3A_299 : vector<16x1xi32> to vector<16xi32>
      %parallel_loop3A_301 = tpu.dynamic_gather %get3A_14[%parallel_loop3A_300] in [0] : vector<16xf32>, vector<16xi32> -> vector<16xf32>
      %parallel_loop3A_302 = arith.constant 16 : i32
      %parallel_loop3A_303 = vector.broadcast %parallel_loop3A_302 : i32 to vector<16xi32>
      %parallel_loop3A_304 = arith.cmpi slt, %parallel_loop3A_292, %parallel_loop3A_303 : vector<16xi32>
      %parallel_loop3A_305 = arith.select %parallel_loop3A_304, %parallel_loop3A_298, %parallel_loop3A_301 : vector<16xi1>, vector<16xf32>
      %parallel_loop3A_306 = arith.constant 8 : i32
      %parallel_loop3A_307 = arith.muli %parallel_loop3A_34, %parallel_loop3A_306 : i32
      %parallel_loop3A_308 = arith.constant 1 : i32
      %parallel_loop3A_309 = arith.addi %parallel_loop3A_307, %parallel_loop3A_308 : i32
      %parallel_loop3A_310 = arith.index_cast %parallel_loop3A_309 : i32 to index
      %parallel_loop3A_311 = arith.constant 16 : index
      %parallel_loop3A_312 = tpu.vector_load %arg7[%parallel_loop3A_310, %parallel_loop3A_311] {strides = array<i32>} : memref<200x128xf32, #tpu.memory_space<vmem>>, vector<1x16xf32>,
      %parallel_loop3A_313 = vector.shape_cast %parallel_loop3A_312 : vector<1x16xf32> to vector<16xf32>
      %parallel_loop3A_314 = vector.shape_cast %parallel_loop3A_305 : vector<16xf32> to vector<1x16xf32>
      tpu.vector_store %arg7[%parallel_loop3A_310, %parallel_loop3A_311], %parallel_loop3A_314 {strides = array<i32>} : memref<200x128xf32, #tpu.memory_space<vmem>>, vector<1x16xf32>,
      %parallel_loop3A_315 = arith.constant 1 : i32
      %parallel_loop3A_316 = arith.index_cast %parallel_loop3A_34 : i32 to index
      %parallel_loop3A_317 = arith.index_cast %parallel_loop3A_315 : i32 to index
      %parallel_loop3A_318 = arith.constant 32 : index
      %parallel_loop3A_319 = tpu.vector_load %arg6[%parallel_loop3A_316, %parallel_loop3A_317, %parallel_loop3A_318] {strides = array<i32>} : memref<25x8x128xi32, #tpu.memory_space<vmem>>, vector<1x1x16xi32>,
      %parallel_loop3A_320 = vector.shape_cast %parallel_loop3A_319 : vector<1x1x16xi32> to vector<16xi32>
      %parallel_loop3A_321 = arith.constant 15 : i32
      %parallel_loop3A_322 = vector.broadcast %parallel_loop3A_321 : i32 to vector<16xi32>
      %parallel_loop3A_323 = arith.andi %parallel_loop3A_320, %parallel_loop3A_322 : vector<16xi32>
      %parallel_loop3A_324 = vector.shape_cast %parallel_loop3A_323 : vector<16xi32> to vector<16x1xi32>
      %parallel_loop3A_325 = vector.shape_cast %parallel_loop3A_324 : vector<16x1xi32> to vector<16xi32>
      %parallel_loop3A_326 = tpu.dynamic_gather %get3A_11[%parallel_loop3A_325] in [0] : vector<16xf32>, vector<16xi32> -> vector<16xf32>
      %parallel_loop3A_327 = vector.shape_cast %parallel_loop3A_323 : vector<16xi32> to vector<16x1xi32>
      %parallel_loop3A_328 = vector.shape_cast %parallel_loop3A_327 : vector<16x1xi32> to vector<16xi32>
      %parallel_loop3A_329 = tpu.dynamic_gather %get3A_14[%parallel_loop3A_328] in [0] : vector<16xf32>, vector<16xi32> -> vector<16xf32>
      %parallel_loop3A_330 = arith.constant 16 : i32
      %parallel_loop3A_331 = vector.broadcast %parallel_loop3A_330 : i32 to vector<16xi32>
      %parallel_loop3A_332 = arith.cmpi slt, %parallel_loop3A_320, %parallel_loop3A_331 : vector<16xi32>
      %parallel_loop3A_333 = arith.select %parallel_loop3A_332, %parallel_loop3A_326, %parallel_loop3A_329 : vector<16xi1>, vector<16xf32>
      %parallel_loop3A_334 = arith.constant 8 : i32
      %parallel_loop3A_335 = arith.muli %parallel_loop3A_34, %parallel_loop3A_334 : i32
      %parallel_loop3A_336 = arith.constant 1 : i32
      %parallel_loop3A_337 = arith.addi %parallel_loop3A_335, %parallel_loop3A_336 : i32
      %parallel_loop3A_338 = arith.index_cast %parallel_loop3A_337 : i32 to index
      %parallel_loop3A_339 = arith.constant 32 : index
      %parallel_loop3A_340 = tpu.vector_load %arg7[%parallel_loop3A_338, %parallel_loop3A_339] {strides = array<i32>} : memref<200x128xf32, #tpu.memory_space<vmem>>, vector<1x16xf32>,
      %parallel_loop3A_341 = vector.shape_cast %parallel_loop3A_340 : vector<1x16xf32> to vector<16xf32>
      %parallel_loop3A_342 = vector.shape_cast %parallel_loop3A_333 : vector<16xf32> to vector<1x16xf32>
      tpu.vector_store %arg7[%parallel_loop3A_338, %parallel_loop3A_339], %parallel_loop3A_342 {strides = array<i32>} : memref<200x128xf32, #tpu.memory_space<vmem>>, vector<1x16xf32>,
      %parallel_loop3A_343 = arith.constant 1 : i32
      %parallel_loop3A_344 = arith.index_cast %parallel_loop3A_34 : i32 to index
      %parallel_loop3A_345 = arith.index_cast %parallel_loop3A_343 : i32 to index
      %parallel_loop3A_346 = arith.constant 48 : index
      %parallel_loop3A_347 = tpu.vector_load %arg6[%parallel_loop3A_344, %parallel_loop3A_345, %parallel_loop3A_346] {strides = array<i32>} : memref<25x8x128xi32, #tpu.memory_space<vmem>>, vector<1x1x16xi32>,
      %parallel_loop3A_348 = vector.shape_cast %parallel_loop3A_347 : vector<1x1x16xi32> to vector<16xi32>
      %parallel_loop3A_349 = arith.constant 15 : i32
      %parallel_loop3A_350 = vector.broadcast %parallel_loop3A_349 : i32 to vector<16xi32>
      %parallel_loop3A_351 = arith.andi %parallel_loop3A_348, %parallel_loop3A_350 : vector<16xi32>
      %parallel_loop3A_352 = vector.shape_cast %parallel_loop3A_351 : vector<16xi32> to vector<16x1xi32>
      %parallel_loop3A_353 = vector.shape_cast %parallel_loop3A_352 : vector<16x1xi32> to vector<16xi32>
      %parallel_loop3A_354 = tpu.dynamic_gather %get3A_11[%parallel_loop3A_353] in [0] : vector<16xf32>, vector<16xi32> -> vector<16xf32>
      %parallel_loop3A_355 = vector.shape_cast %parallel_loop3A_351 : vector<16xi32> to vector<16x1xi32>
      %parallel_loop3A_356 = vector.shape_cast %parallel_loop3A_355 : vector<16x1xi32> to vector<16xi32>
      %parallel_loop3A_357 = tpu.dynamic_gather %get3A_14[%parallel_loop3A_356] in [0] : vector<16xf32>, vector<16xi32> -> vector<16xf32>
      %parallel_loop3A_358 = arith.constant 16 : i32
      %parallel_loop3A_359 = vector.broadcast %parallel_loop3A_358 : i32 to vector<16xi32>
      %parallel_loop3A_360 = arith.cmpi slt, %parallel_loop3A_348, %parallel_loop3A_359 : vector<16xi32>
      %parallel_loop3A_361 = arith.select %parallel_loop3A_360, %parallel_loop3A_354, %parallel_loop3A_357 : vector<16xi1>, vector<16xf32>
      %parallel_loop3A_362 = arith.constant 8 : i32
      %parallel_loop3A_363 = arith.muli %parallel_loop3A_34, %parallel_loop3A_362 : i32
      %parallel_loop3A_364 = arith.constant 1 : i32
      %parallel_loop3A_365 = arith.addi %parallel_loop3A_363, %parallel_loop3A_364 : i32
      %parallel_loop3A_366 = arith.index_cast %parallel_loop3A_365 : i32 to index
      %parallel_loop3A_367 = arith.constant 48 : index
      %parallel_loop3A_368 = tpu.vector_load %arg7[%parallel_loop3A_366, %parallel_loop3A_367] {strides = array<i32>} : memref<200x128xf32, #tpu.memory_space<vmem>>, vector<1x16xf32>,
      %parallel_loop3A_369 = vector.shape_cast %parallel_loop3A_368 : vector<1x16xf32> to vector<16xf32>
      %parallel_loop3A_370 = vector.shape_cast %parallel_loop3A_361 : vector<16xf32> to vector<1x16xf32>
      tpu.vector_store %arg7[%parallel_loop3A_366, %parallel_loop3A_367], %parallel_loop3A_370 {strides = array<i32>} : memref<200x128xf32, #tpu.memory_space<vmem>>, vector<1x16xf32>,
      %parallel_loop3A_371 = arith.constant 1 : i32
      %parallel_loop3A_372 = arith.index_cast %parallel_loop3A_34 : i32 to index
      %parallel_loop3A_373 = arith.index_cast %parallel_loop3A_371 : i32 to index
      %parallel_loop3A_374 = arith.constant 64 : index
      %parallel_loop3A_375 = tpu.vector_load %arg6[%parallel_loop3A_372, %parallel_loop3A_373, %parallel_loop3A_374] {strides = array<i32>} : memref<25x8x128xi32, #tpu.memory_space<vmem>>, vector<1x1x16xi32>,
      %parallel_loop3A_376 = vector.shape_cast %parallel_loop3A_375 : vector<1x1x16xi32> to vector<16xi32>
      %parallel_loop3A_377 = arith.constant 15 : i32
      %parallel_loop3A_378 = vector.broadcast %parallel_loop3A_377 : i32 to vector<16xi32>
      %parallel_loop3A_379 = arith.andi %parallel_loop3A_376, %parallel_loop3A_378 : vector<16xi32>
      %parallel_loop3A_380 = vector.shape_cast %parallel_loop3A_379 : vector<16xi32> to vector<16x1xi32>
      %parallel_loop3A_381 = vector.shape_cast %parallel_loop3A_380 : vector<16x1xi32> to vector<16xi32>
      %parallel_loop3A_382 = tpu.dynamic_gather %get3A_11[%parallel_loop3A_381] in [0] : vector<16xf32>, vector<16xi32> -> vector<16xf32>
      %parallel_loop3A_383 = vector.shape_cast %parallel_loop3A_379 : vector<16xi32> to vector<16x1xi32>
      %parallel_loop3A_384 = vector.shape_cast %parallel_loop3A_383 : vector<16x1xi32> to vector<16xi32>
      %parallel_loop3A_385 = tpu.dynamic_gather %get3A_14[%parallel_loop3A_384] in [0] : vector<16xf32>, vector<16xi32> -> vector<16xf32>
      %parallel_loop3A_386 = arith.constant 16 : i32
      %parallel_loop3A_387 = vector.broadcast %parallel_loop3A_386 : i32 to vector<16xi32>
      %parallel_loop3A_388 = arith.cmpi slt, %parallel_loop3A_376, %parallel_loop3A_387 : vector<16xi32>
      %parallel_loop3A_389 = arith.select %parallel_loop3A_388, %parallel_loop3A_382, %parallel_loop3A_385 : vector<16xi1>, vector<16xf32>
      %parallel_loop3A_390 = arith.constant 8 : i32
      %parallel_loop3A_391 = arith.muli %parallel_loop3A_34, %parallel_loop3A_390 : i32
      %parallel_loop3A_392 = arith.constant 1 : i32
      %parallel_loop3A_393 = arith.addi %parallel_loop3A_391, %parallel_loop3A_392 : i32
      %parallel_loop3A_394 = arith.index_cast %parallel_loop3A_393 : i32 to index
      %parallel_loop3A_395 = arith.constant 64 : index
      %parallel_loop3A_396 = tpu.vector_load %arg7[%parallel_loop3A_394, %parallel_loop3A_395] {strides = array<i32>} : memref<200x128xf32, #tpu.memory_space<vmem>>, vector<1x16xf32>,
      %parallel_loop3A_397 = vector.shape_cast %parallel_loop3A_396 : vector<1x16xf32> to vector<16xf32>
      %parallel_loop3A_398 = vector.shape_cast %parallel_loop3A_389 : vector<16xf32> to vector<1x16xf32>
      tpu.vector_store %arg7[%parallel_loop3A_394, %parallel_loop3A_395], %parallel_loop3A_398 {strides = array<i32>} : memref<200x128xf32, #tpu.memory_space<vmem>>, vector<1x16xf32>,
      %parallel_loop3A_399 = arith.constant 1 : i32
      %parallel_loop3A_400 = arith.index_cast %parallel_loop3A_34 : i32 to index
      %parallel_loop3A_401 = arith.index_cast %parallel_loop3A_399 : i32 to index
      %parallel_loop3A_402 = arith.constant 80 : index
      %parallel_loop3A_403 = tpu.vector_load %arg6[%parallel_loop3A_400, %parallel_loop3A_401, %parallel_loop3A_402] {strides = array<i32>} : memref<25x8x128xi32, #tpu.memory_space<vmem>>, vector<1x1x16xi32>,
      %parallel_loop3A_404 = vector.shape_cast %parallel_loop3A_403 : vector<1x1x16xi32> to vector<16xi32>
      %parallel_loop3A_405 = arith.constant 15 : i32
      %parallel_loop3A_406 = vector.broadcast %parallel_loop3A_405 : i32 to vector<16xi32>
      %parallel_loop3A_407 = arith.andi %parallel_loop3A_404, %parallel_loop3A_406 : vector<16xi32>
      %parallel_loop3A_408 = vector.shape_cast %parallel_loop3A_407 : vector<16xi32> to vector<16x1xi32>
      %parallel_loop3A_409 = vector.shape_cast %parallel_loop3A_408 : vector<16x1xi32> to vector<16xi32>
      %parallel_loop3A_410 = tpu.dynamic_gather %get3A_11[%parallel_loop3A_409] in [0] : vector<16xf32>, vector<16xi32> -> vector<16xf32>
      %parallel_loop3A_411 = vector.shape_cast %parallel_loop3A_407 : vector<16xi32> to vector<16x1xi32>
      %parallel_loop3A_412 = vector.shape_cast %parallel_loop3A_411 : vector<16x1xi32> to vector<16xi32>
      %parallel_loop3A_413 = tpu.dynamic_gather %get3A_14[%parallel_loop3A_412] in [0] : vector<16xf32>, vector<16xi32> -> vector<16xf32>
      %parallel_loop3A_414 = arith.constant 16 : i32
      %parallel_loop3A_415 = vector.broadcast %parallel_loop3A_414 : i32 to vector<16xi32>
      %parallel_loop3A_416 = arith.cmpi slt, %parallel_loop3A_404, %parallel_loop3A_415 : vector<16xi32>
      %parallel_loop3A_417 = arith.select %parallel_loop3A_416, %parallel_loop3A_410, %parallel_loop3A_413 : vector<16xi1>, vector<16xf32>
      %parallel_loop3A_418 = arith.constant 8 : i32
      %parallel_loop3A_419 = arith.muli %parallel_loop3A_34, %parallel_loop3A_418 : i32
      %parallel_loop3A_420 = arith.constant 1 : i32
      %parallel_loop3A_421 = arith.addi %parallel_loop3A_419, %parallel_loop3A_420 : i32
      %parallel_loop3A_422 = arith.index_cast %parallel_loop3A_421 : i32 to index
      %parallel_loop3A_423 = arith.constant 80 : index
      %parallel_loop3A_424 = tpu.vector_load %arg7[%parallel_loop3A_422, %parallel_loop3A_423] {strides = array<i32>} : memref<200x128xf32, #tpu.memory_space<vmem>>, vector<1x16xf32>,
      %parallel_loop3A_425 = vector.shape_cast %parallel_loop3A_424 : vector<1x16xf32> to vector<16xf32>
      %parallel_loop3A_426 = vector.shape_cast %parallel_loop3A_417 : vector<16xf32> to vector<1x16xf32>
      tpu.vector_store %arg7[%parallel_loop3A_422, %parallel_loop3A_423], %parallel_loop3A_426 {strides = array<i32>} : memref<200x128xf32, #tpu.memory_space<vmem>>, vector<1x16xf32>,
      %parallel_loop3A_427 = arith.constant 1 : i32
      %parallel_loop3A_428 = arith.index_cast %parallel_loop3A_34 : i32 to index
      %parallel_loop3A_429 = arith.index_cast %parallel_loop3A_427 : i32 to index
      %parallel_loop3A_430 = arith.constant 96 : index
      %parallel_loop3A_431 = tpu.vector_load %arg6[%parallel_loop3A_428, %parallel_loop3A_429, %parallel_loop3A_430] {strides = array<i32>} : memref<25x8x128xi32, #tpu.memory_space<vmem>>, vector<1x1x16xi32>,
      %parallel_loop3A_432 = vector.shape_cast %parallel_loop3A_431 : vector<1x1x16xi32> to vector<16xi32>
      %parallel_loop3A_433 = arith.constant 15 : i32
      %parallel_loop3A_434 = vector.broadcast %parallel_loop3A_433 : i32 to vector<16xi32>
      %parallel_loop3A_435 = arith.andi %parallel_loop3A_432, %parallel_loop3A_434 : vector<16xi32>
      %parallel_loop3A_436 = vector.shape_cast %parallel_loop3A_435 : vector<16xi32> to vector<16x1xi32>
      %parallel_loop3A_437 = vector.shape_cast %parallel_loop3A_436 : vector<16x1xi32> to vector<16xi32>
      %parallel_loop3A_438 = tpu.dynamic_gather %get3A_11[%parallel_loop3A_437] in [0] : vector<16xf32>, vector<16xi32> -> vector<16xf32>
      %parallel_loop3A_439 = vector.shape_cast %parallel_loop3A_435 : vector<16xi32> to vector<16x1xi32>
      %parallel_loop3A_440 = vector.shape_cast %parallel_loop3A_439 : vector<16x1xi32> to vector<16xi32>
      %parallel_loop3A_441 = tpu.dynamic_gather %get3A_14[%parallel_loop3A_440] in [0] : vector<16xf32>, vector<16xi32> -> vector<16xf32>
      %parallel_loop3A_442 = arith.constant 16 : i32
      %parallel_loop3A_443 = vector.broadcast %parallel_loop3A_442 : i32 to vector<16xi32>
      %parallel_loop3A_444 = arith.cmpi slt, %parallel_loop3A_432, %parallel_loop3A_443 : vector<16xi32>
      %parallel_loop3A_445 = arith.select %parallel_loop3A_444, %parallel_loop3A_438, %parallel_loop3A_441 : vector<16xi1>, vector<16xf32>
      %parallel_loop3A_446 = arith.constant 8 : i32
      %parallel_loop3A_447 = arith.muli %parallel_loop3A_34, %parallel_loop3A_446 : i32
      %parallel_loop3A_448 = arith.constant 1 : i32
      %parallel_loop3A_449 = arith.addi %parallel_loop3A_447, %parallel_loop3A_448 : i32
      %parallel_loop3A_450 = arith.index_cast %parallel_loop3A_449 : i32 to index
      %parallel_loop3A_451 = arith.constant 96 : index
      %parallel_loop3A_452 = tpu.vector_load %arg7[%parallel_loop3A_450, %parallel_loop3A_451] {strides = array<i32>} : memref<200x128xf32, #tpu.memory_space<vmem>>, vector<1x16xf32>,
      %parallel_loop3A_453 = vector.shape_cast %parallel_loop3A_452 : vector<1x16xf32> to vector<16xf32>
      %parallel_loop3A_454 = vector.shape_cast %parallel_loop3A_445 : vector<16xf32> to vector<1x16xf32>
      tpu.vector_store %arg7[%parallel_loop3A_450, %parallel_loop3A_451], %parallel_loop3A_454 {strides = array<i32>} : memref<200x128xf32, #tpu.memory_space<vmem>>, vector<1x16xf32>,
      %parallel_loop3A_455 = arith.constant 1 : i32
      %parallel_loop3A_456 = arith.index_cast %parallel_loop3A_34 : i32 to index
      %parallel_loop3A_457 = arith.index_cast %parallel_loop3A_455 : i32 to index
      %parallel_loop3A_458 = arith.constant 112 : index
      %parallel_loop3A_459 = tpu.vector_load %arg6[%parallel_loop3A_456, %parallel_loop3A_457, %parallel_loop3A_458] {strides = array<i32>} : memref<25x8x128xi32, #tpu.memory_space<vmem>>, vector<1x1x16xi32>,
      %parallel_loop3A_460 = vector.shape_cast %parallel_loop3A_459 : vector<1x1x16xi32> to vector<16xi32>
      %parallel_loop3A_461 = arith.constant 15 : i32
      %parallel_loop3A_462 = vector.broadcast %parallel_loop3A_461 : i32 to vector<16xi32>
      %parallel_loop3A_463 = arith.andi %parallel_loop3A_460, %parallel_loop3A_462 : vector<16xi32>
      %parallel_loop3A_464 = vector.shape_cast %parallel_loop3A_463 : vector<16xi32> to vector<16x1xi32>
      %parallel_loop3A_465 = vector.shape_cast %parallel_loop3A_464 : vector<16x1xi32> to vector<16xi32>
      %parallel_loop3A_466 = tpu.dynamic_gather %get3A_11[%parallel_loop3A_465] in [0] : vector<16xf32>, vector<16xi32> -> vector<16xf32>
      %parallel_loop3A_467 = vector.shape_cast %parallel_loop3A_463 : vector<16xi32> to vector<16x1xi32>
      %parallel_loop3A_468 = vector.shape_cast %parallel_loop3A_467 : vector<16x1xi32> to vector<16xi32>
      %parallel_loop3A_469 = tpu.dynamic_gather %get3A_14[%parallel_loop3A_468] in [0] : vector<16xf32>, vector<16xi32> -> vector<16xf32>
      %parallel_loop3A_470 = arith.constant 16 : i32
      %parallel_loop3A_471 = vector.broadcast %parallel_loop3A_470 : i32 to vector<16xi32>
      %parallel_loop3A_472 = arith.cmpi slt, %parallel_loop3A_460, %parallel_loop3A_471 : vector<16xi32>
      %parallel_loop3A_473 = arith.select %parallel_loop3A_472, %parallel_loop3A_466, %parallel_loop3A_469 : vector<16xi1>, vector<16xf32>
      %parallel_loop3A_474 = arith.constant 8 : i32
      %parallel_loop3A_475 = arith.muli %parallel_loop3A_34, %parallel_loop3A_474 : i32
      %parallel_loop3A_476 = arith.constant 1 : i32
      %parallel_loop3A_477 = arith.addi %parallel_loop3A_475, %parallel_loop3A_476 : i32
      %parallel_loop3A_478 = arith.index_cast %parallel_loop3A_477 : i32 to index
      %parallel_loop3A_479 = arith.constant 112 : index
      %parallel_loop3A_480 = tpu.vector_load %arg7[%parallel_loop3A_478, %parallel_loop3A_479] {strides = array<i32>} : memref<200x128xf32, #tpu.memory_space<vmem>>, vector<1x16xf32>,
      %parallel_loop3A_481 = vector.shape_cast %parallel_loop3A_480 : vector<1x16xf32> to vector<16xf32>
      %parallel_loop3A_482 = vector.shape_cast %parallel_loop3A_473 : vector<16xf32> to vector<1x16xf32>
      tpu.vector_store %arg7[%parallel_loop3A_478, %parallel_loop3A_479], %parallel_loop3A_482 {strides = array<i32>} : memref<200x128xf32, #tpu.memory_space<vmem>>, vector<1x16xf32>,
      %parallel_loop3A_483 = arith.constant 2 : i32
      %parallel_loop3A_484 = arith.index_cast %parallel_loop3A_34 : i32 to index
      %parallel_loop3A_485 = arith.index_cast %parallel_loop3A_483 : i32 to index
      %parallel_loop3A_486 = arith.constant 0 : index
      %parallel_loop3A_487 = tpu.vector_load %arg6[%parallel_loop3A_484, %parallel_loop3A_485, %parallel_loop3A_486] {strides = array<i32>} : memref<25x8x128xi32, #tpu.memory_space<vmem>>, vector<1x1x16xi32>,
      %parallel_loop3A_488 = vector.shape_cast %parallel_loop3A_487 : vector<1x1x16xi32> to vector<16xi32>
      %parallel_loop3A_489 = arith.constant 15 : i32
      %parallel_loop3A_490 = vector.broadcast %parallel_loop3A_489 : i32 to vector<16xi32>
      %parallel_loop3A_491 = arith.andi %parallel_loop3A_488, %parallel_loop3A_490 : vector<16xi32>
      %parallel_loop3A_492 = vector.shape_cast %parallel_loop3A_491 : vector<16xi32> to vector<16x1xi32>
      %parallel_loop3A_493 = vector.shape_cast %parallel_loop3A_492 : vector<16x1xi32> to vector<16xi32>
      %parallel_loop3A_494 = tpu.dynamic_gather %get3A_11[%parallel_loop3A_493] in [0] : vector<16xf32>, vector<16xi32> -> vector<16xf32>
      %parallel_loop3A_495 = vector.shape_cast %parallel_loop3A_491 : vector<16xi32> to vector<16x1xi32>
      %parallel_loop3A_496 = vector.shape_cast %parallel_loop3A_495 : vector<16x1xi32> to vector<16xi32>
      %parallel_loop3A_497 = tpu.dynamic_gather %get3A_14[%parallel_loop3A_496] in [0] : vector<16xf32>, vector<16xi32> -> vector<16xf32>
      %parallel_loop3A_498 = arith.constant 16 : i32
      %parallel_loop3A_499 = vector.broadcast %parallel_loop3A_498 : i32 to vector<16xi32>
      %parallel_loop3A_500 = arith.cmpi slt, %parallel_loop3A_488, %parallel_loop3A_499 : vector<16xi32>
      %parallel_loop3A_501 = arith.select %parallel_loop3A_500, %parallel_loop3A_494, %parallel_loop3A_497 : vector<16xi1>, vector<16xf32>
      %parallel_loop3A_502 = arith.constant 8 : i32
      %parallel_loop3A_503 = arith.muli %parallel_loop3A_34, %parallel_loop3A_502 : i32
      %parallel_loop3A_504 = arith.constant 2 : i32
      %parallel_loop3A_505 = arith.addi %parallel_loop3A_503, %parallel_loop3A_504 : i32
      %parallel_loop3A_506 = arith.index_cast %parallel_loop3A_505 : i32 to index
      %parallel_loop3A_507 = arith.constant 0 : index
      %parallel_loop3A_508 = tpu.vector_load %arg7[%parallel_loop3A_506, %parallel_loop3A_507] {strides = array<i32>} : memref<200x128xf32, #tpu.memory_space<vmem>>, vector<1x16xf32>,
      %parallel_loop3A_509 = vector.shape_cast %parallel_loop3A_508 : vector<1x16xf32> to vector<16xf32>
      %parallel_loop3A_510 = vector.shape_cast %parallel_loop3A_501 : vector<16xf32> to vector<1x16xf32>
      tpu.vector_store %arg7[%parallel_loop3A_506, %parallel_loop3A_507], %parallel_loop3A_510 {strides = array<i32>} : memref<200x128xf32, #tpu.memory_space<vmem>>, vector<1x16xf32>,
      %parallel_loop3A_511 = arith.constant 2 : i32
      %parallel_loop3A_512 = arith.index_cast %parallel_loop3A_34 : i32 to index
      %parallel_loop3A_513 = arith.index_cast %parallel_loop3A_511 : i32 to index
      %parallel_loop3A_514 = arith.constant 16 : index
      %parallel_loop3A_515 = tpu.vector_load %arg6[%parallel_loop3A_512, %parallel_loop3A_513, %parallel_loop3A_514] {strides = array<i32>} : memref<25x8x128xi32, #tpu.memory_space<vmem>>, vector<1x1x16xi32>,
      %parallel_loop3A_516 = vector.shape_cast %parallel_loop3A_515 : vector<1x1x16xi32> to vector<16xi32>
      %parallel_loop3A_517 = arith.constant 15 : i32
      %parallel_loop3A_518 = vector.broadcast %parallel_loop3A_517 : i32 to vector<16xi32>
      %parallel_loop3A_519 = arith.andi %parallel_loop3A_516, %parallel_loop3A_518 : vector<16xi32>
      %parallel_loop3A_520 = vector.shape_cast %parallel_loop3A_519 : vector<16xi32> to vector<16x1xi32>
      %parallel_loop3A_521 = vector.shape_cast %parallel_loop3A_520 : vector<16x1xi32> to vector<16xi32>
      %parallel_loop3A_522 = tpu.dynamic_gather %get3A_11[%parallel_loop3A_521] in [0] : vector<16xf32>, vector<16xi32> -> vector<16xf32>
      %parallel_loop3A_523 = vector.shape_cast %parallel_loop3A_519 : vector<16xi32> to vector<16x1xi32>
      %parallel_loop3A_524 = vector.shape_cast %parallel_loop3A_523 : vector<16x1xi32> to vector<16xi32>
      %parallel_loop3A_525 = tpu.dynamic_gather %get3A_14[%parallel_loop3A_524] in [0] : vector<16xf32>, vector<16xi32> -> vector<16xf32>
      %parallel_loop3A_526 = arith.constant 16 : i32
      %parallel_loop3A_527 = vector.broadcast %parallel_loop3A_526 : i32 to vector<16xi32>
      %parallel_loop3A_528 = arith.cmpi slt, %parallel_loop3A_516, %parallel_loop3A_527 : vector<16xi32>
      %parallel_loop3A_529 = arith.select %parallel_loop3A_528, %parallel_loop3A_522, %parallel_loop3A_525 : vector<16xi1>, vector<16xf32>
      %parallel_loop3A_530 = arith.constant 8 : i32
      %parallel_loop3A_531 = arith.muli %parallel_loop3A_34, %parallel_loop3A_530 : i32
      %parallel_loop3A_532 = arith.constant 2 : i32
      %parallel_loop3A_533 = arith.addi %parallel_loop3A_531, %parallel_loop3A_532 : i32
      %parallel_loop3A_534 = arith.index_cast %parallel_loop3A_533 : i32 to index
      %parallel_loop3A_535 = arith.constant 16 : index
      %parallel_loop3A_536 = tpu.vector_load %arg7[%parallel_loop3A_534, %parallel_loop3A_535] {strides = array<i32>} : memref<200x128xf32, #tpu.memory_space<vmem>>, vector<1x16xf32>,
      %parallel_loop3A_537 = vector.shape_cast %parallel_loop3A_536 : vector<1x16xf32> to vector<16xf32>
      %parallel_loop3A_538 = vector.shape_cast %parallel_loop3A_529 : vector<16xf32> to vector<1x16xf32>
      tpu.vector_store %arg7[%parallel_loop3A_534, %parallel_loop3A_535], %parallel_loop3A_538 {strides = array<i32>} : memref<200x128xf32, #tpu.memory_space<vmem>>, vector<1x16xf32>,
      %parallel_loop3A_539 = arith.constant 2 : i32
      %parallel_loop3A_540 = arith.index_cast %parallel_loop3A_34 : i32 to index
      %parallel_loop3A_541 = arith.index_cast %parallel_loop3A_539 : i32 to index
      %parallel_loop3A_542 = arith.constant 32 : index
      %parallel_loop3A_543 = tpu.vector_load %arg6[%parallel_loop3A_540, %parallel_loop3A_541, %parallel_loop3A_542] {strides = array<i32>} : memref<25x8x128xi32, #tpu.memory_space<vmem>>, vector<1x1x16xi32>,
      %parallel_loop3A_544 = vector.shape_cast %parallel_loop3A_543 : vector<1x1x16xi32> to vector<16xi32>
      %parallel_loop3A_545 = arith.constant 15 : i32
      %parallel_loop3A_546 = vector.broadcast %parallel_loop3A_545 : i32 to vector<16xi32>
      %parallel_loop3A_547 = arith.andi %parallel_loop3A_544, %parallel_loop3A_546 : vector<16xi32>
      %parallel_loop3A_548 = vector.shape_cast %parallel_loop3A_547 : vector<16xi32> to vector<16x1xi32>
      %parallel_loop3A_549 = vector.shape_cast %parallel_loop3A_548 : vector<16x1xi32> to vector<16xi32>
      %parallel_loop3A_550 = tpu.dynamic_gather %get3A_11[%parallel_loop3A_549] in [0] : vector<16xf32>, vector<16xi32> -> vector<16xf32>
      %parallel_loop3A_551 = vector.shape_cast %parallel_loop3A_547 : vector<16xi32> to vector<16x1xi32>
      %parallel_loop3A_552 = vector.shape_cast %parallel_loop3A_551 : vector<16x1xi32> to vector<16xi32>
      %parallel_loop3A_553 = tpu.dynamic_gather %get3A_14[%parallel_loop3A_552] in [0] : vector<16xf32>, vector<16xi32> -> vector<16xf32>
      %parallel_loop3A_554 = arith.constant 16 : i32
      %parallel_loop3A_555 = vector.broadcast %parallel_loop3A_554 : i32 to vector<16xi32>
      %parallel_loop3A_556 = arith.cmpi slt, %parallel_loop3A_544, %parallel_loop3A_555 : vector<16xi32>
      %parallel_loop3A_557 = arith.select %parallel_loop3A_556, %parallel_loop3A_550, %parallel_loop3A_553 : vector<16xi1>, vector<16xf32>
      %parallel_loop3A_558 = arith.constant 8 : i32
      %parallel_loop3A_559 = arith.muli %parallel_loop3A_34, %parallel_loop3A_558 : i32
      %parallel_loop3A_560 = arith.constant 2 : i32
      %parallel_loop3A_561 = arith.addi %parallel_loop3A_559, %parallel_loop3A_560 : i32
      %parallel_loop3A_562 = arith.index_cast %parallel_loop3A_561 : i32 to index
      %parallel_loop3A_563 = arith.constant 32 : index
      %parallel_loop3A_564 = tpu.vector_load %arg7[%parallel_loop3A_562, %parallel_loop3A_563] {strides = array<i32>} : memref<200x128xf32, #tpu.memory_space<vmem>>, vector<1x16xf32>,
      %parallel_loop3A_565 = vector.shape_cast %parallel_loop3A_564 : vector<1x16xf32> to vector<16xf32>
      %parallel_loop3A_566 = vector.shape_cast %parallel_loop3A_557 : vector<16xf32> to vector<1x16xf32>
      tpu.vector_store %arg7[%parallel_loop3A_562, %parallel_loop3A_563], %parallel_loop3A_566 {strides = array<i32>} : memref<200x128xf32, #tpu.memory_space<vmem>>, vector<1x16xf32>,
      %parallel_loop3A_567 = arith.constant 2 : i32
      %parallel_loop3A_568 = arith.index_cast %parallel_loop3A_34 : i32 to index
      %parallel_loop3A_569 = arith.index_cast %parallel_loop3A_567 : i32 to index
      %parallel_loop3A_570 = arith.constant 48 : index
      %parallel_loop3A_571 = tpu.vector_load %arg6[%parallel_loop3A_568, %parallel_loop3A_569, %parallel_loop3A_570] {strides = array<i32>} : memref<25x8x128xi32, #tpu.memory_space<vmem>>, vector<1x1x16xi32>,
      %parallel_loop3A_572 = vector.shape_cast %parallel_loop3A_571 : vector<1x1x16xi32> to vector<16xi32>
      %parallel_loop3A_573 = arith.constant 15 : i32
      %parallel_loop3A_574 = vector.broadcast %parallel_loop3A_573 : i32 to vector<16xi32>
      %parallel_loop3A_575 = arith.andi %parallel_loop3A_572, %parallel_loop3A_574 : vector<16xi32>
      %parallel_loop3A_576 = vector.shape_cast %parallel_loop3A_575 : vector<16xi32> to vector<16x1xi32>
      %parallel_loop3A_577 = vector.shape_cast %parallel_loop3A_576 : vector<16x1xi32> to vector<16xi32>
      %parallel_loop3A_578 = tpu.dynamic_gather %get3A_11[%parallel_loop3A_577] in [0] : vector<16xf32>, vector<16xi32> -> vector<16xf32>
      %parallel_loop3A_579 = vector.shape_cast %parallel_loop3A_575 : vector<16xi32> to vector<16x1xi32>
      %parallel_loop3A_580 = vector.shape_cast %parallel_loop3A_579 : vector<16x1xi32> to vector<16xi32>
      %parallel_loop3A_581 = tpu.dynamic_gather %get3A_14[%parallel_loop3A_580] in [0] : vector<16xf32>, vector<16xi32> -> vector<16xf32>
      %parallel_loop3A_582 = arith.constant 16 : i32
      %parallel_loop3A_583 = vector.broadcast %parallel_loop3A_582 : i32 to vector<16xi32>
      %parallel_loop3A_584 = arith.cmpi slt, %parallel_loop3A_572, %parallel_loop3A_583 : vector<16xi32>
      %parallel_loop3A_585 = arith.select %parallel_loop3A_584, %parallel_loop3A_578, %parallel_loop3A_581 : vector<16xi1>, vector<16xf32>
      %parallel_loop3A_586 = arith.constant 8 : i32
      %parallel_loop3A_587 = arith.muli %parallel_loop3A_34, %parallel_loop3A_586 : i32
      %parallel_loop3A_588 = arith.constant 2 : i32
      %parallel_loop3A_589 = arith.addi %parallel_loop3A_587, %parallel_loop3A_588 : i32
      %parallel_loop3A_590 = arith.index_cast %parallel_loop3A_589 : i32 to index
      %parallel_loop3A_591 = arith.constant 48 : index
      %parallel_loop3A_592 = tpu.vector_load %arg7[%parallel_loop3A_590, %parallel_loop3A_591] {strides = array<i32>} : memref<200x128xf32, #tpu.memory_space<vmem>>, vector<1x16xf32>,
      %parallel_loop3A_593 = vector.shape_cast %parallel_loop3A_592 : vector<1x16xf32> to vector<16xf32>
      %parallel_loop3A_594 = vector.shape_cast %parallel_loop3A_585 : vector<16xf32> to vector<1x16xf32>
      tpu.vector_store %arg7[%parallel_loop3A_590, %parallel_loop3A_591], %parallel_loop3A_594 {strides = array<i32>} : memref<200x128xf32, #tpu.memory_space<vmem>>, vector<1x16xf32>,
      %parallel_loop3A_595 = arith.constant 2 : i32
      %parallel_loop3A_596 = arith.index_cast %parallel_loop3A_34 : i32 to index
      %parallel_loop3A_597 = arith.index_cast %parallel_loop3A_595 : i32 to index
      %parallel_loop3A_598 = arith.constant 64 : index
      %parallel_loop3A_599 = tpu.vector_load %arg6[%parallel_loop3A_596, %parallel_loop3A_597, %parallel_loop3A_598] {strides = array<i32>} : memref<25x8x128xi32, #tpu.memory_space<vmem>>, vector<1x1x16xi32>,
      %parallel_loop3A_600 = vector.shape_cast %parallel_loop3A_599 : vector<1x1x16xi32> to vector<16xi32>
      %parallel_loop3A_601 = arith.constant 15 : i32
      %parallel_loop3A_602 = vector.broadcast %parallel_loop3A_601 : i32 to vector<16xi32>
      %parallel_loop3A_603 = arith.andi %parallel_loop3A_600, %parallel_loop3A_602 : vector<16xi32>
      %parallel_loop3A_604 = vector.shape_cast %parallel_loop3A_603 : vector<16xi32> to vector<16x1xi32>
      %parallel_loop3A_605 = vector.shape_cast %parallel_loop3A_604 : vector<16x1xi32> to vector<16xi32>
      %parallel_loop3A_606 = tpu.dynamic_gather %get3A_11[%parallel_loop3A_605] in [0] : vector<16xf32>, vector<16xi32> -> vector<16xf32>
      %parallel_loop3A_607 = vector.shape_cast %parallel_loop3A_603 : vector<16xi32> to vector<16x1xi32>
      %parallel_loop3A_608 = vector.shape_cast %parallel_loop3A_607 : vector<16x1xi32> to vector<16xi32>
      %parallel_loop3A_609 = tpu.dynamic_gather %get3A_14[%parallel_loop3A_608] in [0] : vector<16xf32>, vector<16xi32> -> vector<16xf32>
      %parallel_loop3A_610 = arith.constant 16 : i32
      %parallel_loop3A_611 = vector.broadcast %parallel_loop3A_610 : i32 to vector<16xi32>
      %parallel_loop3A_612 = arith.cmpi slt, %parallel_loop3A_600, %parallel_loop3A_611 : vector<16xi32>
      %parallel_loop3A_613 = arith.select %parallel_loop3A_612, %parallel_loop3A_606, %parallel_loop3A_609 : vector<16xi1>, vector<16xf32>
      %parallel_loop3A_614 = arith.constant 8 : i32
      %parallel_loop3A_615 = arith.muli %parallel_loop3A_34, %parallel_loop3A_614 : i32
      %parallel_loop3A_616 = arith.constant 2 : i32
      %parallel_loop3A_617 = arith.addi %parallel_loop3A_615, %parallel_loop3A_616 : i32
      %parallel_loop3A_618 = arith.index_cast %parallel_loop3A_617 : i32 to index
      %parallel_loop3A_619 = arith.constant 64 : index
      %parallel_loop3A_620 = tpu.vector_load %arg7[%parallel_loop3A_618, %parallel_loop3A_619] {strides = array<i32>} : memref<200x128xf32, #tpu.memory_space<vmem>>, vector<1x16xf32>,
      %parallel_loop3A_621 = vector.shape_cast %parallel_loop3A_620 : vector<1x16xf32> to vector<16xf32>
      %parallel_loop3A_622 = vector.shape_cast %parallel_loop3A_613 : vector<16xf32> to vector<1x16xf32>
      tpu.vector_store %arg7[%parallel_loop3A_618, %parallel_loop3A_619], %parallel_loop3A_622 {strides = array<i32>} : memref<200x128xf32, #tpu.memory_space<vmem>>, vector<1x16xf32>,
      %parallel_loop3A_623 = arith.constant 2 : i32
      %parallel_loop3A_624 = arith.index_cast %parallel_loop3A_34 : i32 to index
      %parallel_loop3A_625 = arith.index_cast %parallel_loop3A_623 : i32 to index
      %parallel_loop3A_626 = arith.constant 80 : index
      %parallel_loop3A_627 = tpu.vector_load %arg6[%parallel_loop3A_624, %parallel_loop3A_625, %parallel_loop3A_626] {strides = array<i32>} : memref<25x8x128xi32, #tpu.memory_space<vmem>>, vector<1x1x16xi32>,
      %parallel_loop3A_628 = vector.shape_cast %parallel_loop3A_627 : vector<1x1x16xi32> to vector<16xi32>
      %parallel_loop3A_629 = arith.constant 15 : i32
      %parallel_loop3A_630 = vector.broadcast %parallel_loop3A_629 : i32 to vector<16xi32>
      %parallel_loop3A_631 = arith.andi %parallel_loop3A_628, %parallel_loop3A_630 : vector<16xi32>
      %parallel_loop3A_632 = vector.shape_cast %parallel_loop3A_631 : vector<16xi32> to vector<16x1xi32>
      %parallel_loop3A_633 = vector.shape_cast %parallel_loop3A_632 : vector<16x1xi32> to vector<16xi32>
      %parallel_loop3A_634 = tpu.dynamic_gather %get3A_11[%parallel_loop3A_633] in [0] : vector<16xf32>, vector<16xi32> -> vector<16xf32>
      %parallel_loop3A_635 = vector.shape_cast %parallel_loop3A_631 : vector<16xi32> to vector<16x1xi32>
      %parallel_loop3A_636 = vector.shape_cast %parallel_loop3A_635 : vector<16x1xi32> to vector<16xi32>
      %parallel_loop3A_637 = tpu.dynamic_gather %get3A_14[%parallel_loop3A_636] in [0] : vector<16xf32>, vector<16xi32> -> vector<16xf32>
      %parallel_loop3A_638 = arith.constant 16 : i32
      %parallel_loop3A_639 = vector.broadcast %parallel_loop3A_638 : i32 to vector<16xi32>
      %parallel_loop3A_640 = arith.cmpi slt, %parallel_loop3A_628, %parallel_loop3A_639 : vector<16xi32>
      %parallel_loop3A_641 = arith.select %parallel_loop3A_640, %parallel_loop3A_634, %parallel_loop3A_637 : vector<16xi1>, vector<16xf32>
      %parallel_loop3A_642 = arith.constant 8 : i32
      %parallel_loop3A_643 = arith.muli %parallel_loop3A_34, %parallel_loop3A_642 : i32
      %parallel_loop3A_644 = arith.constant 2 : i32
      %parallel_loop3A_645 = arith.addi %parallel_loop3A_643, %parallel_loop3A_644 : i32
      %parallel_loop3A_646 = arith.index_cast %parallel_loop3A_645 : i32 to index
      %parallel_loop3A_647 = arith.constant 80 : index
      %parallel_loop3A_648 = tpu.vector_load %arg7[%parallel_loop3A_646, %parallel_loop3A_647] {strides = array<i32>} : memref<200x128xf32, #tpu.memory_space<vmem>>, vector<1x16xf32>,
      %parallel_loop3A_649 = vector.shape_cast %parallel_loop3A_648 : vector<1x16xf32> to vector<16xf32>
      %parallel_loop3A_650 = vector.shape_cast %parallel_loop3A_641 : vector<16xf32> to vector<1x16xf32>
      tpu.vector_store %arg7[%parallel_loop3A_646, %parallel_loop3A_647], %parallel_loop3A_650 {strides = array<i32>} : memref<200x128xf32, #tpu.memory_space<vmem>>, vector<1x16xf32>,
      %parallel_loop3A_651 = arith.constant 2 : i32
      %parallel_loop3A_652 = arith.index_cast %parallel_loop3A_34 : i32 to index
      %parallel_loop3A_653 = arith.index_cast %parallel_loop3A_651 : i32 to index
      %parallel_loop3A_654 = arith.constant 96 : index
      %parallel_loop3A_655 = tpu.vector_load %arg6[%parallel_loop3A_652, %parallel_loop3A_653, %parallel_loop3A_654] {strides = array<i32>} : memref<25x8x128xi32, #tpu.memory_space<vmem>>, vector<1x1x16xi32>,
      %parallel_loop3A_656 = vector.shape_cast %parallel_loop3A_655 : vector<1x1x16xi32> to vector<16xi32>
      %parallel_loop3A_657 = arith.constant 15 : i32
      %parallel_loop3A_658 = vector.broadcast %parallel_loop3A_657 : i32 to vector<16xi32>
      %parallel_loop3A_659 = arith.andi %parallel_loop3A_656, %parallel_loop3A_658 : vector<16xi32>
      %parallel_loop3A_660 = vector.shape_cast %parallel_loop3A_659 : vector<16xi32> to vector<16x1xi32>
      %parallel_loop3A_661 = vector.shape_cast %parallel_loop3A_660 : vector<16x1xi32> to vector<16xi32>
      %parallel_loop3A_662 = tpu.dynamic_gather %get3A_11[%parallel_loop3A_661] in [0] : vector<16xf32>, vector<16xi32> -> vector<16xf32>
      %parallel_loop3A_663 = vector.shape_cast %parallel_loop3A_659 : vector<16xi32> to vector<16x1xi32>
      %parallel_loop3A_664 = vector.shape_cast %parallel_loop3A_663 : vector<16x1xi32> to vector<16xi32>
      %parallel_loop3A_665 = tpu.dynamic_gather %get3A_14[%parallel_loop3A_664] in [0] : vector<16xf32>, vector<16xi32> -> vector<16xf32>
      %parallel_loop3A_666 = arith.constant 16 : i32
      %parallel_loop3A_667 = vector.broadcast %parallel_loop3A_666 : i32 to vector<16xi32>
      %parallel_loop3A_668 = arith.cmpi slt, %parallel_loop3A_656, %parallel_loop3A_667 : vector<16xi32>
      %parallel_loop3A_669 = arith.select %parallel_loop3A_668, %parallel_loop3A_662, %parallel_loop3A_665 : vector<16xi1>, vector<16xf32>
      %parallel_loop3A_670 = arith.constant 8 : i32
      %parallel_loop3A_671 = arith.muli %parallel_loop3A_34, %parallel_loop3A_670 : i32
      %parallel_loop3A_672 = arith.constant 2 : i32
      %parallel_loop3A_673 = arith.addi %parallel_loop3A_671, %parallel_loop3A_672 : i32
      %parallel_loop3A_674 = arith.index_cast %parallel_loop3A_673 : i32 to index
      %parallel_loop3A_675 = arith.constant 96 : index
      %parallel_loop3A_676 = tpu.vector_load %arg7[%parallel_loop3A_674, %parallel_loop3A_675] {strides = array<i32>} : memref<200x128xf32, #tpu.memory_space<vmem>>, vector<1x16xf32>,
      %parallel_loop3A_677 = vector.shape_cast %parallel_loop3A_676 : vector<1x16xf32> to vector<16xf32>
      %parallel_loop3A_678 = vector.shape_cast %parallel_loop3A_669 : vector<16xf32> to vector<1x16xf32>
      tpu.vector_store %arg7[%parallel_loop3A_674, %parallel_loop3A_675], %parallel_loop3A_678 {strides = array<i32>} : memref<200x128xf32, #tpu.memory_space<vmem>>, vector<1x16xf32>,
      %parallel_loop3A_679 = arith.constant 2 : i32
      %parallel_loop3A_680 = arith.index_cast %parallel_loop3A_34 : i32 to index
      %parallel_loop3A_681 = arith.index_cast %parallel_loop3A_679 : i32 to index
      %parallel_loop3A_682 = arith.constant 112 : index
      %parallel_loop3A_683 = tpu.vector_load %arg6[%parallel_loop3A_680, %parallel_loop3A_681, %parallel_loop3A_682] {strides = array<i32>} : memref<25x8x128xi32, #tpu.memory_space<vmem>>, vector<1x1x16xi32>,
      %parallel_loop3A_684 = vector.shape_cast %parallel_loop3A_683 : vector<1x1x16xi32> to vector<16xi32>
      %parallel_loop3A_685 = arith.constant 15 : i32
      %parallel_loop3A_686 = vector.broadcast %parallel_loop3A_685 : i32 to vector<16xi32>
      %parallel_loop3A_687 = arith.andi %parallel_loop3A_684, %parallel_loop3A_686 : vector<16xi32>
      %parallel_loop3A_688 = vector.shape_cast %parallel_loop3A_687 : vector<16xi32> to vector<16x1xi32>
      %parallel_loop3A_689 = vector.shape_cast %parallel_loop3A_688 : vector<16x1xi32> to vector<16xi32>
      %parallel_loop3A_690 = tpu.dynamic_gather %get3A_11[%parallel_loop3A_689] in [0] : vector<16xf32>, vector<16xi32> -> vector<16xf32>
      %parallel_loop3A_691 = vector.shape_cast %parallel_loop3A_687 : vector<16xi32> to vector<16x1xi32>
      %parallel_loop3A_692 = vector.shape_cast %parallel_loop3A_691 : vector<16x1xi32> to vector<16xi32>
      %parallel_loop3A_693 = tpu.dynamic_gather %get3A_14[%parallel_loop3A_692] in [0] : vector<16xf32>, vector<16xi32> -> vector<16xf32>
      %parallel_loop3A_694 = arith.constant 16 : i32
      %parallel_loop3A_695 = vector.broadcast %parallel_loop3A_694 : i32 to vector<16xi32>
      %parallel_loop3A_696 = arith.cmpi slt, %parallel_loop3A_684, %parallel_loop3A_695 : vector<16xi32>
      %parallel_loop3A_697 = arith.select %parallel_loop3A_696, %parallel_loop3A_690, %parallel_loop3A_693 : vector<16xi1>, vector<16xf32>
      %parallel_loop3A_698 = arith.constant 8 : i32
      %parallel_loop3A_699 = arith.muli %parallel_loop3A_34, %parallel_loop3A_698 : i32
      %parallel_loop3A_700 = arith.constant 2 : i32
      %parallel_loop3A_701 = arith.addi %parallel_loop3A_699, %parallel_loop3A_700 : i32
      %parallel_loop3A_702 = arith.index_cast %parallel_loop3A_701 : i32 to index
      %parallel_loop3A_703 = arith.constant 112 : index
      %parallel_loop3A_704 = tpu.vector_load %arg7[%parallel_loop3A_702, %parallel_loop3A_703] {strides = array<i32>} : memref<200x128xf32, #tpu.memory_space<vmem>>, vector<1x16xf32>,
      %parallel_loop3A_705 = vector.shape_cast %parallel_loop3A_704 : vector<1x16xf32> to vector<16xf32>
      %parallel_loop3A_706 = vector.shape_cast %parallel_loop3A_697 : vector<16xf32> to vector<1x16xf32>
      tpu.vector_store %arg7[%parallel_loop3A_702, %parallel_loop3A_703], %parallel_loop3A_706 {strides = array<i32>} : memref<200x128xf32, #tpu.memory_space<vmem>>, vector<1x16xf32>,
      %parallel_loop3A_707 = arith.constant 3 : i32
      %parallel_loop3A_708 = arith.index_cast %parallel_loop3A_34 : i32 to index
      %parallel_loop3A_709 = arith.index_cast %parallel_loop3A_707 : i32 to index
      %parallel_loop3A_710 = arith.constant 0 : index
      %parallel_loop3A_711 = tpu.vector_load %arg6[%parallel_loop3A_708, %parallel_loop3A_709, %parallel_loop3A_710] {strides = array<i32>} : memref<25x8x128xi32, #tpu.memory_space<vmem>>, vector<1x1x16xi32>,
      %parallel_loop3A_712 = vector.shape_cast %parallel_loop3A_711 : vector<1x1x16xi32> to vector<16xi32>
      %parallel_loop3A_713 = arith.constant 15 : i32
      %parallel_loop3A_714 = vector.broadcast %parallel_loop3A_713 : i32 to vector<16xi32>
      %parallel_loop3A_715 = arith.andi %parallel_loop3A_712, %parallel_loop3A_714 : vector<16xi32>
      %parallel_loop3A_716 = vector.shape_cast %parallel_loop3A_715 : vector<16xi32> to vector<16x1xi32>
      %parallel_loop3A_717 = vector.shape_cast %parallel_loop3A_716 : vector<16x1xi32> to vector<16xi32>
      %parallel_loop3A_718 = tpu.dynamic_gather %get3A_11[%parallel_loop3A_717] in [0] : vector<16xf32>, vector<16xi32> -> vector<16xf32>
      %parallel_loop3A_719 = vector.shape_cast %parallel_loop3A_715 : vector<16xi32> to vector<16x1xi32>
      %parallel_loop3A_720 = vector.shape_cast %parallel_loop3A_719 : vector<16x1xi32> to vector<16xi32>
      %parallel_loop3A_721 = tpu.dynamic_gather %get3A_14[%parallel_loop3A_720] in [0] : vector<16xf32>, vector<16xi32> -> vector<16xf32>
      %parallel_loop3A_722 = arith.constant 16 : i32
      %parallel_loop3A_723 = vector.broadcast %parallel_loop3A_722 : i32 to vector<16xi32>
      %parallel_loop3A_724 = arith.cmpi slt, %parallel_loop3A_712, %parallel_loop3A_723 : vector<16xi32>
      %parallel_loop3A_725 = arith.select %parallel_loop3A_724, %parallel_loop3A_718, %parallel_loop3A_721 : vector<16xi1>, vector<16xf32>
      %parallel_loop3A_726 = arith.constant 8 : i32
      %parallel_loop3A_727 = arith.muli %parallel_loop3A_34, %parallel_loop3A_726 : i32
      %parallel_loop3A_728 = arith.constant 3 : i32
      %parallel_loop3A_729 = arith.addi %parallel_loop3A_727, %parallel_loop3A_728 : i32
      %parallel_loop3A_730 = arith.index_cast %parallel_loop3A_729 : i32 to index
      %parallel_loop3A_731 = arith.constant 0 : index
      %parallel_loop3A_732 = tpu.vector_load %arg7[%parallel_loop3A_730, %parallel_loop3A_731] {strides = array<i32>} : memref<200x128xf32, #tpu.memory_space<vmem>>, vector<1x16xf32>,
      %parallel_loop3A_733 = vector.shape_cast %parallel_loop3A_732 : vector<1x16xf32> to vector<16xf32>
      %parallel_loop3A_734 = vector.shape_cast %parallel_loop3A_725 : vector<16xf32> to vector<1x16xf32>
      tpu.vector_store %arg7[%parallel_loop3A_730, %parallel_loop3A_731], %parallel_loop3A_734 {strides = array<i32>} : memref<200x128xf32, #tpu.memory_space<vmem>>, vector<1x16xf32>,
      %parallel_loop3A_735 = arith.constant 3 : i32
      %parallel_loop3A_736 = arith.index_cast %parallel_loop3A_34 : i32 to index
      %parallel_loop3A_737 = arith.index_cast %parallel_loop3A_735 : i32 to index
      %parallel_loop3A_738 = arith.constant 16 : index
      %parallel_loop3A_739 = tpu.vector_load %arg6[%parallel_loop3A_736, %parallel_loop3A_737, %parallel_loop3A_738] {strides = array<i32>} : memref<25x8x128xi32, #tpu.memory_space<vmem>>, vector<1x1x16xi32>,
      %parallel_loop3A_740 = vector.shape_cast %parallel_loop3A_739 : vector<1x1x16xi32> to vector<16xi32>
      %parallel_loop3A_741 = arith.constant 15 : i32
      %parallel_loop3A_742 = vector.broadcast %parallel_loop3A_741 : i32 to vector<16xi32>
      %parallel_loop3A_743 = arith.andi %parallel_loop3A_740, %parallel_loop3A_742 : vector<16xi32>
      %parallel_loop3A_744 = vector.shape_cast %parallel_loop3A_743 : vector<16xi32> to vector<16x1xi32>
      %parallel_loop3A_745 = vector.shape_cast %parallel_loop3A_744 : vector<16x1xi32> to vector<16xi32>
      %parallel_loop3A_746 = tpu.dynamic_gather %get3A_11[%parallel_loop3A_745] in [0] : vector<16xf32>, vector<16xi32> -> vector<16xf32>
      %parallel_loop3A_747 = vector.shape_cast %parallel_loop3A_743 : vector<16xi32> to vector<16x1xi32>
      %parallel_loop3A_748 = vector.shape_cast %parallel_loop3A_747 : vector<16x1xi32> to vector<16xi32>
      %parallel_loop3A_749 = tpu.dynamic_gather %get3A_14[%parallel_loop3A_748] in [0] : vector<16xf32>, vector<16xi32> -> vector<16xf32>
      %parallel_loop3A_750 = arith.constant 16 : i32
      %parallel_loop3A_751 = vector.broadcast %parallel_loop3A_750 : i32 to vector<16xi32>
      %parallel_loop3A_752 = arith.cmpi slt, %parallel_loop3A_740, %parallel_loop3A_751 : vector<16xi32>
      %parallel_loop3A_753 = arith.select %parallel_loop3A_752, %parallel_loop3A_746, %parallel_loop3A_749 : vector<16xi1>, vector<16xf32>
      %parallel_loop3A_754 = arith.constant 8 : i32
      %parallel_loop3A_755 = arith.muli %parallel_loop3A_34, %parallel_loop3A_754 : i32
      %parallel_loop3A_756 = arith.constant 3 : i32
      %parallel_loop3A_757 = arith.addi %parallel_loop3A_755, %parallel_loop3A_756 : i32
      %parallel_loop3A_758 = arith.index_cast %parallel_loop3A_757 : i32 to index
      %parallel_loop3A_759 = arith.constant 16 : index
      %parallel_loop3A_760 = tpu.vector_load %arg7[%parallel_loop3A_758, %parallel_loop3A_759] {strides = array<i32>} : memref<200x128xf32, #tpu.memory_space<vmem>>, vector<1x16xf32>,
      %parallel_loop3A_761 = vector.shape_cast %parallel_loop3A_760 : vector<1x16xf32> to vector<16xf32>
      %parallel_loop3A_762 = vector.shape_cast %parallel_loop3A_753 : vector<16xf32> to vector<1x16xf32>
      tpu.vector_store %arg7[%parallel_loop3A_758, %parallel_loop3A_759], %parallel_loop3A_762 {strides = array<i32>} : memref<200x128xf32, #tpu.memory_space<vmem>>, vector<1x16xf32>,
      %parallel_loop3A_763 = arith.constant 3 : i32
      %parallel_loop3A_764 = arith.index_cast %parallel_loop3A_34 : i32 to index
      %parallel_loop3A_765 = arith.index_cast %parallel_loop3A_763 : i32 to index
      %parallel_loop3A_766 = arith.constant 32 : index
      %parallel_loop3A_767 = tpu.vector_load %arg6[%parallel_loop3A_764, %parallel_loop3A_765, %parallel_loop3A_766] {strides = array<i32>} : memref<25x8x128xi32, #tpu.memory_space<vmem>>, vector<1x1x16xi32>,
      %parallel_loop3A_768 = vector.shape_cast %parallel_loop3A_767 : vector<1x1x16xi32> to vector<16xi32>
      %parallel_loop3A_769 = arith.constant 15 : i32
      %parallel_loop3A_770 = vector.broadcast %parallel_loop3A_769 : i32 to vector<16xi32>
      %parallel_loop3A_771 = arith.andi %parallel_loop3A_768, %parallel_loop3A_770 : vector<16xi32>
      %parallel_loop3A_772 = vector.shape_cast %parallel_loop3A_771 : vector<16xi32> to vector<16x1xi32>
      %parallel_loop3A_773 = vector.shape_cast %parallel_loop3A_772 : vector<16x1xi32> to vector<16xi32>
      %parallel_loop3A_774 = tpu.dynamic_gather %get3A_11[%parallel_loop3A_773] in [0] : vector<16xf32>, vector<16xi32> -> vector<16xf32>
      %parallel_loop3A_775 = vector.shape_cast %parallel_loop3A_771 : vector<16xi32> to vector<16x1xi32>
      %parallel_loop3A_776 = vector.shape_cast %parallel_loop3A_775 : vector<16x1xi32> to vector<16xi32>
      %parallel_loop3A_777 = tpu.dynamic_gather %get3A_14[%parallel_loop3A_776] in [0] : vector<16xf32>, vector<16xi32> -> vector<16xf32>
      %parallel_loop3A_778 = arith.constant 16 : i32
      %parallel_loop3A_779 = vector.broadcast %parallel_loop3A_778 : i32 to vector<16xi32>
      %parallel_loop3A_780 = arith.cmpi slt, %parallel_loop3A_768, %parallel_loop3A_779 : vector<16xi32>
      %parallel_loop3A_781 = arith.select %parallel_loop3A_780, %parallel_loop3A_774, %parallel_loop3A_777 : vector<16xi1>, vector<16xf32>
      %parallel_loop3A_782 = arith.constant 8 : i32
      %parallel_loop3A_783 = arith.muli %parallel_loop3A_34, %parallel_loop3A_782 : i32
      %parallel_loop3A_784 = arith.constant 3 : i32
      %parallel_loop3A_785 = arith.addi %parallel_loop3A_783, %parallel_loop3A_784 : i32
      %parallel_loop3A_786 = arith.index_cast %parallel_loop3A_785 : i32 to index
      %parallel_loop3A_787 = arith.constant 32 : index
      %parallel_loop3A_788 = tpu.vector_load %arg7[%parallel_loop3A_786, %parallel_loop3A_787] {strides = array<i32>} : memref<200x128xf32, #tpu.memory_space<vmem>>, vector<1x16xf32>,
      %parallel_loop3A_789 = vector.shape_cast %parallel_loop3A_788 : vector<1x16xf32> to vector<16xf32>
      %parallel_loop3A_790 = vector.shape_cast %parallel_loop3A_781 : vector<16xf32> to vector<1x16xf32>
      tpu.vector_store %arg7[%parallel_loop3A_786, %parallel_loop3A_787], %parallel_loop3A_790 {strides = array<i32>} : memref<200x128xf32, #tpu.memory_space<vmem>>, vector<1x16xf32>,
      %parallel_loop3A_791 = arith.constant 3 : i32
      %parallel_loop3A_792 = arith.index_cast %parallel_loop3A_34 : i32 to index
      %parallel_loop3A_793 = arith.index_cast %parallel_loop3A_791 : i32 to index
      %parallel_loop3A_794 = arith.constant 48 : index
      %parallel_loop3A_795 = tpu.vector_load %arg6[%parallel_loop3A_792, %parallel_loop3A_793, %parallel_loop3A_794] {strides = array<i32>} : memref<25x8x128xi32, #tpu.memory_space<vmem>>, vector<1x1x16xi32>,
      %parallel_loop3A_796 = vector.shape_cast %parallel_loop3A_795 : vector<1x1x16xi32> to vector<16xi32>
      %parallel_loop3A_797 = arith.constant 15 : i32
      %parallel_loop3A_798 = vector.broadcast %parallel_loop3A_797 : i32 to vector<16xi32>
      %parallel_loop3A_799 = arith.andi %parallel_loop3A_796, %parallel_loop3A_798 : vector<16xi32>
      %parallel_loop3A_800 = vector.shape_cast %parallel_loop3A_799 : vector<16xi32> to vector<16x1xi32>
      %parallel_loop3A_801 = vector.shape_cast %parallel_loop3A_800 : vector<16x1xi32> to vector<16xi32>
      %parallel_loop3A_802 = tpu.dynamic_gather %get3A_11[%parallel_loop3A_801] in [0] : vector<16xf32>, vector<16xi32> -> vector<16xf32>
      %parallel_loop3A_803 = vector.shape_cast %parallel_loop3A_799 : vector<16xi32> to vector<16x1xi32>
      %parallel_loop3A_804 = vector.shape_cast %parallel_loop3A_803 : vector<16x1xi32> to vector<16xi32>
      %parallel_loop3A_805 = tpu.dynamic_gather %get3A_14[%parallel_loop3A_804] in [0] : vector<16xf32>, vector<16xi32> -> vector<16xf32>
      %parallel_loop3A_806 = arith.constant 16 : i32
      %parallel_loop3A_807 = vector.broadcast %parallel_loop3A_806 : i32 to vector<16xi32>
      %parallel_loop3A_808 = arith.cmpi slt, %parallel_loop3A_796, %parallel_loop3A_807 : vector<16xi32>
      %parallel_loop3A_809 = arith.select %parallel_loop3A_808, %parallel_loop3A_802, %parallel_loop3A_805 : vector<16xi1>, vector<16xf32>
      %parallel_loop3A_810 = arith.constant 8 : i32
      %parallel_loop3A_811 = arith.muli %parallel_loop3A_34, %parallel_loop3A_810 : i32
      %parallel_loop3A_812 = arith.constant 3 : i32
      %parallel_loop3A_813 = arith.addi %parallel_loop3A_811, %parallel_loop3A_812 : i32
      %parallel_loop3A_814 = arith.index_cast %parallel_loop3A_813 : i32 to index
      %parallel_loop3A_815 = arith.constant 48 : index
      %parallel_loop3A_816 = tpu.vector_load %arg7[%parallel_loop3A_814, %parallel_loop3A_815] {strides = array<i32>} : memref<200x128xf32, #tpu.memory_space<vmem>>, vector<1x16xf32>,
      %parallel_loop3A_817 = vector.shape_cast %parallel_loop3A_816 : vector<1x16xf32> to vector<16xf32>
      %parallel_loop3A_818 = vector.shape_cast %parallel_loop3A_809 : vector<16xf32> to vector<1x16xf32>
      tpu.vector_store %arg7[%parallel_loop3A_814, %parallel_loop3A_815], %parallel_loop3A_818 {strides = array<i32>} : memref<200x128xf32, #tpu.memory_space<vmem>>, vector<1x16xf32>,
      %parallel_loop3A_819 = arith.constant 3 : i32
      %parallel_loop3A_820 = arith.index_cast %parallel_loop3A_34 : i32 to index
      %parallel_loop3A_821 = arith.index_cast %parallel_loop3A_819 : i32 to index
      %parallel_loop3A_822 = arith.constant 64 : index
      %parallel_loop3A_823 = tpu.vector_load %arg6[%parallel_loop3A_820, %parallel_loop3A_821, %parallel_loop3A_822] {strides = array<i32>} : memref<25x8x128xi32, #tpu.memory_space<vmem>>, vector<1x1x16xi32>,
      %parallel_loop3A_824 = vector.shape_cast %parallel_loop3A_823 : vector<1x1x16xi32> to vector<16xi32>
      %parallel_loop3A_825 = arith.constant 15 : i32
      %parallel_loop3A_826 = vector.broadcast %parallel_loop3A_825 : i32 to vector<16xi32>
      %parallel_loop3A_827 = arith.andi %parallel_loop3A_824, %parallel_loop3A_826 : vector<16xi32>
      %parallel_loop3A_828 = vector.shape_cast %parallel_loop3A_827 : vector<16xi32> to vector<16x1xi32>
      %parallel_loop3A_829 = vector.shape_cast %parallel_loop3A_828 : vector<16x1xi32> to vector<16xi32>
      %parallel_loop3A_830 = tpu.dynamic_gather %get3A_11[%parallel_loop3A_829] in [0] : vector<16xf32>, vector<16xi32> -> vector<16xf32>
      %parallel_loop3A_831 = vector.shape_cast %parallel_loop3A_827 : vector<16xi32> to vector<16x1xi32>
      %parallel_loop3A_832 = vector.shape_cast %parallel_loop3A_831 : vector<16x1xi32> to vector<16xi32>
      %parallel_loop3A_833 = tpu.dynamic_gather %get3A_14[%parallel_loop3A_832] in [0] : vector<16xf32>, vector<16xi32> -> vector<16xf32>
      %parallel_loop3A_834 = arith.constant 16 : i32
      %parallel_loop3A_835 = vector.broadcast %parallel_loop3A_834 : i32 to vector<16xi32>
      %parallel_loop3A_836 = arith.cmpi slt, %parallel_loop3A_824, %parallel_loop3A_835 : vector<16xi32>
      %parallel_loop3A_837 = arith.select %parallel_loop3A_836, %parallel_loop3A_830, %parallel_loop3A_833 : vector<16xi1>, vector<16xf32>
      %parallel_loop3A_838 = arith.constant 8 : i32
      %parallel_loop3A_839 = arith.muli %parallel_loop3A_34, %parallel_loop3A_838 : i32
      %parallel_loop3A_840 = arith.constant 3 : i32
      %parallel_loop3A_841 = arith.addi %parallel_loop3A_839, %parallel_loop3A_840 : i32
      %parallel_loop3A_842 = arith.index_cast %parallel_loop3A_841 : i32 to index
      %parallel_loop3A_843 = arith.constant 64 : index
      %parallel_loop3A_844 = tpu.vector_load %arg7[%parallel_loop3A_842, %parallel_loop3A_843] {strides = array<i32>} : memref<200x128xf32, #tpu.memory_space<vmem>>, vector<1x16xf32>,
      %parallel_loop3A_845 = vector.shape_cast %parallel_loop3A_844 : vector<1x16xf32> to vector<16xf32>
      %parallel_loop3A_846 = vector.shape_cast %parallel_loop3A_837 : vector<16xf32> to vector<1x16xf32>
      tpu.vector_store %arg7[%parallel_loop3A_842, %parallel_loop3A_843], %parallel_loop3A_846 {strides = array<i32>} : memref<200x128xf32, #tpu.memory_space<vmem>>, vector<1x16xf32>,
      %parallel_loop3A_847 = arith.constant 3 : i32
      %parallel_loop3A_848 = arith.index_cast %parallel_loop3A_34 : i32 to index
      %parallel_loop3A_849 = arith.index_cast %parallel_loop3A_847 : i32 to index
      %parallel_loop3A_850 = arith.constant 80 : index
      %parallel_loop3A_851 = tpu.vector_load %arg6[%parallel_loop3A_848, %parallel_loop3A_849, %parallel_loop3A_850] {strides = array<i32>} : memref<25x8x128xi32, #tpu.memory_space<vmem>>, vector<1x1x16xi32>,
      %parallel_loop3A_852 = vector.shape_cast %parallel_loop3A_851 : vector<1x1x16xi32> to vector<16xi32>
      %parallel_loop3A_853 = arith.constant 15 : i32
      %parallel_loop3A_854 = vector.broadcast %parallel_loop3A_853 : i32 to vector<16xi32>
      %parallel_loop3A_855 = arith.andi %parallel_loop3A_852, %parallel_loop3A_854 : vector<16xi32>
      %parallel_loop3A_856 = vector.shape_cast %parallel_loop3A_855 : vector<16xi32> to vector<16x1xi32>
      %parallel_loop3A_857 = vector.shape_cast %parallel_loop3A_856 : vector<16x1xi32> to vector<16xi32>
      %parallel_loop3A_858 = tpu.dynamic_gather %get3A_11[%parallel_loop3A_857] in [0] : vector<16xf32>, vector<16xi32> -> vector<16xf32>
      %parallel_loop3A_859 = vector.shape_cast %parallel_loop3A_855 : vector<16xi32> to vector<16x1xi32>
      %parallel_loop3A_860 = vector.shape_cast %parallel_loop3A_859 : vector<16x1xi32> to vector<16xi32>
      %parallel_loop3A_861 = tpu.dynamic_gather %get3A_14[%parallel_loop3A_860] in [0] : vector<16xf32>, vector<16xi32> -> vector<16xf32>
      %parallel_loop3A_862 = arith.constant 16 : i32
      %parallel_loop3A_863 = vector.broadcast %parallel_loop3A_862 : i32 to vector<16xi32>
      %parallel_loop3A_864 = arith.cmpi slt, %parallel_loop3A_852, %parallel_loop3A_863 : vector<16xi32>
      %parallel_loop3A_865 = arith.select %parallel_loop3A_864, %parallel_loop3A_858, %parallel_loop3A_861 : vector<16xi1>, vector<16xf32>
      %parallel_loop3A_866 = arith.constant 8 : i32
      %parallel_loop3A_867 = arith.muli %parallel_loop3A_34, %parallel_loop3A_866 : i32
      %parallel_loop3A_868 = arith.constant 3 : i32
      %parallel_loop3A_869 = arith.addi %parallel_loop3A_867, %parallel_loop3A_868 : i32
      %parallel_loop3A_870 = arith.index_cast %parallel_loop3A_869 : i32 to index
      %parallel_loop3A_871 = arith.constant 80 : index
      %parallel_loop3A_872 = tpu.vector_load %arg7[%parallel_loop3A_870, %parallel_loop3A_871] {strides = array<i32>} : memref<200x128xf32, #tpu.memory_space<vmem>>, vector<1x16xf32>,
      %parallel_loop3A_873 = vector.shape_cast %parallel_loop3A_872 : vector<1x16xf32> to vector<16xf32>
      %parallel_loop3A_874 = vector.shape_cast %parallel_loop3A_865 : vector<16xf32> to vector<1x16xf32>
      tpu.vector_store %arg7[%parallel_loop3A_870, %parallel_loop3A_871], %parallel_loop3A_874 {strides = array<i32>} : memref<200x128xf32, #tpu.memory_space<vmem>>, vector<1x16xf32>,
      %parallel_loop3A_875 = arith.constant 3 : i32
      %parallel_loop3A_876 = arith.index_cast %parallel_loop3A_34 : i32 to index
      %parallel_loop3A_877 = arith.index_cast %parallel_loop3A_875 : i32 to index
      %parallel_loop3A_878 = arith.constant 96 : index
      %parallel_loop3A_879 = tpu.vector_load %arg6[%parallel_loop3A_876, %parallel_loop3A_877, %parallel_loop3A_878] {strides = array<i32>} : memref<25x8x128xi32, #tpu.memory_space<vmem>>, vector<1x1x16xi32>,
      %parallel_loop3A_880 = vector.shape_cast %parallel_loop3A_879 : vector<1x1x16xi32> to vector<16xi32>
      %parallel_loop3A_881 = arith.constant 15 : i32
      %parallel_loop3A_882 = vector.broadcast %parallel_loop3A_881 : i32 to vector<16xi32>
      %parallel_loop3A_883 = arith.andi %parallel_loop3A_880, %parallel_loop3A_882 : vector<16xi32>
      %parallel_loop3A_884 = vector.shape_cast %parallel_loop3A_883 : vector<16xi32> to vector<16x1xi32>
      %parallel_loop3A_885 = vector.shape_cast %parallel_loop3A_884 : vector<16x1xi32> to vector<16xi32>
      %parallel_loop3A_886 = tpu.dynamic_gather %get3A_11[%parallel_loop3A_885] in [0] : vector<16xf32>, vector<16xi32> -> vector<16xf32>
      %parallel_loop3A_887 = vector.shape_cast %parallel_loop3A_883 : vector<16xi32> to vector<16x1xi32>
      %parallel_loop3A_888 = vector.shape_cast %parallel_loop3A_887 : vector<16x1xi32> to vector<16xi32>
      %parallel_loop3A_889 = tpu.dynamic_gather %get3A_14[%parallel_loop3A_888] in [0] : vector<16xf32>, vector<16xi32> -> vector<16xf32>
      %parallel_loop3A_890 = arith.constant 16 : i32
      %parallel_loop3A_891 = vector.broadcast %parallel_loop3A_890 : i32 to vector<16xi32>
      %parallel_loop3A_892 = arith.cmpi slt, %parallel_loop3A_880, %parallel_loop3A_891 : vector<16xi32>
      %parallel_loop3A_893 = arith.select %parallel_loop3A_892, %parallel_loop3A_886, %parallel_loop3A_889 : vector<16xi1>, vector<16xf32>
      %parallel_loop3A_894 = arith.constant 8 : i32
      %parallel_loop3A_895 = arith.muli %parallel_loop3A_34, %parallel_loop3A_894 : i32
      %parallel_loop3A_896 = arith.constant 3 : i32
      %parallel_loop3A_897 = arith.addi %parallel_loop3A_895, %parallel_loop3A_896 : i32
      %parallel_loop3A_898 = arith.index_cast %parallel_loop3A_897 : i32 to index
      %parallel_loop3A_899 = arith.constant 96 : index
      %parallel_loop3A_900 = tpu.vector_load %arg7[%parallel_loop3A_898, %parallel_loop3A_899] {strides = array<i32>} : memref<200x128xf32, #tpu.memory_space<vmem>>, vector<1x16xf32>,
      %parallel_loop3A_901 = vector.shape_cast %parallel_loop3A_900 : vector<1x16xf32> to vector<16xf32>
      %parallel_loop3A_902 = vector.shape_cast %parallel_loop3A_893 : vector<16xf32> to vector<1x16xf32>
      tpu.vector_store %arg7[%parallel_loop3A_898, %parallel_loop3A_899], %parallel_loop3A_902 {strides = array<i32>} : memref<200x128xf32, #tpu.memory_space<vmem>>, vector<1x16xf32>,
      %parallel_loop3A_903 = arith.constant 3 : i32
      %parallel_loop3A_904 = arith.index_cast %parallel_loop3A_34 : i32 to index
      %parallel_loop3A_905 = arith.index_cast %parallel_loop3A_903 : i32 to index
      %parallel_loop3A_906 = arith.constant 112 : index
      %parallel_loop3A_907 = tpu.vector_load %arg6[%parallel_loop3A_904, %parallel_loop3A_905, %parallel_loop3A_906] {strides = array<i32>} : memref<25x8x128xi32, #tpu.memory_space<vmem>>, vector<1x1x16xi32>,
      %parallel_loop3A_908 = vector.shape_cast %parallel_loop3A_907 : vector<1x1x16xi32> to vector<16xi32>
      %parallel_loop3A_909 = arith.constant 15 : i32
      %parallel_loop3A_910 = vector.broadcast %parallel_loop3A_909 : i32 to vector<16xi32>
      %parallel_loop3A_911 = arith.andi %parallel_loop3A_908, %parallel_loop3A_910 : vector<16xi32>
      %parallel_loop3A_912 = vector.shape_cast %parallel_loop3A_911 : vector<16xi32> to vector<16x1xi32>
      %parallel_loop3A_913 = vector.shape_cast %parallel_loop3A_912 : vector<16x1xi32> to vector<16xi32>
      %parallel_loop3A_914 = tpu.dynamic_gather %get3A_11[%parallel_loop3A_913] in [0] : vector<16xf32>, vector<16xi32> -> vector<16xf32>
      %parallel_loop3A_915 = vector.shape_cast %parallel_loop3A_911 : vector<16xi32> to vector<16x1xi32>
      %parallel_loop3A_916 = vector.shape_cast %parallel_loop3A_915 : vector<16x1xi32> to vector<16xi32>
      %parallel_loop3A_917 = tpu.dynamic_gather %get3A_14[%parallel_loop3A_916] in [0] : vector<16xf32>, vector<16xi32> -> vector<16xf32>
      %parallel_loop3A_918 = arith.constant 16 : i32
      %parallel_loop3A_919 = vector.broadcast %parallel_loop3A_918 : i32 to vector<16xi32>
      %parallel_loop3A_920 = arith.cmpi slt, %parallel_loop3A_908, %parallel_loop3A_919 : vector<16xi32>
      %parallel_loop3A_921 = arith.select %parallel_loop3A_920, %parallel_loop3A_914, %parallel_loop3A_917 : vector<16xi1>, vector<16xf32>
      %parallel_loop3A_922 = arith.constant 8 : i32
      %parallel_loop3A_923 = arith.muli %parallel_loop3A_34, %parallel_loop3A_922 : i32
      %parallel_loop3A_924 = arith.constant 3 : i32
      %parallel_loop3A_925 = arith.addi %parallel_loop3A_923, %parallel_loop3A_924 : i32
      %parallel_loop3A_926 = arith.index_cast %parallel_loop3A_925 : i32 to index
      %parallel_loop3A_927 = arith.constant 112 : index
      %parallel_loop3A_928 = tpu.vector_load %arg7[%parallel_loop3A_926, %parallel_loop3A_927] {strides = array<i32>} : memref<200x128xf32, #tpu.memory_space<vmem>>, vector<1x16xf32>,
      %parallel_loop3A_929 = vector.shape_cast %parallel_loop3A_928 : vector<1x16xf32> to vector<16xf32>
      %parallel_loop3A_930 = vector.shape_cast %parallel_loop3A_921 : vector<16xf32> to vector<1x16xf32>
      tpu.vector_store %arg7[%parallel_loop3A_926, %parallel_loop3A_927], %parallel_loop3A_930 {strides = array<i32>} : memref<200x128xf32, #tpu.memory_space<vmem>>, vector<1x16xf32>,
      %parallel_loop3A_931 = arith.constant 4 : i32
      %parallel_loop3A_932 = arith.index_cast %parallel_loop3A_34 : i32 to index
      %parallel_loop3A_933 = arith.index_cast %parallel_loop3A_931 : i32 to index
      %parallel_loop3A_934 = arith.constant 0 : index
      %parallel_loop3A_935 = tpu.vector_load %arg6[%parallel_loop3A_932, %parallel_loop3A_933, %parallel_loop3A_934] {strides = array<i32>} : memref<25x8x128xi32, #tpu.memory_space<vmem>>, vector<1x1x16xi32>,
      %parallel_loop3A_936 = vector.shape_cast %parallel_loop3A_935 : vector<1x1x16xi32> to vector<16xi32>
      %parallel_loop3A_937 = arith.constant 15 : i32
      %parallel_loop3A_938 = vector.broadcast %parallel_loop3A_937 : i32 to vector<16xi32>
      %parallel_loop3A_939 = arith.andi %parallel_loop3A_936, %parallel_loop3A_938 : vector<16xi32>
      %parallel_loop3A_940 = vector.shape_cast %parallel_loop3A_939 : vector<16xi32> to vector<16x1xi32>
      %parallel_loop3A_941 = vector.shape_cast %parallel_loop3A_940 : vector<16x1xi32> to vector<16xi32>
      %parallel_loop3A_942 = tpu.dynamic_gather %get3A_11[%parallel_loop3A_941] in [0] : vector<16xf32>, vector<16xi32> -> vector<16xf32>
      %parallel_loop3A_943 = vector.shape_cast %parallel_loop3A_939 : vector<16xi32> to vector<16x1xi32>
      %parallel_loop3A_944 = vector.shape_cast %parallel_loop3A_943 : vector<16x1xi32> to vector<16xi32>
      %parallel_loop3A_945 = tpu.dynamic_gather %get3A_14[%parallel_loop3A_944] in [0] : vector<16xf32>, vector<16xi32> -> vector<16xf32>
      %parallel_loop3A_946 = arith.constant 16 : i32
      %parallel_loop3A_947 = vector.broadcast %parallel_loop3A_946 : i32 to vector<16xi32>
      %parallel_loop3A_948 = arith.cmpi slt, %parallel_loop3A_936, %parallel_loop3A_947 : vector<16xi32>
      %parallel_loop3A_949 = arith.select %parallel_loop3A_948, %parallel_loop3A_942, %parallel_loop3A_945 : vector<16xi1>, vector<16xf32>
      %parallel_loop3A_950 = arith.constant 8 : i32
      %parallel_loop3A_951 = arith.muli %parallel_loop3A_34, %parallel_loop3A_950 : i32
      %parallel_loop3A_952 = arith.constant 4 : i32
      %parallel_loop3A_953 = arith.addi %parallel_loop3A_951, %parallel_loop3A_952 : i32
      %parallel_loop3A_954 = arith.index_cast %parallel_loop3A_953 : i32 to index
      %parallel_loop3A_955 = arith.constant 0 : index
      %parallel_loop3A_956 = tpu.vector_load %arg7[%parallel_loop3A_954, %parallel_loop3A_955] {strides = array<i32>} : memref<200x128xf32, #tpu.memory_space<vmem>>, vector<1x16xf32>,
      %parallel_loop3A_957 = vector.shape_cast %parallel_loop3A_956 : vector<1x16xf32> to vector<16xf32>
      %parallel_loop3A_958 = vector.shape_cast %parallel_loop3A_949 : vector<16xf32> to vector<1x16xf32>
      tpu.vector_store %arg7[%parallel_loop3A_954, %parallel_loop3A_955], %parallel_loop3A_958 {strides = array<i32>} : memref<200x128xf32, #tpu.memory_space<vmem>>, vector<1x16xf32>,
      %parallel_loop3A_959 = arith.constant 4 : i32
      %parallel_loop3A_960 = arith.index_cast %parallel_loop3A_34 : i32 to index
      %parallel_loop3A_961 = arith.index_cast %parallel_loop3A_959 : i32 to index
      %parallel_loop3A_962 = arith.constant 16 : index
      %parallel_loop3A_963 = tpu.vector_load %arg6[%parallel_loop3A_960, %parallel_loop3A_961, %parallel_loop3A_962] {strides = array<i32>} : memref<25x8x128xi32, #tpu.memory_space<vmem>>, vector<1x1x16xi32>,
      %parallel_loop3A_964 = vector.shape_cast %parallel_loop3A_963 : vector<1x1x16xi32> to vector<16xi32>
      %parallel_loop3A_965 = arith.constant 15 : i32
      %parallel_loop3A_966 = vector.broadcast %parallel_loop3A_965 : i32 to vector<16xi32>
      %parallel_loop3A_967 = arith.andi %parallel_loop3A_964, %parallel_loop3A_966 : vector<16xi32>
      %parallel_loop3A_968 = vector.shape_cast %parallel_loop3A_967 : vector<16xi32> to vector<16x1xi32>
      %parallel_loop3A_969 = vector.shape_cast %parallel_loop3A_968 : vector<16x1xi32> to vector<16xi32>
      %parallel_loop3A_970 = tpu.dynamic_gather %get3A_11[%parallel_loop3A_969] in [0] : vector<16xf32>, vector<16xi32> -> vector<16xf32>
      %parallel_loop3A_971 = vector.shape_cast %parallel_loop3A_967 : vector<16xi32> to vector<16x1xi32>
      %parallel_loop3A_972 = vector.shape_cast %parallel_loop3A_971 : vector<16x1xi32> to vector<16xi32>
      %parallel_loop3A_973 = tpu.dynamic_gather %get3A_14[%parallel_loop3A_972] in [0] : vector<16xf32>, vector<16xi32> -> vector<16xf32>
      %parallel_loop3A_974 = arith.constant 16 : i32
      %parallel_loop3A_975 = vector.broadcast %parallel_loop3A_974 : i32 to vector<16xi32>
      %parallel_loop3A_976 = arith.cmpi slt, %parallel_loop3A_964, %parallel_loop3A_975 : vector<16xi32>
      %parallel_loop3A_977 = arith.select %parallel_loop3A_976, %parallel_loop3A_970, %parallel_loop3A_973 : vector<16xi1>, vector<16xf32>
      %parallel_loop3A_978 = arith.constant 8 : i32
      %parallel_loop3A_979 = arith.muli %parallel_loop3A_34, %parallel_loop3A_978 : i32
      %parallel_loop3A_980 = arith.constant 4 : i32
      %parallel_loop3A_981 = arith.addi %parallel_loop3A_979, %parallel_loop3A_980 : i32
      %parallel_loop3A_982 = arith.index_cast %parallel_loop3A_981 : i32 to index
      %parallel_loop3A_983 = arith.constant 16 : index
      %parallel_loop3A_984 = tpu.vector_load %arg7[%parallel_loop3A_982, %parallel_loop3A_983] {strides = array<i32>} : memref<200x128xf32, #tpu.memory_space<vmem>>, vector<1x16xf32>,
      %parallel_loop3A_985 = vector.shape_cast %parallel_loop3A_984 : vector<1x16xf32> to vector<16xf32>
      %parallel_loop3A_986 = vector.shape_cast %parallel_loop3A_977 : vector<16xf32> to vector<1x16xf32>
      tpu.vector_store %arg7[%parallel_loop3A_982, %parallel_loop3A_983], %parallel_loop3A_986 {strides = array<i32>} : memref<200x128xf32, #tpu.memory_space<vmem>>, vector<1x16xf32>,
      %parallel_loop3A_987 = arith.constant 4 : i32
      %parallel_loop3A_988 = arith.index_cast %parallel_loop3A_34 : i32 to index
      %parallel_loop3A_989 = arith.index_cast %parallel_loop3A_987 : i32 to index
      %parallel_loop3A_990 = arith.constant 32 : index
      %parallel_loop3A_991 = tpu.vector_load %arg6[%parallel_loop3A_988, %parallel_loop3A_989, %parallel_loop3A_990] {strides = array<i32>} : memref<25x8x128xi32, #tpu.memory_space<vmem>>, vector<1x1x16xi32>,
      %parallel_loop3A_992 = vector.shape_cast %parallel_loop3A_991 : vector<1x1x16xi32> to vector<16xi32>
      %parallel_loop3A_993 = arith.constant 15 : i32
      %parallel_loop3A_994 = vector.broadcast %parallel_loop3A_993 : i32 to vector<16xi32>
      %parallel_loop3A_995 = arith.andi %parallel_loop3A_992, %parallel_loop3A_994 : vector<16xi32>
      %parallel_loop3A_996 = vector.shape_cast %parallel_loop3A_995 : vector<16xi32> to vector<16x1xi32>
      %parallel_loop3A_997 = vector.shape_cast %parallel_loop3A_996 : vector<16x1xi32> to vector<16xi32>
      %parallel_loop3A_998 = tpu.dynamic_gather %get3A_11[%parallel_loop3A_997] in [0] : vector<16xf32>, vector<16xi32> -> vector<16xf32>
      %parallel_loop3A_999 = vector.shape_cast %parallel_loop3A_995 : vector<16xi32> to vector<16x1xi32>
      %parallel_loop3A_1000 = vector.shape_cast %parallel_loop3A_999 : vector<16x1xi32> to vector<16xi32>
      %parallel_loop3A_1001 = tpu.dynamic_gather %get3A_14[%parallel_loop3A_1000] in [0] : vector<16xf32>, vector<16xi32> -> vector<16xf32>
      %parallel_loop3A_1002 = arith.constant 16 : i32
      %parallel_loop3A_1003 = vector.broadcast %parallel_loop3A_1002 : i32 to vector<16xi32>
      %parallel_loop3A_1004 = arith.cmpi slt, %parallel_loop3A_992, %parallel_loop3A_1003 : vector<16xi32>
      %parallel_loop3A_1005 = arith.select %parallel_loop3A_1004, %parallel_loop3A_998, %parallel_loop3A_1001 : vector<16xi1>, vector<16xf32>
      %parallel_loop3A_1006 = arith.constant 8 : i32
      %parallel_loop3A_1007 = arith.muli %parallel_loop3A_34, %parallel_loop3A_1006 : i32
      %parallel_loop3A_1008 = arith.constant 4 : i32
      %parallel_loop3A_1009 = arith.addi %parallel_loop3A_1007, %parallel_loop3A_1008 : i32
      %parallel_loop3A_1010 = arith.index_cast %parallel_loop3A_1009 : i32 to index
      %parallel_loop3A_1011 = arith.constant 32 : index
      %parallel_loop3A_1012 = tpu.vector_load %arg7[%parallel_loop3A_1010, %parallel_loop3A_1011] {strides = array<i32>} : memref<200x128xf32, #tpu.memory_space<vmem>>, vector<1x16xf32>,
      %parallel_loop3A_1013 = vector.shape_cast %parallel_loop3A_1012 : vector<1x16xf32> to vector<16xf32>
      %parallel_loop3A_1014 = vector.shape_cast %parallel_loop3A_1005 : vector<16xf32> to vector<1x16xf32>
      tpu.vector_store %arg7[%parallel_loop3A_1010, %parallel_loop3A_1011], %parallel_loop3A_1014 {strides = array<i32>} : memref<200x128xf32, #tpu.memory_space<vmem>>, vector<1x16xf32>,
      %parallel_loop3A_1015 = arith.constant 4 : i32
      %parallel_loop3A_1016 = arith.index_cast %parallel_loop3A_34 : i32 to index
      %parallel_loop3A_1017 = arith.index_cast %parallel_loop3A_1015 : i32 to index
      %parallel_loop3A_1018 = arith.constant 48 : index
      %parallel_loop3A_1019 = tpu.vector_load %arg6[%parallel_loop3A_1016, %parallel_loop3A_1017, %parallel_loop3A_1018] {strides = array<i32>} : memref<25x8x128xi32, #tpu.memory_space<vmem>>, vector<1x1x16xi32>,
      %parallel_loop3A_1020 = vector.shape_cast %parallel_loop3A_1019 : vector<1x1x16xi32> to vector<16xi32>
      %parallel_loop3A_1021 = arith.constant 15 : i32
      %parallel_loop3A_1022 = vector.broadcast %parallel_loop3A_1021 : i32 to vector<16xi32>
      %parallel_loop3A_1023 = arith.andi %parallel_loop3A_1020, %parallel_loop3A_1022 : vector<16xi32>
      %parallel_loop3A_1024 = vector.shape_cast %parallel_loop3A_1023 : vector<16xi32> to vector<16x1xi32>
      %parallel_loop3A_1025 = vector.shape_cast %parallel_loop3A_1024 : vector<16x1xi32> to vector<16xi32>
      %parallel_loop3A_1026 = tpu.dynamic_gather %get3A_11[%parallel_loop3A_1025] in [0] : vector<16xf32>, vector<16xi32> -> vector<16xf32>
      %parallel_loop3A_1027 = vector.shape_cast %parallel_loop3A_1023 : vector<16xi32> to vector<16x1xi32>
      %parallel_loop3A_1028 = vector.shape_cast %parallel_loop3A_1027 : vector<16x1xi32> to vector<16xi32>
      %parallel_loop3A_1029 = tpu.dynamic_gather %get3A_14[%parallel_loop3A_1028] in [0] : vector<16xf32>, vector<16xi32> -> vector<16xf32>
      %parallel_loop3A_1030 = arith.constant 16 : i32
      %parallel_loop3A_1031 = vector.broadcast %parallel_loop3A_1030 : i32 to vector<16xi32>
      %parallel_loop3A_1032 = arith.cmpi slt, %parallel_loop3A_1020, %parallel_loop3A_1031 : vector<16xi32>
      %parallel_loop3A_1033 = arith.select %parallel_loop3A_1032, %parallel_loop3A_1026, %parallel_loop3A_1029 : vector<16xi1>, vector<16xf32>
      %parallel_loop3A_1034 = arith.constant 8 : i32
      %parallel_loop3A_1035 = arith.muli %parallel_loop3A_34, %parallel_loop3A_1034 : i32
      %parallel_loop3A_1036 = arith.constant 4 : i32
      %parallel_loop3A_1037 = arith.addi %parallel_loop3A_1035, %parallel_loop3A_1036 : i32
      %parallel_loop3A_1038 = arith.index_cast %parallel_loop3A_1037 : i32 to index
      %parallel_loop3A_1039 = arith.constant 48 : index
      %parallel_loop3A_1040 = tpu.vector_load %arg7[%parallel_loop3A_1038, %parallel_loop3A_1039] {strides = array<i32>} : memref<200x128xf32, #tpu.memory_space<vmem>>, vector<1x16xf32>,
      %parallel_loop3A_1041 = vector.shape_cast %parallel_loop3A_1040 : vector<1x16xf32> to vector<16xf32>
      %parallel_loop3A_1042 = vector.shape_cast %parallel_loop3A_1033 : vector<16xf32> to vector<1x16xf32>
      tpu.vector_store %arg7[%parallel_loop3A_1038, %parallel_loop3A_1039], %parallel_loop3A_1042 {strides = array<i32>} : memref<200x128xf32, #tpu.memory_space<vmem>>, vector<1x16xf32>,
      %parallel_loop3A_1043 = arith.constant 4 : i32
      %parallel_loop3A_1044 = arith.index_cast %parallel_loop3A_34 : i32 to index
      %parallel_loop3A_1045 = arith.index_cast %parallel_loop3A_1043 : i32 to index
      %parallel_loop3A_1046 = arith.constant 64 : index
      %parallel_loop3A_1047 = tpu.vector_load %arg6[%parallel_loop3A_1044, %parallel_loop3A_1045, %parallel_loop3A_1046] {strides = array<i32>} : memref<25x8x128xi32, #tpu.memory_space<vmem>>, vector<1x1x16xi32>,
      %parallel_loop3A_1048 = vector.shape_cast %parallel_loop3A_1047 : vector<1x1x16xi32> to vector<16xi32>
      %parallel_loop3A_1049 = arith.constant 15 : i32
      %parallel_loop3A_1050 = vector.broadcast %parallel_loop3A_1049 : i32 to vector<16xi32>
      %parallel_loop3A_1051 = arith.andi %parallel_loop3A_1048, %parallel_loop3A_1050 : vector<16xi32>
      %parallel_loop3A_1052 = vector.shape_cast %parallel_loop3A_1051 : vector<16xi32> to vector<16x1xi32>
      %parallel_loop3A_1053 = vector.shape_cast %parallel_loop3A_1052 : vector<16x1xi32> to vector<16xi32>
      %parallel_loop3A_1054 = tpu.dynamic_gather %get3A_11[%parallel_loop3A_1053] in [0] : vector<16xf32>, vector<16xi32> -> vector<16xf32>
      %parallel_loop3A_1055 = vector.shape_cast %parallel_loop3A_1051 : vector<16xi32> to vector<16x1xi32>
      %parallel_loop3A_1056 = vector.shape_cast %parallel_loop3A_1055 : vector<16x1xi32> to vector<16xi32>
      %parallel_loop3A_1057 = tpu.dynamic_gather %get3A_14[%parallel_loop3A_1056] in [0] : vector<16xf32>, vector<16xi32> -> vector<16xf32>
      %parallel_loop3A_1058 = arith.constant 16 : i32
      %parallel_loop3A_1059 = vector.broadcast %parallel_loop3A_1058 : i32 to vector<16xi32>
      %parallel_loop3A_1060 = arith.cmpi slt, %parallel_loop3A_1048, %parallel_loop3A_1059 : vector<16xi32>
      %parallel_loop3A_1061 = arith.select %parallel_loop3A_1060, %parallel_loop3A_1054, %parallel_loop3A_1057 : vector<16xi1>, vector<16xf32>
      %parallel_loop3A_1062 = arith.constant 8 : i32
      %parallel_loop3A_1063 = arith.muli %parallel_loop3A_34, %parallel_loop3A_1062 : i32
      %parallel_loop3A_1064 = arith.constant 4 : i32
      %parallel_loop3A_1065 = arith.addi %parallel_loop3A_1063, %parallel_loop3A_1064 : i32
      %parallel_loop3A_1066 = arith.index_cast %parallel_loop3A_1065 : i32 to index
      %parallel_loop3A_1067 = arith.constant 64 : index
      %parallel_loop3A_1068 = tpu.vector_load %arg7[%parallel_loop3A_1066, %parallel_loop3A_1067] {strides = array<i32>} : memref<200x128xf32, #tpu.memory_space<vmem>>, vector<1x16xf32>,
      %parallel_loop3A_1069 = vector.shape_cast %parallel_loop3A_1068 : vector<1x16xf32> to vector<16xf32>
      %parallel_loop3A_1070 = vector.shape_cast %parallel_loop3A_1061 : vector<16xf32> to vector<1x16xf32>
      tpu.vector_store %arg7[%parallel_loop3A_1066, %parallel_loop3A_1067], %parallel_loop3A_1070 {strides = array<i32>} : memref<200x128xf32, #tpu.memory_space<vmem>>, vector<1x16xf32>,
      %parallel_loop3A_1071 = arith.constant 4 : i32
      %parallel_loop3A_1072 = arith.index_cast %parallel_loop3A_34 : i32 to index
      %parallel_loop3A_1073 = arith.index_cast %parallel_loop3A_1071 : i32 to index
      %parallel_loop3A_1074 = arith.constant 80 : index
      %parallel_loop3A_1075 = tpu.vector_load %arg6[%parallel_loop3A_1072, %parallel_loop3A_1073, %parallel_loop3A_1074] {strides = array<i32>} : memref<25x8x128xi32, #tpu.memory_space<vmem>>, vector<1x1x16xi32>,
      %parallel_loop3A_1076 = vector.shape_cast %parallel_loop3A_1075 : vector<1x1x16xi32> to vector<16xi32>
      %parallel_loop3A_1077 = arith.constant 15 : i32
      %parallel_loop3A_1078 = vector.broadcast %parallel_loop3A_1077 : i32 to vector<16xi32>
      %parallel_loop3A_1079 = arith.andi %parallel_loop3A_1076, %parallel_loop3A_1078 : vector<16xi32>
      %parallel_loop3A_1080 = vector.shape_cast %parallel_loop3A_1079 : vector<16xi32> to vector<16x1xi32>
      %parallel_loop3A_1081 = vector.shape_cast %parallel_loop3A_1080 : vector<16x1xi32> to vector<16xi32>
      %parallel_loop3A_1082 = tpu.dynamic_gather %get3A_11[%parallel_loop3A_1081] in [0] : vector<16xf32>, vector<16xi32> -> vector<16xf32>
      %parallel_loop3A_1083 = vector.shape_cast %parallel_loop3A_1079 : vector<16xi32> to vector<16x1xi32>
      %parallel_loop3A_1084 = vector.shape_cast %parallel_loop3A_1083 : vector<16x1xi32> to vector<16xi32>
      %parallel_loop3A_1085 = tpu.dynamic_gather %get3A_14[%parallel_loop3A_1084] in [0] : vector<16xf32>, vector<16xi32> -> vector<16xf32>
      %parallel_loop3A_1086 = arith.constant 16 : i32
      %parallel_loop3A_1087 = vector.broadcast %parallel_loop3A_1086 : i32 to vector<16xi32>
      %parallel_loop3A_1088 = arith.cmpi slt, %parallel_loop3A_1076, %parallel_loop3A_1087 : vector<16xi32>
      %parallel_loop3A_1089 = arith.select %parallel_loop3A_1088, %parallel_loop3A_1082, %parallel_loop3A_1085 : vector<16xi1>, vector<16xf32>
      %parallel_loop3A_1090 = arith.constant 8 : i32
      %parallel_loop3A_1091 = arith.muli %parallel_loop3A_34, %parallel_loop3A_1090 : i32
      %parallel_loop3A_1092 = arith.constant 4 : i32
      %parallel_loop3A_1093 = arith.addi %parallel_loop3A_1091, %parallel_loop3A_1092 : i32
      %parallel_loop3A_1094 = arith.index_cast %parallel_loop3A_1093 : i32 to index
      %parallel_loop3A_1095 = arith.constant 80 : index
      %parallel_loop3A_1096 = tpu.vector_load %arg7[%parallel_loop3A_1094, %parallel_loop3A_1095] {strides = array<i32>} : memref<200x128xf32, #tpu.memory_space<vmem>>, vector<1x16xf32>,
      %parallel_loop3A_1097 = vector.shape_cast %parallel_loop3A_1096 : vector<1x16xf32> to vector<16xf32>
      %parallel_loop3A_1098 = vector.shape_cast %parallel_loop3A_1089 : vector<16xf32> to vector<1x16xf32>
      tpu.vector_store %arg7[%parallel_loop3A_1094, %parallel_loop3A_1095], %parallel_loop3A_1098 {strides = array<i32>} : memref<200x128xf32, #tpu.memory_space<vmem>>, vector<1x16xf32>,
      %parallel_loop3A_1099 = arith.constant 4 : i32
      %parallel_loop3A_1100 = arith.index_cast %parallel_loop3A_34 : i32 to index
      %parallel_loop3A_1101 = arith.index_cast %parallel_loop3A_1099 : i32 to index
      %parallel_loop3A_1102 = arith.constant 96 : index
      %parallel_loop3A_1103 = tpu.vector_load %arg6[%parallel_loop3A_1100, %parallel_loop3A_1101, %parallel_loop3A_1102] {strides = array<i32>} : memref<25x8x128xi32, #tpu.memory_space<vmem>>, vector<1x1x16xi32>,
      %parallel_loop3A_1104 = vector.shape_cast %parallel_loop3A_1103 : vector<1x1x16xi32> to vector<16xi32>
      %parallel_loop3A_1105 = arith.constant 15 : i32
      %parallel_loop3A_1106 = vector.broadcast %parallel_loop3A_1105 : i32 to vector<16xi32>
      %parallel_loop3A_1107 = arith.andi %parallel_loop3A_1104, %parallel_loop3A_1106 : vector<16xi32>
      %parallel_loop3A_1108 = vector.shape_cast %parallel_loop3A_1107 : vector<16xi32> to vector<16x1xi32>
      %parallel_loop3A_1109 = vector.shape_cast %parallel_loop3A_1108 : vector<16x1xi32> to vector<16xi32>
      %parallel_loop3A_1110 = tpu.dynamic_gather %get3A_11[%parallel_loop3A_1109] in [0] : vector<16xf32>, vector<16xi32> -> vector<16xf32>
      %parallel_loop3A_1111 = vector.shape_cast %parallel_loop3A_1107 : vector<16xi32> to vector<16x1xi32>
      %parallel_loop3A_1112 = vector.shape_cast %parallel_loop3A_1111 : vector<16x1xi32> to vector<16xi32>
      %parallel_loop3A_1113 = tpu.dynamic_gather %get3A_14[%parallel_loop3A_1112] in [0] : vector<16xf32>, vector<16xi32> -> vector<16xf32>
      %parallel_loop3A_1114 = arith.constant 16 : i32
      %parallel_loop3A_1115 = vector.broadcast %parallel_loop3A_1114 : i32 to vector<16xi32>
      %parallel_loop3A_1116 = arith.cmpi slt, %parallel_loop3A_1104, %parallel_loop3A_1115 : vector<16xi32>
      %parallel_loop3A_1117 = arith.select %parallel_loop3A_1116, %parallel_loop3A_1110, %parallel_loop3A_1113 : vector<16xi1>, vector<16xf32>
      %parallel_loop3A_1118 = arith.constant 8 : i32
      %parallel_loop3A_1119 = arith.muli %parallel_loop3A_34, %parallel_loop3A_1118 : i32
      %parallel_loop3A_1120 = arith.constant 4 : i32
      %parallel_loop3A_1121 = arith.addi %parallel_loop3A_1119, %parallel_loop3A_1120 : i32
      %parallel_loop3A_1122 = arith.index_cast %parallel_loop3A_1121 : i32 to index
      %parallel_loop3A_1123 = arith.constant 96 : index
      %parallel_loop3A_1124 = tpu.vector_load %arg7[%parallel_loop3A_1122, %parallel_loop3A_1123] {strides = array<i32>} : memref<200x128xf32, #tpu.memory_space<vmem>>, vector<1x16xf32>,
      %parallel_loop3A_1125 = vector.shape_cast %parallel_loop3A_1124 : vector<1x16xf32> to vector<16xf32>
      %parallel_loop3A_1126 = vector.shape_cast %parallel_loop3A_1117 : vector<16xf32> to vector<1x16xf32>
      tpu.vector_store %arg7[%parallel_loop3A_1122, %parallel_loop3A_1123], %parallel_loop3A_1126 {strides = array<i32>} : memref<200x128xf32, #tpu.memory_space<vmem>>, vector<1x16xf32>,
      %parallel_loop3A_1127 = arith.constant 4 : i32
      %parallel_loop3A_1128 = arith.index_cast %parallel_loop3A_34 : i32 to index
      %parallel_loop3A_1129 = arith.index_cast %parallel_loop3A_1127 : i32 to index
      %parallel_loop3A_1130 = arith.constant 112 : index
      %parallel_loop3A_1131 = tpu.vector_load %arg6[%parallel_loop3A_1128, %parallel_loop3A_1129, %parallel_loop3A_1130] {strides = array<i32>} : memref<25x8x128xi32, #tpu.memory_space<vmem>>, vector<1x1x16xi32>,
      %parallel_loop3A_1132 = vector.shape_cast %parallel_loop3A_1131 : vector<1x1x16xi32> to vector<16xi32>
      %parallel_loop3A_1133 = arith.constant 15 : i32
      %parallel_loop3A_1134 = vector.broadcast %parallel_loop3A_1133 : i32 to vector<16xi32>
      %parallel_loop3A_1135 = arith.andi %parallel_loop3A_1132, %parallel_loop3A_1134 : vector<16xi32>
      %parallel_loop3A_1136 = vector.shape_cast %parallel_loop3A_1135 : vector<16xi32> to vector<16x1xi32>
      %parallel_loop3A_1137 = vector.shape_cast %parallel_loop3A_1136 : vector<16x1xi32> to vector<16xi32>
      %parallel_loop3A_1138 = tpu.dynamic_gather %get3A_11[%parallel_loop3A_1137] in [0] : vector<16xf32>, vector<16xi32> -> vector<16xf32>
      %parallel_loop3A_1139 = vector.shape_cast %parallel_loop3A_1135 : vector<16xi32> to vector<16x1xi32>
      %parallel_loop3A_1140 = vector.shape_cast %parallel_loop3A_1139 : vector<16x1xi32> to vector<16xi32>
      %parallel_loop3A_1141 = tpu.dynamic_gather %get3A_14[%parallel_loop3A_1140] in [0] : vector<16xf32>, vector<16xi32> -> vector<16xf32>
      %parallel_loop3A_1142 = arith.constant 16 : i32
      %parallel_loop3A_1143 = vector.broadcast %parallel_loop3A_1142 : i32 to vector<16xi32>
      %parallel_loop3A_1144 = arith.cmpi slt, %parallel_loop3A_1132, %parallel_loop3A_1143 : vector<16xi32>
      %parallel_loop3A_1145 = arith.select %parallel_loop3A_1144, %parallel_loop3A_1138, %parallel_loop3A_1141 : vector<16xi1>, vector<16xf32>
      %parallel_loop3A_1146 = arith.constant 8 : i32
      %parallel_loop3A_1147 = arith.muli %parallel_loop3A_34, %parallel_loop3A_1146 : i32
      %parallel_loop3A_1148 = arith.constant 4 : i32
      %parallel_loop3A_1149 = arith.addi %parallel_loop3A_1147, %parallel_loop3A_1148 : i32
      %parallel_loop3A_1150 = arith.index_cast %parallel_loop3A_1149 : i32 to index
      %parallel_loop3A_1151 = arith.constant 112 : index
      %parallel_loop3A_1152 = tpu.vector_load %arg7[%parallel_loop3A_1150, %parallel_loop3A_1151] {strides = array<i32>} : memref<200x128xf32, #tpu.memory_space<vmem>>, vector<1x16xf32>,
      %parallel_loop3A_1153 = vector.shape_cast %parallel_loop3A_1152 : vector<1x16xf32> to vector<16xf32>
      %parallel_loop3A_1154 = vector.shape_cast %parallel_loop3A_1145 : vector<16xf32> to vector<1x16xf32>
      tpu.vector_store %arg7[%parallel_loop3A_1150, %parallel_loop3A_1151], %parallel_loop3A_1154 {strides = array<i32>} : memref<200x128xf32, #tpu.memory_space<vmem>>, vector<1x16xf32>,
      %parallel_loop3A_1155 = arith.constant 5 : i32
      %parallel_loop3A_1156 = arith.index_cast %parallel_loop3A_34 : i32 to index
      %parallel_loop3A_1157 = arith.index_cast %parallel_loop3A_1155 : i32 to index
      %parallel_loop3A_1158 = arith.constant 0 : index
      %parallel_loop3A_1159 = tpu.vector_load %arg6[%parallel_loop3A_1156, %parallel_loop3A_1157, %parallel_loop3A_1158] {strides = array<i32>} : memref<25x8x128xi32, #tpu.memory_space<vmem>>, vector<1x1x16xi32>,
      %parallel_loop3A_1160 = vector.shape_cast %parallel_loop3A_1159 : vector<1x1x16xi32> to vector<16xi32>
      %parallel_loop3A_1161 = arith.constant 15 : i32
      %parallel_loop3A_1162 = vector.broadcast %parallel_loop3A_1161 : i32 to vector<16xi32>
      %parallel_loop3A_1163 = arith.andi %parallel_loop3A_1160, %parallel_loop3A_1162 : vector<16xi32>
      %parallel_loop3A_1164 = vector.shape_cast %parallel_loop3A_1163 : vector<16xi32> to vector<16x1xi32>
      %parallel_loop3A_1165 = vector.shape_cast %parallel_loop3A_1164 : vector<16x1xi32> to vector<16xi32>
      %parallel_loop3A_1166 = tpu.dynamic_gather %get3A_11[%parallel_loop3A_1165] in [0] : vector<16xf32>, vector<16xi32> -> vector<16xf32>
      %parallel_loop3A_1167 = vector.shape_cast %parallel_loop3A_1163 : vector<16xi32> to vector<16x1xi32>
      %parallel_loop3A_1168 = vector.shape_cast %parallel_loop3A_1167 : vector<16x1xi32> to vector<16xi32>
      %parallel_loop3A_1169 = tpu.dynamic_gather %get3A_14[%parallel_loop3A_1168] in [0] : vector<16xf32>, vector<16xi32> -> vector<16xf32>
      %parallel_loop3A_1170 = arith.constant 16 : i32
      %parallel_loop3A_1171 = vector.broadcast %parallel_loop3A_1170 : i32 to vector<16xi32>
      %parallel_loop3A_1172 = arith.cmpi slt, %parallel_loop3A_1160, %parallel_loop3A_1171 : vector<16xi32>
      %parallel_loop3A_1173 = arith.select %parallel_loop3A_1172, %parallel_loop3A_1166, %parallel_loop3A_1169 : vector<16xi1>, vector<16xf32>
      %parallel_loop3A_1174 = arith.constant 8 : i32
      %parallel_loop3A_1175 = arith.muli %parallel_loop3A_34, %parallel_loop3A_1174 : i32
      %parallel_loop3A_1176 = arith.constant 5 : i32
      %parallel_loop3A_1177 = arith.addi %parallel_loop3A_1175, %parallel_loop3A_1176 : i32
      %parallel_loop3A_1178 = arith.index_cast %parallel_loop3A_1177 : i32 to index
      %parallel_loop3A_1179 = arith.constant 0 : index
      %parallel_loop3A_1180 = tpu.vector_load %arg7[%parallel_loop3A_1178, %parallel_loop3A_1179] {strides = array<i32>} : memref<200x128xf32, #tpu.memory_space<vmem>>, vector<1x16xf32>,
      %parallel_loop3A_1181 = vector.shape_cast %parallel_loop3A_1180 : vector<1x16xf32> to vector<16xf32>
      %parallel_loop3A_1182 = vector.shape_cast %parallel_loop3A_1173 : vector<16xf32> to vector<1x16xf32>
      tpu.vector_store %arg7[%parallel_loop3A_1178, %parallel_loop3A_1179], %parallel_loop3A_1182 {strides = array<i32>} : memref<200x128xf32, #tpu.memory_space<vmem>>, vector<1x16xf32>,
      %parallel_loop3A_1183 = arith.constant 5 : i32
      %parallel_loop3A_1184 = arith.index_cast %parallel_loop3A_34 : i32 to index
      %parallel_loop3A_1185 = arith.index_cast %parallel_loop3A_1183 : i32 to index
      %parallel_loop3A_1186 = arith.constant 16 : index
      %parallel_loop3A_1187 = tpu.vector_load %arg6[%parallel_loop3A_1184, %parallel_loop3A_1185, %parallel_loop3A_1186] {strides = array<i32>} : memref<25x8x128xi32, #tpu.memory_space<vmem>>, vector<1x1x16xi32>,
      %parallel_loop3A_1188 = vector.shape_cast %parallel_loop3A_1187 : vector<1x1x16xi32> to vector<16xi32>
      %parallel_loop3A_1189 = arith.constant 15 : i32
      %parallel_loop3A_1190 = vector.broadcast %parallel_loop3A_1189 : i32 to vector<16xi32>
      %parallel_loop3A_1191 = arith.andi %parallel_loop3A_1188, %parallel_loop3A_1190 : vector<16xi32>
      %parallel_loop3A_1192 = vector.shape_cast %parallel_loop3A_1191 : vector<16xi32> to vector<16x1xi32>
      %parallel_loop3A_1193 = vector.shape_cast %parallel_loop3A_1192 : vector<16x1xi32> to vector<16xi32>
      %parallel_loop3A_1194 = tpu.dynamic_gather %get3A_11[%parallel_loop3A_1193] in [0] : vector<16xf32>, vector<16xi32> -> vector<16xf32>
      %parallel_loop3A_1195 = vector.shape_cast %parallel_loop3A_1191 : vector<16xi32> to vector<16x1xi32>
      %parallel_loop3A_1196 = vector.shape_cast %parallel_loop3A_1195 : vector<16x1xi32> to vector<16xi32>
      %parallel_loop3A_1197 = tpu.dynamic_gather %get3A_14[%parallel_loop3A_1196] in [0] : vector<16xf32>, vector<16xi32> -> vector<16xf32>
      %parallel_loop3A_1198 = arith.constant 16 : i32
      %parallel_loop3A_1199 = vector.broadcast %parallel_loop3A_1198 : i32 to vector<16xi32>
      %parallel_loop3A_1200 = arith.cmpi slt, %parallel_loop3A_1188, %parallel_loop3A_1199 : vector<16xi32>
      %parallel_loop3A_1201 = arith.select %parallel_loop3A_1200, %parallel_loop3A_1194, %parallel_loop3A_1197 : vector<16xi1>, vector<16xf32>
      %parallel_loop3A_1202 = arith.constant 8 : i32
      %parallel_loop3A_1203 = arith.muli %parallel_loop3A_34, %parallel_loop3A_1202 : i32
      %parallel_loop3A_1204 = arith.constant 5 : i32
      %parallel_loop3A_1205 = arith.addi %parallel_loop3A_1203, %parallel_loop3A_1204 : i32
      %parallel_loop3A_1206 = arith.index_cast %parallel_loop3A_1205 : i32 to index
      %parallel_loop3A_1207 = arith.constant 16 : index
      %parallel_loop3A_1208 = tpu.vector_load %arg7[%parallel_loop3A_1206, %parallel_loop3A_1207] {strides = array<i32>} : memref<200x128xf32, #tpu.memory_space<vmem>>, vector<1x16xf32>,
      %parallel_loop3A_1209 = vector.shape_cast %parallel_loop3A_1208 : vector<1x16xf32> to vector<16xf32>
      %parallel_loop3A_1210 = vector.shape_cast %parallel_loop3A_1201 : vector<16xf32> to vector<1x16xf32>
      tpu.vector_store %arg7[%parallel_loop3A_1206, %parallel_loop3A_1207], %parallel_loop3A_1210 {strides = array<i32>} : memref<200x128xf32, #tpu.memory_space<vmem>>, vector<1x16xf32>,
      %parallel_loop3A_1211 = arith.constant 5 : i32
      %parallel_loop3A_1212 = arith.index_cast %parallel_loop3A_34 : i32 to index
      %parallel_loop3A_1213 = arith.index_cast %parallel_loop3A_1211 : i32 to index
      %parallel_loop3A_1214 = arith.constant 32 : index
      %parallel_loop3A_1215 = tpu.vector_load %arg6[%parallel_loop3A_1212, %parallel_loop3A_1213, %parallel_loop3A_1214] {strides = array<i32>} : memref<25x8x128xi32, #tpu.memory_space<vmem>>, vector<1x1x16xi32>,
      %parallel_loop3A_1216 = vector.shape_cast %parallel_loop3A_1215 : vector<1x1x16xi32> to vector<16xi32>
      %parallel_loop3A_1217 = arith.constant 15 : i32
      %parallel_loop3A_1218 = vector.broadcast %parallel_loop3A_1217 : i32 to vector<16xi32>
      %parallel_loop3A_1219 = arith.andi %parallel_loop3A_1216, %parallel_loop3A_1218 : vector<16xi32>
      %parallel_loop3A_1220 = vector.shape_cast %parallel_loop3A_1219 : vector<16xi32> to vector<16x1xi32>
      %parallel_loop3A_1221 = vector.shape_cast %parallel_loop3A_1220 : vector<16x1xi32> to vector<16xi32>
      %parallel_loop3A_1222 = tpu.dynamic_gather %get3A_11[%parallel_loop3A_1221] in [0] : vector<16xf32>, vector<16xi32> -> vector<16xf32>
      %parallel_loop3A_1223 = vector.shape_cast %parallel_loop3A_1219 : vector<16xi32> to vector<16x1xi32>
      %parallel_loop3A_1224 = vector.shape_cast %parallel_loop3A_1223 : vector<16x1xi32> to vector<16xi32>
      %parallel_loop3A_1225 = tpu.dynamic_gather %get3A_14[%parallel_loop3A_1224] in [0] : vector<16xf32>, vector<16xi32> -> vector<16xf32>
      %parallel_loop3A_1226 = arith.constant 16 : i32
      %parallel_loop3A_1227 = vector.broadcast %parallel_loop3A_1226 : i32 to vector<16xi32>
      %parallel_loop3A_1228 = arith.cmpi slt, %parallel_loop3A_1216, %parallel_loop3A_1227 : vector<16xi32>
      %parallel_loop3A_1229 = arith.select %parallel_loop3A_1228, %parallel_loop3A_1222, %parallel_loop3A_1225 : vector<16xi1>, vector<16xf32>
      %parallel_loop3A_1230 = arith.constant 8 : i32
      %parallel_loop3A_1231 = arith.muli %parallel_loop3A_34, %parallel_loop3A_1230 : i32
      %parallel_loop3A_1232 = arith.constant 5 : i32
      %parallel_loop3A_1233 = arith.addi %parallel_loop3A_1231, %parallel_loop3A_1232 : i32
      %parallel_loop3A_1234 = arith.index_cast %parallel_loop3A_1233 : i32 to index
      %parallel_loop3A_1235 = arith.constant 32 : index
      %parallel_loop3A_1236 = tpu.vector_load %arg7[%parallel_loop3A_1234, %parallel_loop3A_1235] {strides = array<i32>} : memref<200x128xf32, #tpu.memory_space<vmem>>, vector<1x16xf32>,
      %parallel_loop3A_1237 = vector.shape_cast %parallel_loop3A_1236 : vector<1x16xf32> to vector<16xf32>
      %parallel_loop3A_1238 = vector.shape_cast %parallel_loop3A_1229 : vector<16xf32> to vector<1x16xf32>
      tpu.vector_store %arg7[%parallel_loop3A_1234, %parallel_loop3A_1235], %parallel_loop3A_1238 {strides = array<i32>} : memref<200x128xf32, #tpu.memory_space<vmem>>, vector<1x16xf32>,
      %parallel_loop3A_1239 = arith.constant 5 : i32
      %parallel_loop3A_1240 = arith.index_cast %parallel_loop3A_34 : i32 to index
      %parallel_loop3A_1241 = arith.index_cast %parallel_loop3A_1239 : i32 to index
      %parallel_loop3A_1242 = arith.constant 48 : index
      %parallel_loop3A_1243 = tpu.vector_load %arg6[%parallel_loop3A_1240, %parallel_loop3A_1241, %parallel_loop3A_1242] {strides = array<i32>} : memref<25x8x128xi32, #tpu.memory_space<vmem>>, vector<1x1x16xi32>,
      %parallel_loop3A_1244 = vector.shape_cast %parallel_loop3A_1243 : vector<1x1x16xi32> to vector<16xi32>
      %parallel_loop3A_1245 = arith.constant 15 : i32
      %parallel_loop3A_1246 = vector.broadcast %parallel_loop3A_1245 : i32 to vector<16xi32>
      %parallel_loop3A_1247 = arith.andi %parallel_loop3A_1244, %parallel_loop3A_1246 : vector<16xi32>
      %parallel_loop3A_1248 = vector.shape_cast %parallel_loop3A_1247 : vector<16xi32> to vector<16x1xi32>
      %parallel_loop3A_1249 = vector.shape_cast %parallel_loop3A_1248 : vector<16x1xi32> to vector<16xi32>
      %parallel_loop3A_1250 = tpu.dynamic_gather %get3A_11[%parallel_loop3A_1249] in [0] : vector<16xf32>, vector<16xi32> -> vector<16xf32>
      %parallel_loop3A_1251 = vector.shape_cast %parallel_loop3A_1247 : vector<16xi32> to vector<16x1xi32>
      %parallel_loop3A_1252 = vector.shape_cast %parallel_loop3A_1251 : vector<16x1xi32> to vector<16xi32>
      %parallel_loop3A_1253 = tpu.dynamic_gather %get3A_14[%parallel_loop3A_1252] in [0] : vector<16xf32>, vector<16xi32> -> vector<16xf32>
      %parallel_loop3A_1254 = arith.constant 16 : i32
      %parallel_loop3A_1255 = vector.broadcast %parallel_loop3A_1254 : i32 to vector<16xi32>
      %parallel_loop3A_1256 = arith.cmpi slt, %parallel_loop3A_1244, %parallel_loop3A_1255 : vector<16xi32>
      %parallel_loop3A_1257 = arith.select %parallel_loop3A_1256, %parallel_loop3A_1250, %parallel_loop3A_1253 : vector<16xi1>, vector<16xf32>
      %parallel_loop3A_1258 = arith.constant 8 : i32
      %parallel_loop3A_1259 = arith.muli %parallel_loop3A_34, %parallel_loop3A_1258 : i32
      %parallel_loop3A_1260 = arith.constant 5 : i32
      %parallel_loop3A_1261 = arith.addi %parallel_loop3A_1259, %parallel_loop3A_1260 : i32
      %parallel_loop3A_1262 = arith.index_cast %parallel_loop3A_1261 : i32 to index
      %parallel_loop3A_1263 = arith.constant 48 : index
      %parallel_loop3A_1264 = tpu.vector_load %arg7[%parallel_loop3A_1262, %parallel_loop3A_1263] {strides = array<i32>} : memref<200x128xf32, #tpu.memory_space<vmem>>, vector<1x16xf32>,
      %parallel_loop3A_1265 = vector.shape_cast %parallel_loop3A_1264 : vector<1x16xf32> to vector<16xf32>
      %parallel_loop3A_1266 = vector.shape_cast %parallel_loop3A_1257 : vector<16xf32> to vector<1x16xf32>
      tpu.vector_store %arg7[%parallel_loop3A_1262, %parallel_loop3A_1263], %parallel_loop3A_1266 {strides = array<i32>} : memref<200x128xf32, #tpu.memory_space<vmem>>, vector<1x16xf32>,
      %parallel_loop3A_1267 = arith.constant 5 : i32
      %parallel_loop3A_1268 = arith.index_cast %parallel_loop3A_34 : i32 to index
      %parallel_loop3A_1269 = arith.index_cast %parallel_loop3A_1267 : i32 to index
      %parallel_loop3A_1270 = arith.constant 64 : index
      %parallel_loop3A_1271 = tpu.vector_load %arg6[%parallel_loop3A_1268, %parallel_loop3A_1269, %parallel_loop3A_1270] {strides = array<i32>} : memref<25x8x128xi32, #tpu.memory_space<vmem>>, vector<1x1x16xi32>,
      %parallel_loop3A_1272 = vector.shape_cast %parallel_loop3A_1271 : vector<1x1x16xi32> to vector<16xi32>
      %parallel_loop3A_1273 = arith.constant 15 : i32
      %parallel_loop3A_1274 = vector.broadcast %parallel_loop3A_1273 : i32 to vector<16xi32>
      %parallel_loop3A_1275 = arith.andi %parallel_loop3A_1272, %parallel_loop3A_1274 : vector<16xi32>
      %parallel_loop3A_1276 = vector.shape_cast %parallel_loop3A_1275 : vector<16xi32> to vector<16x1xi32>
      %parallel_loop3A_1277 = vector.shape_cast %parallel_loop3A_1276 : vector<16x1xi32> to vector<16xi32>
      %parallel_loop3A_1278 = tpu.dynamic_gather %get3A_11[%parallel_loop3A_1277] in [0] : vector<16xf32>, vector<16xi32> -> vector<16xf32>
      %parallel_loop3A_1279 = vector.shape_cast %parallel_loop3A_1275 : vector<16xi32> to vector<16x1xi32>
      %parallel_loop3A_1280 = vector.shape_cast %parallel_loop3A_1279 : vector<16x1xi32> to vector<16xi32>
      %parallel_loop3A_1281 = tpu.dynamic_gather %get3A_14[%parallel_loop3A_1280] in [0] : vector<16xf32>, vector<16xi32> -> vector<16xf32>
      %parallel_loop3A_1282 = arith.constant 16 : i32
      %parallel_loop3A_1283 = vector.broadcast %parallel_loop3A_1282 : i32 to vector<16xi32>
      %parallel_loop3A_1284 = arith.cmpi slt, %parallel_loop3A_1272, %parallel_loop3A_1283 : vector<16xi32>
      %parallel_loop3A_1285 = arith.select %parallel_loop3A_1284, %parallel_loop3A_1278, %parallel_loop3A_1281 : vector<16xi1>, vector<16xf32>
      %parallel_loop3A_1286 = arith.constant 8 : i32
      %parallel_loop3A_1287 = arith.muli %parallel_loop3A_34, %parallel_loop3A_1286 : i32
      %parallel_loop3A_1288 = arith.constant 5 : i32
      %parallel_loop3A_1289 = arith.addi %parallel_loop3A_1287, %parallel_loop3A_1288 : i32
      %parallel_loop3A_1290 = arith.index_cast %parallel_loop3A_1289 : i32 to index
      %parallel_loop3A_1291 = arith.constant 64 : index
      %parallel_loop3A_1292 = tpu.vector_load %arg7[%parallel_loop3A_1290, %parallel_loop3A_1291] {strides = array<i32>} : memref<200x128xf32, #tpu.memory_space<vmem>>, vector<1x16xf32>,
      %parallel_loop3A_1293 = vector.shape_cast %parallel_loop3A_1292 : vector<1x16xf32> to vector<16xf32>
      %parallel_loop3A_1294 = vector.shape_cast %parallel_loop3A_1285 : vector<16xf32> to vector<1x16xf32>
      tpu.vector_store %arg7[%parallel_loop3A_1290, %parallel_loop3A_1291], %parallel_loop3A_1294 {strides = array<i32>} : memref<200x128xf32, #tpu.memory_space<vmem>>, vector<1x16xf32>,
      %parallel_loop3A_1295 = arith.constant 5 : i32
      %parallel_loop3A_1296 = arith.index_cast %parallel_loop3A_34 : i32 to index
      %parallel_loop3A_1297 = arith.index_cast %parallel_loop3A_1295 : i32 to index
      %parallel_loop3A_1298 = arith.constant 80 : index
      %parallel_loop3A_1299 = tpu.vector_load %arg6[%parallel_loop3A_1296, %parallel_loop3A_1297, %parallel_loop3A_1298] {strides = array<i32>} : memref<25x8x128xi32, #tpu.memory_space<vmem>>, vector<1x1x16xi32>,
      %parallel_loop3A_1300 = vector.shape_cast %parallel_loop3A_1299 : vector<1x1x16xi32> to vector<16xi32>
      %parallel_loop3A_1301 = arith.constant 15 : i32
      %parallel_loop3A_1302 = vector.broadcast %parallel_loop3A_1301 : i32 to vector<16xi32>
      %parallel_loop3A_1303 = arith.andi %parallel_loop3A_1300, %parallel_loop3A_1302 : vector<16xi32>
      %parallel_loop3A_1304 = vector.shape_cast %parallel_loop3A_1303 : vector<16xi32> to vector<16x1xi32>
      %parallel_loop3A_1305 = vector.shape_cast %parallel_loop3A_1304 : vector<16x1xi32> to vector<16xi32>
      %parallel_loop3A_1306 = tpu.dynamic_gather %get3A_11[%parallel_loop3A_1305] in [0] : vector<16xf32>, vector<16xi32> -> vector<16xf32>
      %parallel_loop3A_1307 = vector.shape_cast %parallel_loop3A_1303 : vector<16xi32> to vector<16x1xi32>
      %parallel_loop3A_1308 = vector.shape_cast %parallel_loop3A_1307 : vector<16x1xi32> to vector<16xi32>
      %parallel_loop3A_1309 = tpu.dynamic_gather %get3A_14[%parallel_loop3A_1308] in [0] : vector<16xf32>, vector<16xi32> -> vector<16xf32>
      %parallel_loop3A_1310 = arith.constant 16 : i32
      %parallel_loop3A_1311 = vector.broadcast %parallel_loop3A_1310 : i32 to vector<16xi32>
      %parallel_loop3A_1312 = arith.cmpi slt, %parallel_loop3A_1300, %parallel_loop3A_1311 : vector<16xi32>
      %parallel_loop3A_1313 = arith.select %parallel_loop3A_1312, %parallel_loop3A_1306, %parallel_loop3A_1309 : vector<16xi1>, vector<16xf32>
      %parallel_loop3A_1314 = arith.constant 8 : i32
      %parallel_loop3A_1315 = arith.muli %parallel_loop3A_34, %parallel_loop3A_1314 : i32
      %parallel_loop3A_1316 = arith.constant 5 : i32
      %parallel_loop3A_1317 = arith.addi %parallel_loop3A_1315, %parallel_loop3A_1316 : i32
      %parallel_loop3A_1318 = arith.index_cast %parallel_loop3A_1317 : i32 to index
      %parallel_loop3A_1319 = arith.constant 80 : index
      %parallel_loop3A_1320 = tpu.vector_load %arg7[%parallel_loop3A_1318, %parallel_loop3A_1319] {strides = array<i32>} : memref<200x128xf32, #tpu.memory_space<vmem>>, vector<1x16xf32>,
      %parallel_loop3A_1321 = vector.shape_cast %parallel_loop3A_1320 : vector<1x16xf32> to vector<16xf32>
      %parallel_loop3A_1322 = vector.shape_cast %parallel_loop3A_1313 : vector<16xf32> to vector<1x16xf32>
      tpu.vector_store %arg7[%parallel_loop3A_1318, %parallel_loop3A_1319], %parallel_loop3A_1322 {strides = array<i32>} : memref<200x128xf32, #tpu.memory_space<vmem>>, vector<1x16xf32>,
      %parallel_loop3A_1323 = arith.constant 5 : i32
      %parallel_loop3A_1324 = arith.index_cast %parallel_loop3A_34 : i32 to index
      %parallel_loop3A_1325 = arith.index_cast %parallel_loop3A_1323 : i32 to index
      %parallel_loop3A_1326 = arith.constant 96 : index
      %parallel_loop3A_1327 = tpu.vector_load %arg6[%parallel_loop3A_1324, %parallel_loop3A_1325, %parallel_loop3A_1326] {strides = array<i32>} : memref<25x8x128xi32, #tpu.memory_space<vmem>>, vector<1x1x16xi32>,
      %parallel_loop3A_1328 = vector.shape_cast %parallel_loop3A_1327 : vector<1x1x16xi32> to vector<16xi32>
      %parallel_loop3A_1329 = arith.constant 15 : i32
      %parallel_loop3A_1330 = vector.broadcast %parallel_loop3A_1329 : i32 to vector<16xi32>
      %parallel_loop3A_1331 = arith.andi %parallel_loop3A_1328, %parallel_loop3A_1330 : vector<16xi32>
      %parallel_loop3A_1332 = vector.shape_cast %parallel_loop3A_1331 : vector<16xi32> to vector<16x1xi32>
      %parallel_loop3A_1333 = vector.shape_cast %parallel_loop3A_1332 : vector<16x1xi32> to vector<16xi32>
      %parallel_loop3A_1334 = tpu.dynamic_gather %get3A_11[%parallel_loop3A_1333] in [0] : vector<16xf32>, vector<16xi32> -> vector<16xf32>
      %parallel_loop3A_1335 = vector.shape_cast %parallel_loop3A_1331 : vector<16xi32> to vector<16x1xi32>
      %parallel_loop3A_1336 = vector.shape_cast %parallel_loop3A_1335 : vector<16x1xi32> to vector<16xi32>
      %parallel_loop3A_1337 = tpu.dynamic_gather %get3A_14[%parallel_loop3A_1336] in [0] : vector<16xf32>, vector<16xi32> -> vector<16xf32>
      %parallel_loop3A_1338 = arith.constant 16 : i32
      %parallel_loop3A_1339 = vector.broadcast %parallel_loop3A_1338 : i32 to vector<16xi32>
      %parallel_loop3A_1340 = arith.cmpi slt, %parallel_loop3A_1328, %parallel_loop3A_1339 : vector<16xi32>
      %parallel_loop3A_1341 = arith.select %parallel_loop3A_1340, %parallel_loop3A_1334, %parallel_loop3A_1337 : vector<16xi1>, vector<16xf32>
      %parallel_loop3A_1342 = arith.constant 8 : i32
      %parallel_loop3A_1343 = arith.muli %parallel_loop3A_34, %parallel_loop3A_1342 : i32
      %parallel_loop3A_1344 = arith.constant 5 : i32
      %parallel_loop3A_1345 = arith.addi %parallel_loop3A_1343, %parallel_loop3A_1344 : i32
      %parallel_loop3A_1346 = arith.index_cast %parallel_loop3A_1345 : i32 to index
      %parallel_loop3A_1347 = arith.constant 96 : index
      %parallel_loop3A_1348 = tpu.vector_load %arg7[%parallel_loop3A_1346, %parallel_loop3A_1347] {strides = array<i32>} : memref<200x128xf32, #tpu.memory_space<vmem>>, vector<1x16xf32>,
      %parallel_loop3A_1349 = vector.shape_cast %parallel_loop3A_1348 : vector<1x16xf32> to vector<16xf32>
      %parallel_loop3A_1350 = vector.shape_cast %parallel_loop3A_1341 : vector<16xf32> to vector<1x16xf32>
      tpu.vector_store %arg7[%parallel_loop3A_1346, %parallel_loop3A_1347], %parallel_loop3A_1350 {strides = array<i32>} : memref<200x128xf32, #tpu.memory_space<vmem>>, vector<1x16xf32>,
      %parallel_loop3A_1351 = arith.constant 5 : i32
      %parallel_loop3A_1352 = arith.index_cast %parallel_loop3A_34 : i32 to index
      %parallel_loop3A_1353 = arith.index_cast %parallel_loop3A_1351 : i32 to index
      %parallel_loop3A_1354 = arith.constant 112 : index
      %parallel_loop3A_1355 = tpu.vector_load %arg6[%parallel_loop3A_1352, %parallel_loop3A_1353, %parallel_loop3A_1354] {strides = array<i32>} : memref<25x8x128xi32, #tpu.memory_space<vmem>>, vector<1x1x16xi32>,
      %parallel_loop3A_1356 = vector.shape_cast %parallel_loop3A_1355 : vector<1x1x16xi32> to vector<16xi32>
      %parallel_loop3A_1357 = arith.constant 15 : i32
      %parallel_loop3A_1358 = vector.broadcast %parallel_loop3A_1357 : i32 to vector<16xi32>
      %parallel_loop3A_1359 = arith.andi %parallel_loop3A_1356, %parallel_loop3A_1358 : vector<16xi32>
      %parallel_loop3A_1360 = vector.shape_cast %parallel_loop3A_1359 : vector<16xi32> to vector<16x1xi32>
      %parallel_loop3A_1361 = vector.shape_cast %parallel_loop3A_1360 : vector<16x1xi32> to vector<16xi32>
      %parallel_loop3A_1362 = tpu.dynamic_gather %get3A_11[%parallel_loop3A_1361] in [0] : vector<16xf32>, vector<16xi32> -> vector<16xf32>
      %parallel_loop3A_1363 = vector.shape_cast %parallel_loop3A_1359 : vector<16xi32> to vector<16x1xi32>
      %parallel_loop3A_1364 = vector.shape_cast %parallel_loop3A_1363 : vector<16x1xi32> to vector<16xi32>
      %parallel_loop3A_1365 = tpu.dynamic_gather %get3A_14[%parallel_loop3A_1364] in [0] : vector<16xf32>, vector<16xi32> -> vector<16xf32>
      %parallel_loop3A_1366 = arith.constant 16 : i32
      %parallel_loop3A_1367 = vector.broadcast %parallel_loop3A_1366 : i32 to vector<16xi32>
      %parallel_loop3A_1368 = arith.cmpi slt, %parallel_loop3A_1356, %parallel_loop3A_1367 : vector<16xi32>
      %parallel_loop3A_1369 = arith.select %parallel_loop3A_1368, %parallel_loop3A_1362, %parallel_loop3A_1365 : vector<16xi1>, vector<16xf32>
      %parallel_loop3A_1370 = arith.constant 8 : i32
      %parallel_loop3A_1371 = arith.muli %parallel_loop3A_34, %parallel_loop3A_1370 : i32
      %parallel_loop3A_1372 = arith.constant 5 : i32
      %parallel_loop3A_1373 = arith.addi %parallel_loop3A_1371, %parallel_loop3A_1372 : i32
      %parallel_loop3A_1374 = arith.index_cast %parallel_loop3A_1373 : i32 to index
      %parallel_loop3A_1375 = arith.constant 112 : index
      %parallel_loop3A_1376 = tpu.vector_load %arg7[%parallel_loop3A_1374, %parallel_loop3A_1375] {strides = array<i32>} : memref<200x128xf32, #tpu.memory_space<vmem>>, vector<1x16xf32>,
      %parallel_loop3A_1377 = vector.shape_cast %parallel_loop3A_1376 : vector<1x16xf32> to vector<16xf32>
      %parallel_loop3A_1378 = vector.shape_cast %parallel_loop3A_1369 : vector<16xf32> to vector<1x16xf32>
      tpu.vector_store %arg7[%parallel_loop3A_1374, %parallel_loop3A_1375], %parallel_loop3A_1378 {strides = array<i32>} : memref<200x128xf32, #tpu.memory_space<vmem>>, vector<1x16xf32>,
      %parallel_loop3A_1379 = arith.constant 6 : i32
      %parallel_loop3A_1380 = arith.index_cast %parallel_loop3A_34 : i32 to index
      %parallel_loop3A_1381 = arith.index_cast %parallel_loop3A_1379 : i32 to index
      %parallel_loop3A_1382 = arith.constant 0 : index
      %parallel_loop3A_1383 = tpu.vector_load %arg6[%parallel_loop3A_1380, %parallel_loop3A_1381, %parallel_loop3A_1382] {strides = array<i32>} : memref<25x8x128xi32, #tpu.memory_space<vmem>>, vector<1x1x16xi32>,
      %parallel_loop3A_1384 = vector.shape_cast %parallel_loop3A_1383 : vector<1x1x16xi32> to vector<16xi32>
      %parallel_loop3A_1385 = arith.constant 15 : i32
      %parallel_loop3A_1386 = vector.broadcast %parallel_loop3A_1385 : i32 to vector<16xi32>
      %parallel_loop3A_1387 = arith.andi %parallel_loop3A_1384, %parallel_loop3A_1386 : vector<16xi32>
      %parallel_loop3A_1388 = vector.shape_cast %parallel_loop3A_1387 : vector<16xi32> to vector<16x1xi32>
      %parallel_loop3A_1389 = vector.shape_cast %parallel_loop3A_1388 : vector<16x1xi32> to vector<16xi32>
      %parallel_loop3A_1390 = tpu.dynamic_gather %get3A_11[%parallel_loop3A_1389] in [0] : vector<16xf32>, vector<16xi32> -> vector<16xf32>
      %parallel_loop3A_1391 = vector.shape_cast %parallel_loop3A_1387 : vector<16xi32> to vector<16x1xi32>
      %parallel_loop3A_1392 = vector.shape_cast %parallel_loop3A_1391 : vector<16x1xi32> to vector<16xi32>
      %parallel_loop3A_1393 = tpu.dynamic_gather %get3A_14[%parallel_loop3A_1392] in [0] : vector<16xf32>, vector<16xi32> -> vector<16xf32>
      %parallel_loop3A_1394 = arith.constant 16 : i32
      %parallel_loop3A_1395 = vector.broadcast %parallel_loop3A_1394 : i32 to vector<16xi32>
      %parallel_loop3A_1396 = arith.cmpi slt, %parallel_loop3A_1384, %parallel_loop3A_1395 : vector<16xi32>
      %parallel_loop3A_1397 = arith.select %parallel_loop3A_1396, %parallel_loop3A_1390, %parallel_loop3A_1393 : vector<16xi1>, vector<16xf32>
      %parallel_loop3A_1398 = arith.constant 8 : i32
      %parallel_loop3A_1399 = arith.muli %parallel_loop3A_34, %parallel_loop3A_1398 : i32
      %parallel_loop3A_1400 = arith.constant 6 : i32
      %parallel_loop3A_1401 = arith.addi %parallel_loop3A_1399, %parallel_loop3A_1400 : i32
      %parallel_loop3A_1402 = arith.index_cast %parallel_loop3A_1401 : i32 to index
      %parallel_loop3A_1403 = arith.constant 0 : index
      %parallel_loop3A_1404 = tpu.vector_load %arg7[%parallel_loop3A_1402, %parallel_loop3A_1403] {strides = array<i32>} : memref<200x128xf32, #tpu.memory_space<vmem>>, vector<1x16xf32>,
      %parallel_loop3A_1405 = vector.shape_cast %parallel_loop3A_1404 : vector<1x16xf32> to vector<16xf32>
      %parallel_loop3A_1406 = vector.shape_cast %parallel_loop3A_1397 : vector<16xf32> to vector<1x16xf32>
      tpu.vector_store %arg7[%parallel_loop3A_1402, %parallel_loop3A_1403], %parallel_loop3A_1406 {strides = array<i32>} : memref<200x128xf32, #tpu.memory_space<vmem>>, vector<1x16xf32>,
      %parallel_loop3A_1407 = arith.constant 6 : i32
      %parallel_loop3A_1408 = arith.index_cast %parallel_loop3A_34 : i32 to index
      %parallel_loop3A_1409 = arith.index_cast %parallel_loop3A_1407 : i32 to index
      %parallel_loop3A_1410 = arith.constant 16 : index
      %parallel_loop3A_1411 = tpu.vector_load %arg6[%parallel_loop3A_1408, %parallel_loop3A_1409, %parallel_loop3A_1410] {strides = array<i32>} : memref<25x8x128xi32, #tpu.memory_space<vmem>>, vector<1x1x16xi32>,
      %parallel_loop3A_1412 = vector.shape_cast %parallel_loop3A_1411 : vector<1x1x16xi32> to vector<16xi32>
      %parallel_loop3A_1413 = arith.constant 15 : i32
      %parallel_loop3A_1414 = vector.broadcast %parallel_loop3A_1413 : i32 to vector<16xi32>
      %parallel_loop3A_1415 = arith.andi %parallel_loop3A_1412, %parallel_loop3A_1414 : vector<16xi32>
      %parallel_loop3A_1416 = vector.shape_cast %parallel_loop3A_1415 : vector<16xi32> to vector<16x1xi32>
      %parallel_loop3A_1417 = vector.shape_cast %parallel_loop3A_1416 : vector<16x1xi32> to vector<16xi32>
      %parallel_loop3A_1418 = tpu.dynamic_gather %get3A_11[%parallel_loop3A_1417] in [0] : vector<16xf32>, vector<16xi32> -> vector<16xf32>
      %parallel_loop3A_1419 = vector.shape_cast %parallel_loop3A_1415 : vector<16xi32> to vector<16x1xi32>
      %parallel_loop3A_1420 = vector.shape_cast %parallel_loop3A_1419 : vector<16x1xi32> to vector<16xi32>
      %parallel_loop3A_1421 = tpu.dynamic_gather %get3A_14[%parallel_loop3A_1420] in [0] : vector<16xf32>, vector<16xi32> -> vector<16xf32>
      %parallel_loop3A_1422 = arith.constant 16 : i32
      %parallel_loop3A_1423 = vector.broadcast %parallel_loop3A_1422 : i32 to vector<16xi32>
      %parallel_loop3A_1424 = arith.cmpi slt, %parallel_loop3A_1412, %parallel_loop3A_1423 : vector<16xi32>
      %parallel_loop3A_1425 = arith.select %parallel_loop3A_1424, %parallel_loop3A_1418, %parallel_loop3A_1421 : vector<16xi1>, vector<16xf32>
      %parallel_loop3A_1426 = arith.constant 8 : i32
      %parallel_loop3A_1427 = arith.muli %parallel_loop3A_34, %parallel_loop3A_1426 : i32
      %parallel_loop3A_1428 = arith.constant 6 : i32
      %parallel_loop3A_1429 = arith.addi %parallel_loop3A_1427, %parallel_loop3A_1428 : i32
      %parallel_loop3A_1430 = arith.index_cast %parallel_loop3A_1429 : i32 to index
      %parallel_loop3A_1431 = arith.constant 16 : index
      %parallel_loop3A_1432 = tpu.vector_load %arg7[%parallel_loop3A_1430, %parallel_loop3A_1431] {strides = array<i32>} : memref<200x128xf32, #tpu.memory_space<vmem>>, vector<1x16xf32>,
      %parallel_loop3A_1433 = vector.shape_cast %parallel_loop3A_1432 : vector<1x16xf32> to vector<16xf32>
      %parallel_loop3A_1434 = vector.shape_cast %parallel_loop3A_1425 : vector<16xf32> to vector<1x16xf32>
      tpu.vector_store %arg7[%parallel_loop3A_1430, %parallel_loop3A_1431], %parallel_loop3A_1434 {strides = array<i32>} : memref<200x128xf32, #tpu.memory_space<vmem>>, vector<1x16xf32>,
      %parallel_loop3A_1435 = arith.constant 6 : i32
      %parallel_loop3A_1436 = arith.index_cast %parallel_loop3A_34 : i32 to index
      %parallel_loop3A_1437 = arith.index_cast %parallel_loop3A_1435 : i32 to index
      %parallel_loop3A_1438 = arith.constant 32 : index
      %parallel_loop3A_1439 = tpu.vector_load %arg6[%parallel_loop3A_1436, %parallel_loop3A_1437, %parallel_loop3A_1438] {strides = array<i32>} : memref<25x8x128xi32, #tpu.memory_space<vmem>>, vector<1x1x16xi32>,
      %parallel_loop3A_1440 = vector.shape_cast %parallel_loop3A_1439 : vector<1x1x16xi32> to vector<16xi32>
      %parallel_loop3A_1441 = arith.constant 15 : i32
      %parallel_loop3A_1442 = vector.broadcast %parallel_loop3A_1441 : i32 to vector<16xi32>
      %parallel_loop3A_1443 = arith.andi %parallel_loop3A_1440, %parallel_loop3A_1442 : vector<16xi32>
      %parallel_loop3A_1444 = vector.shape_cast %parallel_loop3A_1443 : vector<16xi32> to vector<16x1xi32>
      %parallel_loop3A_1445 = vector.shape_cast %parallel_loop3A_1444 : vector<16x1xi32> to vector<16xi32>
      %parallel_loop3A_1446 = tpu.dynamic_gather %get3A_11[%parallel_loop3A_1445] in [0] : vector<16xf32>, vector<16xi32> -> vector<16xf32>
      %parallel_loop3A_1447 = vector.shape_cast %parallel_loop3A_1443 : vector<16xi32> to vector<16x1xi32>
      %parallel_loop3A_1448 = vector.shape_cast %parallel_loop3A_1447 : vector<16x1xi32> to vector<16xi32>
      %parallel_loop3A_1449 = tpu.dynamic_gather %get3A_14[%parallel_loop3A_1448] in [0] : vector<16xf32>, vector<16xi32> -> vector<16xf32>
      %parallel_loop3A_1450 = arith.constant 16 : i32
      %parallel_loop3A_1451 = vector.broadcast %parallel_loop3A_1450 : i32 to vector<16xi32>
      %parallel_loop3A_1452 = arith.cmpi slt, %parallel_loop3A_1440, %parallel_loop3A_1451 : vector<16xi32>
      %parallel_loop3A_1453 = arith.select %parallel_loop3A_1452, %parallel_loop3A_1446, %parallel_loop3A_1449 : vector<16xi1>, vector<16xf32>
      %parallel_loop3A_1454 = arith.constant 8 : i32
      %parallel_loop3A_1455 = arith.muli %parallel_loop3A_34, %parallel_loop3A_1454 : i32
      %parallel_loop3A_1456 = arith.constant 6 : i32
      %parallel_loop3A_1457 = arith.addi %parallel_loop3A_1455, %parallel_loop3A_1456 : i32
      %parallel_loop3A_1458 = arith.index_cast %parallel_loop3A_1457 : i32 to index
      %parallel_loop3A_1459 = arith.constant 32 : index
      %parallel_loop3A_1460 = tpu.vector_load %arg7[%parallel_loop3A_1458, %parallel_loop3A_1459] {strides = array<i32>} : memref<200x128xf32, #tpu.memory_space<vmem>>, vector<1x16xf32>,
      %parallel_loop3A_1461 = vector.shape_cast %parallel_loop3A_1460 : vector<1x16xf32> to vector<16xf32>
      %parallel_loop3A_1462 = vector.shape_cast %parallel_loop3A_1453 : vector<16xf32> to vector<1x16xf32>
      tpu.vector_store %arg7[%parallel_loop3A_1458, %parallel_loop3A_1459], %parallel_loop3A_1462 {strides = array<i32>} : memref<200x128xf32, #tpu.memory_space<vmem>>, vector<1x16xf32>,
      %parallel_loop3A_1463 = arith.constant 6 : i32
      %parallel_loop3A_1464 = arith.index_cast %parallel_loop3A_34 : i32 to index
      %parallel_loop3A_1465 = arith.index_cast %parallel_loop3A_1463 : i32 to index
      %parallel_loop3A_1466 = arith.constant 48 : index
      %parallel_loop3A_1467 = tpu.vector_load %arg6[%parallel_loop3A_1464, %parallel_loop3A_1465, %parallel_loop3A_1466] {strides = array<i32>} : memref<25x8x128xi32, #tpu.memory_space<vmem>>, vector<1x1x16xi32>,
      %parallel_loop3A_1468 = vector.shape_cast %parallel_loop3A_1467 : vector<1x1x16xi32> to vector<16xi32>
      %parallel_loop3A_1469 = arith.constant 15 : i32
      %parallel_loop3A_1470 = vector.broadcast %parallel_loop3A_1469 : i32 to vector<16xi32>
      %parallel_loop3A_1471 = arith.andi %parallel_loop3A_1468, %parallel_loop3A_1470 : vector<16xi32>
      %parallel_loop3A_1472 = vector.shape_cast %parallel_loop3A_1471 : vector<16xi32> to vector<16x1xi32>
      %parallel_loop3A_1473 = vector.shape_cast %parallel_loop3A_1472 : vector<16x1xi32> to vector<16xi32>
      %parallel_loop3A_1474 = tpu.dynamic_gather %get3A_11[%parallel_loop3A_1473] in [0] : vector<16xf32>, vector<16xi32> -> vector<16xf32>
      %parallel_loop3A_1475 = vector.shape_cast %parallel_loop3A_1471 : vector<16xi32> to vector<16x1xi32>
      %parallel_loop3A_1476 = vector.shape_cast %parallel_loop3A_1475 : vector<16x1xi32> to vector<16xi32>
      %parallel_loop3A_1477 = tpu.dynamic_gather %get3A_14[%parallel_loop3A_1476] in [0] : vector<16xf32>, vector<16xi32> -> vector<16xf32>
      %parallel_loop3A_1478 = arith.constant 16 : i32
      %parallel_loop3A_1479 = vector.broadcast %parallel_loop3A_1478 : i32 to vector<16xi32>
      %parallel_loop3A_1480 = arith.cmpi slt, %parallel_loop3A_1468, %parallel_loop3A_1479 : vector<16xi32>
      %parallel_loop3A_1481 = arith.select %parallel_loop3A_1480, %parallel_loop3A_1474, %parallel_loop3A_1477 : vector<16xi1>, vector<16xf32>
      %parallel_loop3A_1482 = arith.constant 8 : i32
      %parallel_loop3A_1483 = arith.muli %parallel_loop3A_34, %parallel_loop3A_1482 : i32
      %parallel_loop3A_1484 = arith.constant 6 : i32
      %parallel_loop3A_1485 = arith.addi %parallel_loop3A_1483, %parallel_loop3A_1484 : i32
      %parallel_loop3A_1486 = arith.index_cast %parallel_loop3A_1485 : i32 to index
      %parallel_loop3A_1487 = arith.constant 48 : index
      %parallel_loop3A_1488 = tpu.vector_load %arg7[%parallel_loop3A_1486, %parallel_loop3A_1487] {strides = array<i32>} : memref<200x128xf32, #tpu.memory_space<vmem>>, vector<1x16xf32>,
      %parallel_loop3A_1489 = vector.shape_cast %parallel_loop3A_1488 : vector<1x16xf32> to vector<16xf32>
      %parallel_loop3A_1490 = vector.shape_cast %parallel_loop3A_1481 : vector<16xf32> to vector<1x16xf32>
      tpu.vector_store %arg7[%parallel_loop3A_1486, %parallel_loop3A_1487], %parallel_loop3A_1490 {strides = array<i32>} : memref<200x128xf32, #tpu.memory_space<vmem>>, vector<1x16xf32>,
      %parallel_loop3A_1491 = arith.constant 6 : i32
      %parallel_loop3A_1492 = arith.index_cast %parallel_loop3A_34 : i32 to index
      %parallel_loop3A_1493 = arith.index_cast %parallel_loop3A_1491 : i32 to index
      %parallel_loop3A_1494 = arith.constant 64 : index
      %parallel_loop3A_1495 = tpu.vector_load %arg6[%parallel_loop3A_1492, %parallel_loop3A_1493, %parallel_loop3A_1494] {strides = array<i32>} : memref<25x8x128xi32, #tpu.memory_space<vmem>>, vector<1x1x16xi32>,
      %parallel_loop3A_1496 = vector.shape_cast %parallel_loop3A_1495 : vector<1x1x16xi32> to vector<16xi32>
      %parallel_loop3A_1497 = arith.constant 15 : i32
      %parallel_loop3A_1498 = vector.broadcast %parallel_loop3A_1497 : i32 to vector<16xi32>
      %parallel_loop3A_1499 = arith.andi %parallel_loop3A_1496, %parallel_loop3A_1498 : vector<16xi32>
      %parallel_loop3A_1500 = vector.shape_cast %parallel_loop3A_1499 : vector<16xi32> to vector<16x1xi32>
      %parallel_loop3A_1501 = vector.shape_cast %parallel_loop3A_1500 : vector<16x1xi32> to vector<16xi32>
      %parallel_loop3A_1502 = tpu.dynamic_gather %get3A_11[%parallel_loop3A_1501] in [0] : vector<16xf32>, vector<16xi32> -> vector<16xf32>
      %parallel_loop3A_1503 = vector.shape_cast %parallel_loop3A_1499 : vector<16xi32> to vector<16x1xi32>
      %parallel_loop3A_1504 = vector.shape_cast %parallel_loop3A_1503 : vector<16x1xi32> to vector<16xi32>
      %parallel_loop3A_1505 = tpu.dynamic_gather %get3A_14[%parallel_loop3A_1504] in [0] : vector<16xf32>, vector<16xi32> -> vector<16xf32>
      %parallel_loop3A_1506 = arith.constant 16 : i32
      %parallel_loop3A_1507 = vector.broadcast %parallel_loop3A_1506 : i32 to vector<16xi32>
      %parallel_loop3A_1508 = arith.cmpi slt, %parallel_loop3A_1496, %parallel_loop3A_1507 : vector<16xi32>
      %parallel_loop3A_1509 = arith.select %parallel_loop3A_1508, %parallel_loop3A_1502, %parallel_loop3A_1505 : vector<16xi1>, vector<16xf32>
      %parallel_loop3A_1510 = arith.constant 8 : i32
      %parallel_loop3A_1511 = arith.muli %parallel_loop3A_34, %parallel_loop3A_1510 : i32
      %parallel_loop3A_1512 = arith.constant 6 : i32
      %parallel_loop3A_1513 = arith.addi %parallel_loop3A_1511, %parallel_loop3A_1512 : i32
      %parallel_loop3A_1514 = arith.index_cast %parallel_loop3A_1513 : i32 to index
      %parallel_loop3A_1515 = arith.constant 64 : index
      %parallel_loop3A_1516 = tpu.vector_load %arg7[%parallel_loop3A_1514, %parallel_loop3A_1515] {strides = array<i32>} : memref<200x128xf32, #tpu.memory_space<vmem>>, vector<1x16xf32>,
      %parallel_loop3A_1517 = vector.shape_cast %parallel_loop3A_1516 : vector<1x16xf32> to vector<16xf32>
      %parallel_loop3A_1518 = vector.shape_cast %parallel_loop3A_1509 : vector<16xf32> to vector<1x16xf32>
      tpu.vector_store %arg7[%parallel_loop3A_1514, %parallel_loop3A_1515], %parallel_loop3A_1518 {strides = array<i32>} : memref<200x128xf32, #tpu.memory_space<vmem>>, vector<1x16xf32>,
      %parallel_loop3A_1519 = arith.constant 6 : i32
      %parallel_loop3A_1520 = arith.index_cast %parallel_loop3A_34 : i32 to index
      %parallel_loop3A_1521 = arith.index_cast %parallel_loop3A_1519 : i32 to index
      %parallel_loop3A_1522 = arith.constant 80 : index
      %parallel_loop3A_1523 = tpu.vector_load %arg6[%parallel_loop3A_1520, %parallel_loop3A_1521, %parallel_loop3A_1522] {strides = array<i32>} : memref<25x8x128xi32, #tpu.memory_space<vmem>>, vector<1x1x16xi32>,
      %parallel_loop3A_1524 = vector.shape_cast %parallel_loop3A_1523 : vector<1x1x16xi32> to vector<16xi32>
      %parallel_loop3A_1525 = arith.constant 15 : i32
      %parallel_loop3A_1526 = vector.broadcast %parallel_loop3A_1525 : i32 to vector<16xi32>
      %parallel_loop3A_1527 = arith.andi %parallel_loop3A_1524, %parallel_loop3A_1526 : vector<16xi32>
      %parallel_loop3A_1528 = vector.shape_cast %parallel_loop3A_1527 : vector<16xi32> to vector<16x1xi32>
      %parallel_loop3A_1529 = vector.shape_cast %parallel_loop3A_1528 : vector<16x1xi32> to vector<16xi32>
      %parallel_loop3A_1530 = tpu.dynamic_gather %get3A_11[%parallel_loop3A_1529] in [0] : vector<16xf32>, vector<16xi32> -> vector<16xf32>
      %parallel_loop3A_1531 = vector.shape_cast %parallel_loop3A_1527 : vector<16xi32> to vector<16x1xi32>
      %parallel_loop3A_1532 = vector.shape_cast %parallel_loop3A_1531 : vector<16x1xi32> to vector<16xi32>
      %parallel_loop3A_1533 = tpu.dynamic_gather %get3A_14[%parallel_loop3A_1532] in [0] : vector<16xf32>, vector<16xi32> -> vector<16xf32>
      %parallel_loop3A_1534 = arith.constant 16 : i32
      %parallel_loop3A_1535 = vector.broadcast %parallel_loop3A_1534 : i32 to vector<16xi32>
      %parallel_loop3A_1536 = arith.cmpi slt, %parallel_loop3A_1524, %parallel_loop3A_1535 : vector<16xi32>
      %parallel_loop3A_1537 = arith.select %parallel_loop3A_1536, %parallel_loop3A_1530, %parallel_loop3A_1533 : vector<16xi1>, vector<16xf32>
      %parallel_loop3A_1538 = arith.constant 8 : i32
      %parallel_loop3A_1539 = arith.muli %parallel_loop3A_34, %parallel_loop3A_1538 : i32
      %parallel_loop3A_1540 = arith.constant 6 : i32
      %parallel_loop3A_1541 = arith.addi %parallel_loop3A_1539, %parallel_loop3A_1540 : i32
      %parallel_loop3A_1542 = arith.index_cast %parallel_loop3A_1541 : i32 to index
      %parallel_loop3A_1543 = arith.constant 80 : index
      %parallel_loop3A_1544 = tpu.vector_load %arg7[%parallel_loop3A_1542, %parallel_loop3A_1543] {strides = array<i32>} : memref<200x128xf32, #tpu.memory_space<vmem>>, vector<1x16xf32>,
      %parallel_loop3A_1545 = vector.shape_cast %parallel_loop3A_1544 : vector<1x16xf32> to vector<16xf32>
      %parallel_loop3A_1546 = vector.shape_cast %parallel_loop3A_1537 : vector<16xf32> to vector<1x16xf32>
      tpu.vector_store %arg7[%parallel_loop3A_1542, %parallel_loop3A_1543], %parallel_loop3A_1546 {strides = array<i32>} : memref<200x128xf32, #tpu.memory_space<vmem>>, vector<1x16xf32>,
      %parallel_loop3A_1547 = arith.constant 6 : i32
      %parallel_loop3A_1548 = arith.index_cast %parallel_loop3A_34 : i32 to index
      %parallel_loop3A_1549 = arith.index_cast %parallel_loop3A_1547 : i32 to index
      %parallel_loop3A_1550 = arith.constant 96 : index
      %parallel_loop3A_1551 = tpu.vector_load %arg6[%parallel_loop3A_1548, %parallel_loop3A_1549, %parallel_loop3A_1550] {strides = array<i32>} : memref<25x8x128xi32, #tpu.memory_space<vmem>>, vector<1x1x16xi32>,
      %parallel_loop3A_1552 = vector.shape_cast %parallel_loop3A_1551 : vector<1x1x16xi32> to vector<16xi32>
      %parallel_loop3A_1553 = arith.constant 15 : i32
      %parallel_loop3A_1554 = vector.broadcast %parallel_loop3A_1553 : i32 to vector<16xi32>
      %parallel_loop3A_1555 = arith.andi %parallel_loop3A_1552, %parallel_loop3A_1554 : vector<16xi32>
      %parallel_loop3A_1556 = vector.shape_cast %parallel_loop3A_1555 : vector<16xi32> to vector<16x1xi32>
      %parallel_loop3A_1557 = vector.shape_cast %parallel_loop3A_1556 : vector<16x1xi32> to vector<16xi32>
      %parallel_loop3A_1558 = tpu.dynamic_gather %get3A_11[%parallel_loop3A_1557] in [0] : vector<16xf32>, vector<16xi32> -> vector<16xf32>
      %parallel_loop3A_1559 = vector.shape_cast %parallel_loop3A_1555 : vector<16xi32> to vector<16x1xi32>
      %parallel_loop3A_1560 = vector.shape_cast %parallel_loop3A_1559 : vector<16x1xi32> to vector<16xi32>
      %parallel_loop3A_1561 = tpu.dynamic_gather %get3A_14[%parallel_loop3A_1560] in [0] : vector<16xf32>, vector<16xi32> -> vector<16xf32>
      %parallel_loop3A_1562 = arith.constant 16 : i32
      %parallel_loop3A_1563 = vector.broadcast %parallel_loop3A_1562 : i32 to vector<16xi32>
      %parallel_loop3A_1564 = arith.cmpi slt, %parallel_loop3A_1552, %parallel_loop3A_1563 : vector<16xi32>
      %parallel_loop3A_1565 = arith.select %parallel_loop3A_1564, %parallel_loop3A_1558, %parallel_loop3A_1561 : vector<16xi1>, vector<16xf32>
      %parallel_loop3A_1566 = arith.constant 8 : i32
      %parallel_loop3A_1567 = arith.muli %parallel_loop3A_34, %parallel_loop3A_1566 : i32
      %parallel_loop3A_1568 = arith.constant 6 : i32
      %parallel_loop3A_1569 = arith.addi %parallel_loop3A_1567, %parallel_loop3A_1568 : i32
      %parallel_loop3A_1570 = arith.index_cast %parallel_loop3A_1569 : i32 to index
      %parallel_loop3A_1571 = arith.constant 96 : index
      %parallel_loop3A_1572 = tpu.vector_load %arg7[%parallel_loop3A_1570, %parallel_loop3A_1571] {strides = array<i32>} : memref<200x128xf32, #tpu.memory_space<vmem>>, vector<1x16xf32>,
      %parallel_loop3A_1573 = vector.shape_cast %parallel_loop3A_1572 : vector<1x16xf32> to vector<16xf32>
      %parallel_loop3A_1574 = vector.shape_cast %parallel_loop3A_1565 : vector<16xf32> to vector<1x16xf32>
      tpu.vector_store %arg7[%parallel_loop3A_1570, %parallel_loop3A_1571], %parallel_loop3A_1574 {strides = array<i32>} : memref<200x128xf32, #tpu.memory_space<vmem>>, vector<1x16xf32>,
      %parallel_loop3A_1575 = arith.constant 6 : i32
      %parallel_loop3A_1576 = arith.index_cast %parallel_loop3A_34 : i32 to index
      %parallel_loop3A_1577 = arith.index_cast %parallel_loop3A_1575 : i32 to index
      %parallel_loop3A_1578 = arith.constant 112 : index
      %parallel_loop3A_1579 = tpu.vector_load %arg6[%parallel_loop3A_1576, %parallel_loop3A_1577, %parallel_loop3A_1578] {strides = array<i32>} : memref<25x8x128xi32, #tpu.memory_space<vmem>>, vector<1x1x16xi32>,
      %parallel_loop3A_1580 = vector.shape_cast %parallel_loop3A_1579 : vector<1x1x16xi32> to vector<16xi32>
      %parallel_loop3A_1581 = arith.constant 15 : i32
      %parallel_loop3A_1582 = vector.broadcast %parallel_loop3A_1581 : i32 to vector<16xi32>
      %parallel_loop3A_1583 = arith.andi %parallel_loop3A_1580, %parallel_loop3A_1582 : vector<16xi32>
      %parallel_loop3A_1584 = vector.shape_cast %parallel_loop3A_1583 : vector<16xi32> to vector<16x1xi32>
      %parallel_loop3A_1585 = vector.shape_cast %parallel_loop3A_1584 : vector<16x1xi32> to vector<16xi32>
      %parallel_loop3A_1586 = tpu.dynamic_gather %get3A_11[%parallel_loop3A_1585] in [0] : vector<16xf32>, vector<16xi32> -> vector<16xf32>
      %parallel_loop3A_1587 = vector.shape_cast %parallel_loop3A_1583 : vector<16xi32> to vector<16x1xi32>
      %parallel_loop3A_1588 = vector.shape_cast %parallel_loop3A_1587 : vector<16x1xi32> to vector<16xi32>
      %parallel_loop3A_1589 = tpu.dynamic_gather %get3A_14[%parallel_loop3A_1588] in [0] : vector<16xf32>, vector<16xi32> -> vector<16xf32>
      %parallel_loop3A_1590 = arith.constant 16 : i32
      %parallel_loop3A_1591 = vector.broadcast %parallel_loop3A_1590 : i32 to vector<16xi32>
      %parallel_loop3A_1592 = arith.cmpi slt, %parallel_loop3A_1580, %parallel_loop3A_1591 : vector<16xi32>
      %parallel_loop3A_1593 = arith.select %parallel_loop3A_1592, %parallel_loop3A_1586, %parallel_loop3A_1589 : vector<16xi1>, vector<16xf32>
      %parallel_loop3A_1594 = arith.constant 8 : i32
      %parallel_loop3A_1595 = arith.muli %parallel_loop3A_34, %parallel_loop3A_1594 : i32
      %parallel_loop3A_1596 = arith.constant 6 : i32
      %parallel_loop3A_1597 = arith.addi %parallel_loop3A_1595, %parallel_loop3A_1596 : i32
      %parallel_loop3A_1598 = arith.index_cast %parallel_loop3A_1597 : i32 to index
      %parallel_loop3A_1599 = arith.constant 112 : index
      %parallel_loop3A_1600 = tpu.vector_load %arg7[%parallel_loop3A_1598, %parallel_loop3A_1599] {strides = array<i32>} : memref<200x128xf32, #tpu.memory_space<vmem>>, vector<1x16xf32>,
      %parallel_loop3A_1601 = vector.shape_cast %parallel_loop3A_1600 : vector<1x16xf32> to vector<16xf32>
      %parallel_loop3A_1602 = vector.shape_cast %parallel_loop3A_1593 : vector<16xf32> to vector<1x16xf32>
      tpu.vector_store %arg7[%parallel_loop3A_1598, %parallel_loop3A_1599], %parallel_loop3A_1602 {strides = array<i32>} : memref<200x128xf32, #tpu.memory_space<vmem>>, vector<1x16xf32>,
      %parallel_loop3A_1603 = arith.constant 7 : i32
      %parallel_loop3A_1604 = arith.index_cast %parallel_loop3A_34 : i32 to index
      %parallel_loop3A_1605 = arith.index_cast %parallel_loop3A_1603 : i32 to index
      %parallel_loop3A_1606 = arith.constant 0 : index
      %parallel_loop3A_1607 = tpu.vector_load %arg6[%parallel_loop3A_1604, %parallel_loop3A_1605, %parallel_loop3A_1606] {strides = array<i32>} : memref<25x8x128xi32, #tpu.memory_space<vmem>>, vector<1x1x16xi32>,
      %parallel_loop3A_1608 = vector.shape_cast %parallel_loop3A_1607 : vector<1x1x16xi32> to vector<16xi32>
      %parallel_loop3A_1609 = arith.constant 15 : i32
      %parallel_loop3A_1610 = vector.broadcast %parallel_loop3A_1609 : i32 to vector<16xi32>
      %parallel_loop3A_1611 = arith.andi %parallel_loop3A_1608, %parallel_loop3A_1610 : vector<16xi32>
      %parallel_loop3A_1612 = vector.shape_cast %parallel_loop3A_1611 : vector<16xi32> to vector<16x1xi32>
      %parallel_loop3A_1613 = vector.shape_cast %parallel_loop3A_1612 : vector<16x1xi32> to vector<16xi32>
      %parallel_loop3A_1614 = tpu.dynamic_gather %get3A_11[%parallel_loop3A_1613] in [0] : vector<16xf32>, vector<16xi32> -> vector<16xf32>
      %parallel_loop3A_1615 = vector.shape_cast %parallel_loop3A_1611 : vector<16xi32> to vector<16x1xi32>
      %parallel_loop3A_1616 = vector.shape_cast %parallel_loop3A_1615 : vector<16x1xi32> to vector<16xi32>
      %parallel_loop3A_1617 = tpu.dynamic_gather %get3A_14[%parallel_loop3A_1616] in [0] : vector<16xf32>, vector<16xi32> -> vector<16xf32>
      %parallel_loop3A_1618 = arith.constant 16 : i32
      %parallel_loop3A_1619 = vector.broadcast %parallel_loop3A_1618 : i32 to vector<16xi32>
      %parallel_loop3A_1620 = arith.cmpi slt, %parallel_loop3A_1608, %parallel_loop3A_1619 : vector<16xi32>
      %parallel_loop3A_1621 = arith.select %parallel_loop3A_1620, %parallel_loop3A_1614, %parallel_loop3A_1617 : vector<16xi1>, vector<16xf32>
      %parallel_loop3A_1622 = arith.constant 8 : i32
      %parallel_loop3A_1623 = arith.muli %parallel_loop3A_34, %parallel_loop3A_1622 : i32
      %parallel_loop3A_1624 = arith.constant 7 : i32
      %parallel_loop3A_1625 = arith.addi %parallel_loop3A_1623, %parallel_loop3A_1624 : i32
      %parallel_loop3A_1626 = arith.index_cast %parallel_loop3A_1625 : i32 to index
      %parallel_loop3A_1627 = arith.constant 0 : index
      %parallel_loop3A_1628 = tpu.vector_load %arg7[%parallel_loop3A_1626, %parallel_loop3A_1627] {strides = array<i32>} : memref<200x128xf32, #tpu.memory_space<vmem>>, vector<1x16xf32>,
      %parallel_loop3A_1629 = vector.shape_cast %parallel_loop3A_1628 : vector<1x16xf32> to vector<16xf32>
      %parallel_loop3A_1630 = vector.shape_cast %parallel_loop3A_1621 : vector<16xf32> to vector<1x16xf32>
      tpu.vector_store %arg7[%parallel_loop3A_1626, %parallel_loop3A_1627], %parallel_loop3A_1630 {strides = array<i32>} : memref<200x128xf32, #tpu.memory_space<vmem>>, vector<1x16xf32>,
      %parallel_loop3A_1631 = arith.constant 7 : i32
      %parallel_loop3A_1632 = arith.index_cast %parallel_loop3A_34 : i32 to index
      %parallel_loop3A_1633 = arith.index_cast %parallel_loop3A_1631 : i32 to index
      %parallel_loop3A_1634 = arith.constant 16 : index
      %parallel_loop3A_1635 = tpu.vector_load %arg6[%parallel_loop3A_1632, %parallel_loop3A_1633, %parallel_loop3A_1634] {strides = array<i32>} : memref<25x8x128xi32, #tpu.memory_space<vmem>>, vector<1x1x16xi32>,
      %parallel_loop3A_1636 = vector.shape_cast %parallel_loop3A_1635 : vector<1x1x16xi32> to vector<16xi32>
      %parallel_loop3A_1637 = arith.constant 15 : i32
      %parallel_loop3A_1638 = vector.broadcast %parallel_loop3A_1637 : i32 to vector<16xi32>
      %parallel_loop3A_1639 = arith.andi %parallel_loop3A_1636, %parallel_loop3A_1638 : vector<16xi32>
      %parallel_loop3A_1640 = vector.shape_cast %parallel_loop3A_1639 : vector<16xi32> to vector<16x1xi32>
      %parallel_loop3A_1641 = vector.shape_cast %parallel_loop3A_1640 : vector<16x1xi32> to vector<16xi32>
      %parallel_loop3A_1642 = tpu.dynamic_gather %get3A_11[%parallel_loop3A_1641] in [0] : vector<16xf32>, vector<16xi32> -> vector<16xf32>
      %parallel_loop3A_1643 = vector.shape_cast %parallel_loop3A_1639 : vector<16xi32> to vector<16x1xi32>
      %parallel_loop3A_1644 = vector.shape_cast %parallel_loop3A_1643 : vector<16x1xi32> to vector<16xi32>
      %parallel_loop3A_1645 = tpu.dynamic_gather %get3A_14[%parallel_loop3A_1644] in [0] : vector<16xf32>, vector<16xi32> -> vector<16xf32>
      %parallel_loop3A_1646 = arith.constant 16 : i32
      %parallel_loop3A_1647 = vector.broadcast %parallel_loop3A_1646 : i32 to vector<16xi32>
      %parallel_loop3A_1648 = arith.cmpi slt, %parallel_loop3A_1636, %parallel_loop3A_1647 : vector<16xi32>
      %parallel_loop3A_1649 = arith.select %parallel_loop3A_1648, %parallel_loop3A_1642, %parallel_loop3A_1645 : vector<16xi1>, vector<16xf32>
      %parallel_loop3A_1650 = arith.constant 8 : i32
      %parallel_loop3A_1651 = arith.muli %parallel_loop3A_34, %parallel_loop3A_1650 : i32
      %parallel_loop3A_1652 = arith.constant 7 : i32
      %parallel_loop3A_1653 = arith.addi %parallel_loop3A_1651, %parallel_loop3A_1652 : i32
      %parallel_loop3A_1654 = arith.index_cast %parallel_loop3A_1653 : i32 to index
      %parallel_loop3A_1655 = arith.constant 16 : index
      %parallel_loop3A_1656 = tpu.vector_load %arg7[%parallel_loop3A_1654, %parallel_loop3A_1655] {strides = array<i32>} : memref<200x128xf32, #tpu.memory_space<vmem>>, vector<1x16xf32>,
      %parallel_loop3A_1657 = vector.shape_cast %parallel_loop3A_1656 : vector<1x16xf32> to vector<16xf32>
      %parallel_loop3A_1658 = vector.shape_cast %parallel_loop3A_1649 : vector<16xf32> to vector<1x16xf32>
      tpu.vector_store %arg7[%parallel_loop3A_1654, %parallel_loop3A_1655], %parallel_loop3A_1658 {strides = array<i32>} : memref<200x128xf32, #tpu.memory_space<vmem>>, vector<1x16xf32>,
      %parallel_loop3A_1659 = arith.constant 7 : i32
      %parallel_loop3A_1660 = arith.index_cast %parallel_loop3A_34 : i32 to index
      %parallel_loop3A_1661 = arith.index_cast %parallel_loop3A_1659 : i32 to index
      %parallel_loop3A_1662 = arith.constant 32 : index
      %parallel_loop3A_1663 = tpu.vector_load %arg6[%parallel_loop3A_1660, %parallel_loop3A_1661, %parallel_loop3A_1662] {strides = array<i32>} : memref<25x8x128xi32, #tpu.memory_space<vmem>>, vector<1x1x16xi32>,
      %parallel_loop3A_1664 = vector.shape_cast %parallel_loop3A_1663 : vector<1x1x16xi32> to vector<16xi32>
      %parallel_loop3A_1665 = arith.constant 15 : i32
      %parallel_loop3A_1666 = vector.broadcast %parallel_loop3A_1665 : i32 to vector<16xi32>
      %parallel_loop3A_1667 = arith.andi %parallel_loop3A_1664, %parallel_loop3A_1666 : vector<16xi32>
      %parallel_loop3A_1668 = vector.shape_cast %parallel_loop3A_1667 : vector<16xi32> to vector<16x1xi32>
      %parallel_loop3A_1669 = vector.shape_cast %parallel_loop3A_1668 : vector<16x1xi32> to vector<16xi32>
      %parallel_loop3A_1670 = tpu.dynamic_gather %get3A_11[%parallel_loop3A_1669] in [0] : vector<16xf32>, vector<16xi32> -> vector<16xf32>
      %parallel_loop3A_1671 = vector.shape_cast %parallel_loop3A_1667 : vector<16xi32> to vector<16x1xi32>
      %parallel_loop3A_1672 = vector.shape_cast %parallel_loop3A_1671 : vector<16x1xi32> to vector<16xi32>
      %parallel_loop3A_1673 = tpu.dynamic_gather %get3A_14[%parallel_loop3A_1672] in [0] : vector<16xf32>, vector<16xi32> -> vector<16xf32>
      %parallel_loop3A_1674 = arith.constant 16 : i32
      %parallel_loop3A_1675 = vector.broadcast %parallel_loop3A_1674 : i32 to vector<16xi32>
      %parallel_loop3A_1676 = arith.cmpi slt, %parallel_loop3A_1664, %parallel_loop3A_1675 : vector<16xi32>
      %parallel_loop3A_1677 = arith.select %parallel_loop3A_1676, %parallel_loop3A_1670, %parallel_loop3A_1673 : vector<16xi1>, vector<16xf32>
      %parallel_loop3A_1678 = arith.constant 8 : i32
      %parallel_loop3A_1679 = arith.muli %parallel_loop3A_34, %parallel_loop3A_1678 : i32
      %parallel_loop3A_1680 = arith.constant 7 : i32
      %parallel_loop3A_1681 = arith.addi %parallel_loop3A_1679, %parallel_loop3A_1680 : i32
      %parallel_loop3A_1682 = arith.index_cast %parallel_loop3A_1681 : i32 to index
      %parallel_loop3A_1683 = arith.constant 32 : index
      %parallel_loop3A_1684 = tpu.vector_load %arg7[%parallel_loop3A_1682, %parallel_loop3A_1683] {strides = array<i32>} : memref<200x128xf32, #tpu.memory_space<vmem>>, vector<1x16xf32>,
      %parallel_loop3A_1685 = vector.shape_cast %parallel_loop3A_1684 : vector<1x16xf32> to vector<16xf32>
      %parallel_loop3A_1686 = vector.shape_cast %parallel_loop3A_1677 : vector<16xf32> to vector<1x16xf32>
      tpu.vector_store %arg7[%parallel_loop3A_1682, %parallel_loop3A_1683], %parallel_loop3A_1686 {strides = array<i32>} : memref<200x128xf32, #tpu.memory_space<vmem>>, vector<1x16xf32>,
      %parallel_loop3A_1687 = arith.constant 7 : i32
      %parallel_loop3A_1688 = arith.index_cast %parallel_loop3A_34 : i32 to index
      %parallel_loop3A_1689 = arith.index_cast %parallel_loop3A_1687 : i32 to index
      %parallel_loop3A_1690 = arith.constant 48 : index
      %parallel_loop3A_1691 = tpu.vector_load %arg6[%parallel_loop3A_1688, %parallel_loop3A_1689, %parallel_loop3A_1690] {strides = array<i32>} : memref<25x8x128xi32, #tpu.memory_space<vmem>>, vector<1x1x16xi32>,
      %parallel_loop3A_1692 = vector.shape_cast %parallel_loop3A_1691 : vector<1x1x16xi32> to vector<16xi32>
      %parallel_loop3A_1693 = arith.constant 15 : i32
      %parallel_loop3A_1694 = vector.broadcast %parallel_loop3A_1693 : i32 to vector<16xi32>
      %parallel_loop3A_1695 = arith.andi %parallel_loop3A_1692, %parallel_loop3A_1694 : vector<16xi32>
      %parallel_loop3A_1696 = vector.shape_cast %parallel_loop3A_1695 : vector<16xi32> to vector<16x1xi32>
      %parallel_loop3A_1697 = vector.shape_cast %parallel_loop3A_1696 : vector<16x1xi32> to vector<16xi32>
      %parallel_loop3A_1698 = tpu.dynamic_gather %get3A_11[%parallel_loop3A_1697] in [0] : vector<16xf32>, vector<16xi32> -> vector<16xf32>
      %parallel_loop3A_1699 = vector.shape_cast %parallel_loop3A_1695 : vector<16xi32> to vector<16x1xi32>
      %parallel_loop3A_1700 = vector.shape_cast %parallel_loop3A_1699 : vector<16x1xi32> to vector<16xi32>
      %parallel_loop3A_1701 = tpu.dynamic_gather %get3A_14[%parallel_loop3A_1700] in [0] : vector<16xf32>, vector<16xi32> -> vector<16xf32>
      %parallel_loop3A_1702 = arith.constant 16 : i32
      %parallel_loop3A_1703 = vector.broadcast %parallel_loop3A_1702 : i32 to vector<16xi32>
      %parallel_loop3A_1704 = arith.cmpi slt, %parallel_loop3A_1692, %parallel_loop3A_1703 : vector<16xi32>
      %parallel_loop3A_1705 = arith.select %parallel_loop3A_1704, %parallel_loop3A_1698, %parallel_loop3A_1701 : vector<16xi1>, vector<16xf32>
      %parallel_loop3A_1706 = arith.constant 8 : i32
      %parallel_loop3A_1707 = arith.muli %parallel_loop3A_34, %parallel_loop3A_1706 : i32
      %parallel_loop3A_1708 = arith.constant 7 : i32
      %parallel_loop3A_1709 = arith.addi %parallel_loop3A_1707, %parallel_loop3A_1708 : i32
      %parallel_loop3A_1710 = arith.index_cast %parallel_loop3A_1709 : i32 to index
      %parallel_loop3A_1711 = arith.constant 48 : index
      %parallel_loop3A_1712 = tpu.vector_load %arg7[%parallel_loop3A_1710, %parallel_loop3A_1711] {strides = array<i32>} : memref<200x128xf32, #tpu.memory_space<vmem>>, vector<1x16xf32>,
      %parallel_loop3A_1713 = vector.shape_cast %parallel_loop3A_1712 : vector<1x16xf32> to vector<16xf32>
      %parallel_loop3A_1714 = vector.shape_cast %parallel_loop3A_1705 : vector<16xf32> to vector<1x16xf32>
      tpu.vector_store %arg7[%parallel_loop3A_1710, %parallel_loop3A_1711], %parallel_loop3A_1714 {strides = array<i32>} : memref<200x128xf32, #tpu.memory_space<vmem>>, vector<1x16xf32>,
      %parallel_loop3A_1715 = arith.constant 7 : i32
      %parallel_loop3A_1716 = arith.index_cast %parallel_loop3A_34 : i32 to index
      %parallel_loop3A_1717 = arith.index_cast %parallel_loop3A_1715 : i32 to index
      %parallel_loop3A_1718 = arith.constant 64 : index
      %parallel_loop3A_1719 = tpu.vector_load %arg6[%parallel_loop3A_1716, %parallel_loop3A_1717, %parallel_loop3A_1718] {strides = array<i32>} : memref<25x8x128xi32, #tpu.memory_space<vmem>>, vector<1x1x16xi32>,
      %parallel_loop3A_1720 = vector.shape_cast %parallel_loop3A_1719 : vector<1x1x16xi32> to vector<16xi32>
      %parallel_loop3A_1721 = arith.constant 15 : i32
      %parallel_loop3A_1722 = vector.broadcast %parallel_loop3A_1721 : i32 to vector<16xi32>
      %parallel_loop3A_1723 = arith.andi %parallel_loop3A_1720, %parallel_loop3A_1722 : vector<16xi32>
      %parallel_loop3A_1724 = vector.shape_cast %parallel_loop3A_1723 : vector<16xi32> to vector<16x1xi32>
      %parallel_loop3A_1725 = vector.shape_cast %parallel_loop3A_1724 : vector<16x1xi32> to vector<16xi32>
      %parallel_loop3A_1726 = tpu.dynamic_gather %get3A_11[%parallel_loop3A_1725] in [0] : vector<16xf32>, vector<16xi32> -> vector<16xf32>
      %parallel_loop3A_1727 = vector.shape_cast %parallel_loop3A_1723 : vector<16xi32> to vector<16x1xi32>
      %parallel_loop3A_1728 = vector.shape_cast %parallel_loop3A_1727 : vector<16x1xi32> to vector<16xi32>
      %parallel_loop3A_1729 = tpu.dynamic_gather %get3A_14[%parallel_loop3A_1728] in [0] : vector<16xf32>, vector<16xi32> -> vector<16xf32>
      %parallel_loop3A_1730 = arith.constant 16 : i32
      %parallel_loop3A_1731 = vector.broadcast %parallel_loop3A_1730 : i32 to vector<16xi32>
      %parallel_loop3A_1732 = arith.cmpi slt, %parallel_loop3A_1720, %parallel_loop3A_1731 : vector<16xi32>
      %parallel_loop3A_1733 = arith.select %parallel_loop3A_1732, %parallel_loop3A_1726, %parallel_loop3A_1729 : vector<16xi1>, vector<16xf32>
      %parallel_loop3A_1734 = arith.constant 8 : i32
      %parallel_loop3A_1735 = arith.muli %parallel_loop3A_34, %parallel_loop3A_1734 : i32
      %parallel_loop3A_1736 = arith.constant 7 : i32
      %parallel_loop3A_1737 = arith.addi %parallel_loop3A_1735, %parallel_loop3A_1736 : i32
      %parallel_loop3A_1738 = arith.index_cast %parallel_loop3A_1737 : i32 to index
      %parallel_loop3A_1739 = arith.constant 64 : index
      %parallel_loop3A_1740 = tpu.vector_load %arg7[%parallel_loop3A_1738, %parallel_loop3A_1739] {strides = array<i32>} : memref<200x128xf32, #tpu.memory_space<vmem>>, vector<1x16xf32>,
      %parallel_loop3A_1741 = vector.shape_cast %parallel_loop3A_1740 : vector<1x16xf32> to vector<16xf32>
      %parallel_loop3A_1742 = vector.shape_cast %parallel_loop3A_1733 : vector<16xf32> to vector<1x16xf32>
      tpu.vector_store %arg7[%parallel_loop3A_1738, %parallel_loop3A_1739], %parallel_loop3A_1742 {strides = array<i32>} : memref<200x128xf32, #tpu.memory_space<vmem>>, vector<1x16xf32>,
      %parallel_loop3A_1743 = arith.constant 7 : i32
      %parallel_loop3A_1744 = arith.index_cast %parallel_loop3A_34 : i32 to index
      %parallel_loop3A_1745 = arith.index_cast %parallel_loop3A_1743 : i32 to index
      %parallel_loop3A_1746 = arith.constant 80 : index
      %parallel_loop3A_1747 = tpu.vector_load %arg6[%parallel_loop3A_1744, %parallel_loop3A_1745, %parallel_loop3A_1746] {strides = array<i32>} : memref<25x8x128xi32, #tpu.memory_space<vmem>>, vector<1x1x16xi32>,
      %parallel_loop3A_1748 = vector.shape_cast %parallel_loop3A_1747 : vector<1x1x16xi32> to vector<16xi32>
      %parallel_loop3A_1749 = arith.constant 15 : i32
      %parallel_loop3A_1750 = vector.broadcast %parallel_loop3A_1749 : i32 to vector<16xi32>
      %parallel_loop3A_1751 = arith.andi %parallel_loop3A_1748, %parallel_loop3A_1750 : vector<16xi32>
      %parallel_loop3A_1752 = vector.shape_cast %parallel_loop3A_1751 : vector<16xi32> to vector<16x1xi32>
      %parallel_loop3A_1753 = vector.shape_cast %parallel_loop3A_1752 : vector<16x1xi32> to vector<16xi32>
      %parallel_loop3A_1754 = tpu.dynamic_gather %get3A_11[%parallel_loop3A_1753] in [0] : vector<16xf32>, vector<16xi32> -> vector<16xf32>
      %parallel_loop3A_1755 = vector.shape_cast %parallel_loop3A_1751 : vector<16xi32> to vector<16x1xi32>
      %parallel_loop3A_1756 = vector.shape_cast %parallel_loop3A_1755 : vector<16x1xi32> to vector<16xi32>
      %parallel_loop3A_1757 = tpu.dynamic_gather %get3A_14[%parallel_loop3A_1756] in [0] : vector<16xf32>, vector<16xi32> -> vector<16xf32>
      %parallel_loop3A_1758 = arith.constant 16 : i32
      %parallel_loop3A_1759 = vector.broadcast %parallel_loop3A_1758 : i32 to vector<16xi32>
      %parallel_loop3A_1760 = arith.cmpi slt, %parallel_loop3A_1748, %parallel_loop3A_1759 : vector<16xi32>
      %parallel_loop3A_1761 = arith.select %parallel_loop3A_1760, %parallel_loop3A_1754, %parallel_loop3A_1757 : vector<16xi1>, vector<16xf32>
      %parallel_loop3A_1762 = arith.constant 8 : i32
      %parallel_loop3A_1763 = arith.muli %parallel_loop3A_34, %parallel_loop3A_1762 : i32
      %parallel_loop3A_1764 = arith.constant 7 : i32
      %parallel_loop3A_1765 = arith.addi %parallel_loop3A_1763, %parallel_loop3A_1764 : i32
      %parallel_loop3A_1766 = arith.index_cast %parallel_loop3A_1765 : i32 to index
      %parallel_loop3A_1767 = arith.constant 80 : index
      %parallel_loop3A_1768 = tpu.vector_load %arg7[%parallel_loop3A_1766, %parallel_loop3A_1767] {strides = array<i32>} : memref<200x128xf32, #tpu.memory_space<vmem>>, vector<1x16xf32>,
      %parallel_loop3A_1769 = vector.shape_cast %parallel_loop3A_1768 : vector<1x16xf32> to vector<16xf32>
      %parallel_loop3A_1770 = vector.shape_cast %parallel_loop3A_1761 : vector<16xf32> to vector<1x16xf32>
      tpu.vector_store %arg7[%parallel_loop3A_1766, %parallel_loop3A_1767], %parallel_loop3A_1770 {strides = array<i32>} : memref<200x128xf32, #tpu.memory_space<vmem>>, vector<1x16xf32>,
      %parallel_loop3A_1771 = arith.constant 7 : i32
      %parallel_loop3A_1772 = arith.index_cast %parallel_loop3A_34 : i32 to index
      %parallel_loop3A_1773 = arith.index_cast %parallel_loop3A_1771 : i32 to index
      %parallel_loop3A_1774 = arith.constant 96 : index
      %parallel_loop3A_1775 = tpu.vector_load %arg6[%parallel_loop3A_1772, %parallel_loop3A_1773, %parallel_loop3A_1774] {strides = array<i32>} : memref<25x8x128xi32, #tpu.memory_space<vmem>>, vector<1x1x16xi32>,
      %parallel_loop3A_1776 = vector.shape_cast %parallel_loop3A_1775 : vector<1x1x16xi32> to vector<16xi32>
      %parallel_loop3A_1777 = arith.constant 15 : i32
      %parallel_loop3A_1778 = vector.broadcast %parallel_loop3A_1777 : i32 to vector<16xi32>
      %parallel_loop3A_1779 = arith.andi %parallel_loop3A_1776, %parallel_loop3A_1778 : vector<16xi32>
      %parallel_loop3A_1780 = vector.shape_cast %parallel_loop3A_1779 : vector<16xi32> to vector<16x1xi32>
      %parallel_loop3A_1781 = vector.shape_cast %parallel_loop3A_1780 : vector<16x1xi32> to vector<16xi32>
      %parallel_loop3A_1782 = tpu.dynamic_gather %get3A_11[%parallel_loop3A_1781] in [0] : vector<16xf32>, vector<16xi32> -> vector<16xf32>
      %parallel_loop3A_1783 = vector.shape_cast %parallel_loop3A_1779 : vector<16xi32> to vector<16x1xi32>
      %parallel_loop3A_1784 = vector.shape_cast %parallel_loop3A_1783 : vector<16x1xi32> to vector<16xi32>
      %parallel_loop3A_1785 = tpu.dynamic_gather %get3A_14[%parallel_loop3A_1784] in [0] : vector<16xf32>, vector<16xi32> -> vector<16xf32>
      %parallel_loop3A_1786 = arith.constant 16 : i32
      %parallel_loop3A_1787 = vector.broadcast %parallel_loop3A_1786 : i32 to vector<16xi32>
      %parallel_loop3A_1788 = arith.cmpi slt, %parallel_loop3A_1776, %parallel_loop3A_1787 : vector<16xi32>
      %parallel_loop3A_1789 = arith.select %parallel_loop3A_1788, %parallel_loop3A_1782, %parallel_loop3A_1785 : vector<16xi1>, vector<16xf32>
      %parallel_loop3A_1790 = arith.constant 8 : i32
      %parallel_loop3A_1791 = arith.muli %parallel_loop3A_34, %parallel_loop3A_1790 : i32
      %parallel_loop3A_1792 = arith.constant 7 : i32
      %parallel_loop3A_1793 = arith.addi %parallel_loop3A_1791, %parallel_loop3A_1792 : i32
      %parallel_loop3A_1794 = arith.index_cast %parallel_loop3A_1793 : i32 to index
      %parallel_loop3A_1795 = arith.constant 96 : index
      %parallel_loop3A_1796 = tpu.vector_load %arg7[%parallel_loop3A_1794, %parallel_loop3A_1795] {strides = array<i32>} : memref<200x128xf32, #tpu.memory_space<vmem>>, vector<1x16xf32>,
      %parallel_loop3A_1797 = vector.shape_cast %parallel_loop3A_1796 : vector<1x16xf32> to vector<16xf32>
      %parallel_loop3A_1798 = vector.shape_cast %parallel_loop3A_1789 : vector<16xf32> to vector<1x16xf32>
      tpu.vector_store %arg7[%parallel_loop3A_1794, %parallel_loop3A_1795], %parallel_loop3A_1798 {strides = array<i32>} : memref<200x128xf32, #tpu.memory_space<vmem>>, vector<1x16xf32>,
      %parallel_loop3A_1799 = arith.constant 7 : i32
      %parallel_loop3A_1800 = arith.index_cast %parallel_loop3A_34 : i32 to index
      %parallel_loop3A_1801 = arith.index_cast %parallel_loop3A_1799 : i32 to index
      %parallel_loop3A_1802 = arith.constant 112 : index
      %parallel_loop3A_1803 = tpu.vector_load %arg6[%parallel_loop3A_1800, %parallel_loop3A_1801, %parallel_loop3A_1802] {strides = array<i32>} : memref<25x8x128xi32, #tpu.memory_space<vmem>>, vector<1x1x16xi32>,
      %parallel_loop3A_1804 = vector.shape_cast %parallel_loop3A_1803 : vector<1x1x16xi32> to vector<16xi32>
      %parallel_loop3A_1805 = arith.constant 15 : i32
      %parallel_loop3A_1806 = vector.broadcast %parallel_loop3A_1805 : i32 to vector<16xi32>
      %parallel_loop3A_1807 = arith.andi %parallel_loop3A_1804, %parallel_loop3A_1806 : vector<16xi32>
      %parallel_loop3A_1808 = vector.shape_cast %parallel_loop3A_1807 : vector<16xi32> to vector<16x1xi32>
      %parallel_loop3A_1809 = vector.shape_cast %parallel_loop3A_1808 : vector<16x1xi32> to vector<16xi32>
      %parallel_loop3A_1810 = tpu.dynamic_gather %get3A_11[%parallel_loop3A_1809] in [0] : vector<16xf32>, vector<16xi32> -> vector<16xf32>
      %parallel_loop3A_1811 = vector.shape_cast %parallel_loop3A_1807 : vector<16xi32> to vector<16x1xi32>
      %parallel_loop3A_1812 = vector.shape_cast %parallel_loop3A_1811 : vector<16x1xi32> to vector<16xi32>
      %parallel_loop3A_1813 = tpu.dynamic_gather %get3A_14[%parallel_loop3A_1812] in [0] : vector<16xf32>, vector<16xi32> -> vector<16xf32>
      %parallel_loop3A_1814 = arith.constant 16 : i32
      %parallel_loop3A_1815 = vector.broadcast %parallel_loop3A_1814 : i32 to vector<16xi32>
      %parallel_loop3A_1816 = arith.cmpi slt, %parallel_loop3A_1804, %parallel_loop3A_1815 : vector<16xi32>
      %parallel_loop3A_1817 = arith.select %parallel_loop3A_1816, %parallel_loop3A_1810, %parallel_loop3A_1813 : vector<16xi1>, vector<16xf32>
      %parallel_loop3A_1818 = arith.constant 8 : i32
      %parallel_loop3A_1819 = arith.muli %parallel_loop3A_34, %parallel_loop3A_1818 : i32
      %parallel_loop3A_1820 = arith.constant 7 : i32
      %parallel_loop3A_1821 = arith.addi %parallel_loop3A_1819, %parallel_loop3A_1820 : i32
      %parallel_loop3A_1822 = arith.index_cast %parallel_loop3A_1821 : i32 to index
      %parallel_loop3A_1823 = arith.constant 112 : index
      %parallel_loop3A_1824 = tpu.vector_load %arg7[%parallel_loop3A_1822, %parallel_loop3A_1823] {strides = array<i32>} : memref<200x128xf32, #tpu.memory_space<vmem>>, vector<1x16xf32>,
      %parallel_loop3A_1825 = vector.shape_cast %parallel_loop3A_1824 : vector<1x16xf32> to vector<16xf32>
      %parallel_loop3A_1826 = vector.shape_cast %parallel_loop3A_1817 : vector<16xf32> to vector<1x16xf32>
      tpu.vector_store %arg7[%parallel_loop3A_1822, %parallel_loop3A_1823], %parallel_loop3A_1826 {strides = array<i32>} : memref<200x128xf32, #tpu.memory_space<vmem>>, vector<1x16xf32>,
      %parallel_loop3A_1827 = arith.constant 8 : i32
      %parallel_loop3A_1828 = arith.muli %parallel_loop3A_34, %parallel_loop3A_1827 : i32
      %parallel_loop3A_1829 = arith.constant 8 : i32
      %parallel_loop3A_1830 = arith.muli %parallel_loop3A_34, %parallel_loop3A_1829 : i32
      %parallel_loop3A_1831 = arith.constant 0 : i32
      %parallel_loop3A_1832 = tpu.memref_slice %arg7[%parallel_loop3A_1828, %parallel_loop3A_1831] : memref<200x128xf32, #tpu.memory_space<vmem>> -> memref<8x128xf32, #tpu.memory_space<vmem>>
      %parallel_loop3A_1833 = arith.constant 0 : i32
      %parallel_loop3A_1834 = tpu.memref_slice %arg4[%parallel_loop3A_1830, %add3A, %parallel_loop3A_1833] : memref<200x32x128xf32, #tpu.memory_space<hbm>> -> memref<8x1x128xf32, #tpu.memory_space<hbm>>
      %parallel_loop3A_1835 = tpu.memref_squeeze %parallel_loop3A_1834 : memref<8x1x128xf32, #tpu.memory_space<hbm>> -> memref<8x128xf32, #tpu.memory_space<hbm>>
      %parallel_loop3A_1836 = arith.constant 0 : i32
      %parallel_loop3A_1837 = tpu.memref_slice %arg4[%parallel_loop3A_1830, %add3A, %parallel_loop3A_1836] : memref<200x32x128xf32, #tpu.memory_space<hbm>> -> memref<8x1x128xf32, #tpu.memory_space<hbm>>
      %parallel_loop3A_1838 = tpu.memref_squeeze %parallel_loop3A_1837 : memref<8x1x128xf32, #tpu.memory_space<hbm>> -> memref<8x128xf32, #tpu.memory_space<hbm>>
      %parallel_loop3A_1839 = arith.constant 0 : i32
      %parallel_loop3A_1840 = tpu.memref_slice %arg7[%parallel_loop3A_1828, %parallel_loop3A_1839] : memref<200x128xf32, #tpu.memory_space<vmem>> -> memref<8x128xf32, #tpu.memory_space<vmem>>
      tpu.enqueue_dma source(%parallel_loop3A_1840 : memref<8x128xf32, #tpu.memory_space<vmem>>) target(%parallel_loop3A_1838 : memref<8x128xf32, #tpu.memory_space<hbm>>) target_semaphore(%arg9 : memref<!tpu.dma_semaphore, #tpu.memory_space<semaphore_mem>>)
    } {sc.loop_unroll_factor = 1 : i64, sc.parallel_access}
    %dma_wait3A_26 = arith.constant 0 : i32
    %dma_wait3A_27 = arith.constant 0 : i32
    %dma_wait3A_28 = tpu.memref_slice %arg4[%dma_wait3A_26, %add3A, %dma_wait3A_27] : memref<200x32x128xf32, #tpu.memory_space<hbm>> -> memref<200x1x128xf32, #tpu.memory_space<hbm>>
    %dma_wait3A_29 = tpu.memref_squeeze %dma_wait3A_28 : memref<200x1x128xf32, #tpu.memory_space<hbm>> -> memref<200x128xf32, #tpu.memory_space<hbm>>
    %dma_wait3A_30 = arith.constant 0 : i32
    %dma_wait3A_31 = arith.constant 0 : i32
    %dma_wait3A_32 = tpu.memref_slice %arg4[%dma_wait3A_30, %add3A, %dma_wait3A_31] : memref<200x32x128xf32, #tpu.memory_space<hbm>> -> memref<200x1x128xf32, #tpu.memory_space<hbm>>
    %dma_wait3A_33 = tpu.memref_squeeze %dma_wait3A_32 : memref<200x1x128xf32, #tpu.memory_space<hbm>> -> memref<200x128xf32, #tpu.memory_space<hbm>>
    tpu.wait_dma2 semaphore(%arg9 : memref<!tpu.dma_semaphore, #tpu.memory_space<semaphore_mem>>) src(%arg7 : memref<200x128xf32, #tpu.memory_space<vmem>>) dst(%dma_wait3A_33 : memref<200x128xf32, #tpu.memory_space<hbm>>)
    return
  }
}

module attributes {stable_mosaic.version = 14 : i64} {
  func.func @_table_body(%arg0: memref<32x128xf32, #tpu.memory_space<vmem>>, %arg1: memref<128x128xf32, #tpu.memory_space<vmem>>, %arg2: memref<1x128xf32, #tpu.memory_space<vmem>>, %arg3: memref<1x128xf32, #tpu.memory_space<vmem>>, %arg4: memref<1x1xf32, #tpu.memory_space<vmem>>, %arg5: memref<1x128xf32, #tpu.memory_space<vmem>>) attributes {dimension_semantics = [], scalar_prefetch = 0 : i64, scratch_operands = 0 : i64, tpu.core_type = #tpu.core_type<tc>} {
    %get3A = arith.constant 0 : index
    %get3A_0 = arith.constant 0 : index
    %get3A_1 = vector.load %arg0[%get3A, %get3A_0] : memref<32x128xf32, #tpu.memory_space<vmem>>, vector<32x128xf32>
    %get3A_2 = arith.constant 0 : index
    %get3A_3 = arith.constant 0 : index
    %get3A_4 = vector.load %arg1[%get3A_2, %get3A_3] : memref<128x128xf32, #tpu.memory_space<vmem>>, vector<128x128xf32>
    %dot_general3A = arith.constant dense<0.000000e+00> : vector<32x128xf32>
    %dot_general3A_5 = tpu.matmul %get3A_1, %get3A_4, %dot_general3A {dimension_numbers = #tpu.dot_dimension_numbers<[1], [0], [0], [1], [0, 0, 1, 1], [], []>, transpose_lhs_hint = false} : vector<32x128xf32>, vector<128x128xf32>, vector<32x128xf32> -> vector<32x128xf32>
    %get3A_6 = arith.constant 0 : index
    %get3A_7 = arith.constant 0 : index
    %get3A_8 = vector.load %arg2[%get3A_6, %get3A_7] : memref<1x128xf32, #tpu.memory_space<vmem>>, vector<1x128xf32>
    %add3A = vector.broadcast %get3A_8 : vector<1x128xf32> to vector<32x128xf32>
    %add3A_9 = arith.addf %dot_general3A_5, %add3A : vector<32x128xf32>
    %max3A = arith.constant 0.000000e+00 : f32
    %max3A_10 = vector.broadcast %max3A : f32 to vector<32x128xf32>
    %max3A_11 = arith.maximumf %add3A_9, %max3A_10 : vector<32x128xf32>
    %get3A_12 = arith.constant 0 : index
    %get3A_13 = arith.constant 0 : index
    %get3A_14 = vector.load %arg3[%get3A_12, %get3A_13] : memref<1x128xf32, #tpu.memory_space<vmem>>, vector<1x128xf32>
    %dot_general3A_15 = arith.constant dense<0.000000e+00> : vector<1x32xf32>
    %dot_general3A_16 = tpu.matmul %get3A_14, %max3A_11, %dot_general3A_15 {dimension_numbers = #tpu.dot_dimension_numbers<[1], [1], [0], [0], [0, 0, 1, 0], [], []>, transpose_lhs_hint = false} : vector<1x128xf32>, vector<32x128xf32>, vector<1x32xf32> -> vector<1x32xf32>
    %get3A_17 = arith.constant 0 : index
    %get3A_18 = arith.constant 0 : index
    %get3A_19 = vector.load %arg4[%get3A_17, %get3A_18] : memref<1x1xf32, #tpu.memory_space<vmem>>, vector<1x1xf32>
    %add3A_20 = vector.broadcast %get3A_19 : vector<1x1xf32> to vector<1x32xf32>
    %add3A_21 = arith.addf %dot_general3A_16, %add3A_20 : vector<1x32xf32>
    %swap3A = arith.constant 0 : index
    %swap3A_22 = arith.constant 0 : index
    %swap3A_23 = vector.load %arg5[%swap3A, %swap3A_22] : memref<1x128xf32, #tpu.memory_space<vmem>>, vector<1x32xf32>
    tpu.vector_store %arg5[%swap3A, %swap3A_22], %add3A_21 {strides = array<i32>} : memref<1x128xf32, #tpu.memory_space<vmem>>, vector<1x32xf32>,
    return
  }
}

</mosaic_0001>

<sc_bundles>
// kernel: kernel.4.cloned.1.call-start
scs
__scs_entry_jumppad:
0x0: {  	(pc) =	sbr.rel $0x88, $3  }
0x1: {  	(tag) =	ssettag $0x0;
	lr =	simm.s32 $0x1  }
0x2: {  	[smem:$0x3F9B] =	sst lr;
	_ =	strace $0xD0000000  }
0x3: {  	_ = 	snop  }
0x4: {  	_ = 	snop  }
0x5: {  	_ = 	snop  }
0x6: {  	_ = 	snop  }
0x7: {  	_ = 	snop  }
__scs_overlays_trampoline_lowered:
0x8: {  	[smem:$0x3FAA] =	sst s0  }
0x9: {  	[smem:$0x3FAB] =	sst s1  }
0xa: {  	[smem:$0x3FAC] =	sst s2  }
0xb: {  	[smem:$0x3FAD] =	sst s3  }
0xc: {  	[smem:$0x3FAE] =	sst s4  }
0xd: {  	[smem:$0x3FAF] =	sst s5  }
0xe: {  	[smem:$0x3FB0] =	sst s6  }
0xf: {  	[smem:$0x3FB1] =	sst s7  }
0x10: {  	[smem:$0x3FB2] =	sst s8  }
0x11: {  	[smem:$0x3FB3] =	sst s9;
	s0 =	simm.s32 @!p0 $0x0  }
0x12: {  	s1 =	sld [smem:$0x3F99];
	s0 =	simm.s32 @p0 $0x1  }
0x13: {  	[smem:$0x3FB4] =	sst s0;
	s0 =	simm.s32 @!p1 $0x0  }
0x14: {  	s2 =	sld [smem:$0x3F98];
	s0 =	simm.s32 @p1 $0x1  }
0x15: {  	[smem:$0x3FB5] =	sst s0;
	s0 =	simm.s32 @!p2 $0x0  }
0x16: {  	s3 =	sld [smem:$0x3FDB];
	s0 =	simm.s32 @p2 $0x1  }
0x17: {  	s4 =	simm.s32 $0x1BF5;
	[smem:$0x3FB7] =	sst s0  }
0x18: {  	s0 =	sld [smem:$0x3F9A];
	_ =	swait.ge [sflag:s4], $0x0  }
0x19: {  	s7 =	sld [smem:$0x3F9B]  }
0x1a: {  	s8 =	sadd.s32 $0xFFFFE003, lr  }
0x1b: {  	s9 =	sadd.s32 $0xFFFFFEF7, lr;
	s5 =	simm.s32 $0xFFFFFFFF;
	p2 =	slt.u32 s8, $0xFFFFF086  }
0x1c: {  	p1 =	slt.u32 s9, $0xF7A;
	s5 =	simm.s32 @!p2 $0x0  }
0x1d: {  	s5 =	simm.s32 @p1 $0x1;
	p0 =	seq.s32 s7, s2  }
0x1e: {  	s7 =	smul.u32 @!p0 $0xF7A, s2;
	p2 =	seq.s32 @!p0 s5, $0x0  }
0x1f: {  	s9 =	smul.u32 $0xF7A, s1;
	s8 =	simm.s32 @!p0 $0x1BF5;
	p2 =	por !p2, p0  }
0x20: {  	[sflag:s8] =	ssyncset.s32 @!p0 $0xFFFFF086;
	s6 =	sadd.s32 @!p0 s3, s7;
	s7 =	simm.s32 @!p0 $0x108  }
0x21: {  	s3 =	sadd.s32 s3, s9;
	s6 =	sadd.s32 @!p0 $0x88, s6;
	s7 =	simm.s32 @p2 $0x1082  }
0x22: {  	[simem:s7], [sflag:s8] =	dma.local @!p0 [hbm:s6], $0xF7A  }
0x23: {  	s9 =	sor.u32 $0xD0000000, s2;
	s6 =	simm.s32 $0x108;
	_ =	swait.ge @!p0 [sflag:s8], $0x0  }
0x24: {  	s3 =	sadd.s32 $0x88, s3;
	s6 =	simm.s32 @!p1 $0x1082;
	[sflag:s4] =	ssyncset.s32 $0xFFFFF086  }
0x25: {  	[simem:s6], [sflag:s4] =	dma.local [hbm:s3], $0xF7A  }
0x26: {  	[smem:$0x3F9B] =	sst s1;
	(tag) =	ssettag s2;
	_ =	strace s9  }
0x27: {  	s1 =	sld [smem:$0x3FAB]  }
0x28: {  	s2 =	sld [smem:$0x3FAC]  }
0x29: {  	s4 =	sld [smem:$0x3FAE]  }
0x2a: {  	p0 =	seq.s32 s5, $0x0;
	s5 =	sld [smem:$0x3FAF]  }
0x2b: {  	s6 =	sld [smem:$0x3FB0]  }
0x2c: {  	s7 =	sld [smem:$0x3FB1]  }
0x2d: {  	s3 =	simm.s32 $0x108;
	s8 =	sld [smem:$0x3FB2]  }
0x2e: {  	s3 =	simm.s32 @!p0 $0x1082;
	s9 =	sld [smem:$0x3FB3]  }
0x2f: {  	lr =	sadd.s32 s0, s3;
	s0 =	sld [smem:$0x3FAA]  }
0x30: {  	s3 =	sld [smem:$0x3FAD]  }
0x31: {  	[smem:$0x3FB6] =	sst s10  }
0x32: {  	s10 =	sld [smem:$0x3FB4];
	_ =	sdelay $0x3  }
0x33: {  	p0 =	seq.s32 s10, $0x1;
	s10 =	sld [smem:$0x3FB6];
	_ =	sdelay $0x3  }
0x34: {  	[smem:$0x3FB6] =	sst s10  }
0x35: {  	s10 =	sld [smem:$0x3FB5];
	_ =	sdelay $0x3  }
0x36: {  	p1 =	seq.s32 s10, $0x1;
	s10 =	sld [smem:$0x3FB6];
	_ =	sdelay $0x3  }
0x37: {  	[smem:$0x3FB6] =	sst s10  }
0x38: {  	s10 =	sld [smem:$0x3FB7]  }
0x39: {  	_ = 	snop;
	(pc) =	sbr.ind lr, $3  }
0x3a: {  	_ = 	snop  }
0x3b: {  	_ = 	snop  }
0x3c: {  	p2 =	seq.s32 s10, $0x1;
	s10 =	sld [smem:$0x3FB6]  }
0x3d: {  	_ =	shalt  }
0x3e: {  	_ =	shalt  }
0x3f: {  	_ =	shalt  }
0x40: {  	_ =	shalt  }
0x41: {  	_ =	shalt  }
0x42: {  	_ =	shalt  }
0x43: {  	_ =	shalt  }
0x44: {  	_ =	shalt  }
0x45: {  	_ =	shalt  }
0x46: {  	_ =	shalt  }
0x47: {  	_ =	shalt  }
0x48: {  	_ =	shalt  }
0x49: {  	_ =	shalt  }
0x4a: {  	_ =	shalt  }
0x4b: {  	_ =	shalt  }
0x4c: {  	_ =	shalt  }
0x4d: {  	_ =	shalt  }
0x4e: {  	_ =	shalt  }
0x4f: {  	_ =	shalt  }
0x50: {  	_ =	shalt  }
0x51: {  	_ =	shalt  }
0x52: {  	_ =	shalt  }
0x53: {  	_ =	shalt  }
0x54: {  	_ =	shalt  }
0x55: {  	_ =	shalt  }
0x56: {  	_ =	shalt  }
0x57: {  	_ =	shalt  }
0x58: {  	_ =	shalt  }
0x59: {  	_ =	shalt  }
0x5a: {  	_ =	shalt  }
0x5b: {  	_ =	shalt  }
0x5c: {  	_ =	shalt  }
0x5d: {  	_ =	shalt  }
0x5e: {  	_ =	shalt  }
0x5f: {  	_ =	shalt  }
0x60: {  	_ =	shalt  }
0x61: {  	_ =	shalt  }
0x62: {  	_ =	shalt  }
0x63: {  	_ =	shalt  }
0x64: {  	_ =	shalt  }
0x65: {  	_ =	shalt  }
0x66: {  	_ =	shalt  }
0x67: {  	_ =	shalt  }
0x68: {  	_ =	shalt  }
0x69: {  	_ =	shalt  }
0x6a: {  	_ =	shalt  }
0x6b: {  	_ =	shalt  }
0x6c: {  	_ =	shalt  }
0x6d: {  	_ =	shalt  }
0x6e: {  	_ =	shalt  }
0x6f: {  	_ =	shalt  }
0x70: {  	_ =	shalt  }
0x71: {  	_ =	shalt  }
0x72: {  	_ =	shalt  }
0x73: {  	_ =	shalt  }
0x74: {  	_ =	shalt  }
0x75: {  	_ =	shalt  }
0x76: {  	_ =	shalt  }
0x77: {  	_ =	shalt  }
0x78: {  	_ =	shalt  }
0x79: {  	_ =	shalt  }
0x7a: {  	_ =	shalt  }
0x7b: {  	_ =	shalt  }
0x7c: {  	_ =	shalt  }
0x7d: {  	_ =	shalt  }
0x7e: {  	_ =	shalt  }
0x7f: {  	_ =	shalt  }
0x80: {  	_ =	shalt  }
0x81: {  	_ =	shalt  }
0x82: {  	_ =	shalt  }
0x83: {  	_ =	shalt  }
0x84: {  	_ =	shalt  }
0x85: {  	_ =	shalt  }
0x86: {  	_ =	shalt  }
0x87: {  	_ =	shalt  }
.Lfunc_end0:
.L_simem_size_0:
called_computation_lowered:
.L_overlay_start_0:
0x88: {  	s2 =	sld [smem:$0x3FD9]  }
0x89: {  	s3 =	sld [smem:$0x3FFE];
	_ =	sdelay $0x1  }
0x8a: {  	s1 =	srdreg.scid  }
0x8b: {  	s0 =	sand.u32 $0x1, s1  }
0x8c: {  	s17 =	sshll.u32 s0, $0xA;
	s2 =	sadd.s32 s3, s2  }
0x8d: {  	s2 =	sadd.s32 s2, s17  }
0x8e: {  	[smem:$0x3FC2] =	sst s2  }
0x8f: {  	_ = 	snop  }
0x90: {  	s2 =	sld [smem:$0x3FC9]  }
0x91: {  	s18 =	sld [smem:$0x3FD0];
	(tm) =	ssettm $0x1  }
0x92: {  	s4 =	sld [smem:$0x3FFB];
	_ =	sdelay $0x3  }
0x93: {  	_ =	strace s4  }
0x94: {  	s4 =	sld [smem:$0x3FFC];
	_ =	sdelay $0x3  }
0x95: {  	_ =	strace s4  }
0x96: {  	s4 =	sld [smem:$0x3FFD];
	_ =	sdelay $0x3  }
0x97: {  	_ =	strace s4  }
0x98: {  	_ =	strace $0x8FFFFFFF  }
0x99: {  	s19 =	sld [smem:$0x3FDB];
	_ =	sdelay $0x1  }
0x9a: {  	s5 =	simm.s32 $_scs_section_size  }
0x9b: {  	s6 =	simm.s32 $_size__tile_overlayer_lowered;
	s7 =	simm.s32 $_tile_overlayer_lowered  }
0x9c: {  	s22 =	simm.s32 $0x1BFF;
	s21 =	sshll.u32 s7, $0x1;
	s4 =	sadd.s32 s5, s19  }
0x9d: {  	s8 =	simm.s32 $0x0;
	s20 =	sshll.u32 s6, $0x1;
	s6 =	sadd.s32 s21, s4  }
0x9e: {  	[timem:s8], [sflag:s22] =	dma.local [hbm:s6], s20  }
0x9f: {  	_ =	swait.ge [sflag:s22], s20  }
0xa0: {  	s5 =	ssub.s32 $0x0, s20;
	[sflag:s22] =	ssyncset.done $0x0  }
0xa1: {  	[sflag:s22] =	ssyncadd.s32 s5;
	_ =	sdelay $0x1  }
0xa2: {  	s23 =	simm.s32 $0x1B8B  }
0xa3: {  	_ =	swait.ge [sflag:s23], $0x1  }
0xa4: {  	[sflag:s23] =	ssyncset.done $0x0  }
0xa5: {  	s25 =	simm.s32 $0x1B8E;
	s24 =	sld [smem:$0x3FFE];
	[sflag:s23] =	ssyncadd.s32 $0xFFFFFFFF  }
0xa6: {  	s26 =	simm.s32 $execute0_lowered;
	[smem:$0x3FD2] =	sst s25  }
0xa7: {  	s6 =	sshll.u32 s26, $0x1;
	_ =	strace $0x80000046;
	[dreg:$0x1] =	wrdreg $0xFFFFFFFF  }
0xa8: {  	s28 =	simm.s32 $_size_execute0_lowered;
	s4 =	sadd.s32 s4, s6;
	[dreg:$0x0] =	wrdreg $0x0  }
0xa9: {  	s6 =	sshll.u32 s28, $0x1;
	[dreg:$0x2] =	wrdreg s4  }
0xaa: {  	[dreg:$0x3] =	wrdreg s6  }
0xab: {  	[dreg:$0x4] =	wrdreg $0xC0  }
0xac: {  	_ =	task [dreg:s8], $0x5FFFF  }
0xad: {  	[dreg:$0x1] =	wrdreg $0xFFFFFFFF  }
0xae: {  	[dreg:$0x0] =	wrdreg $0x60  }
0xaf: {  	[dreg:$0x2] =	wrdreg s24  }
0xb0: {  	[dreg:$0x3] =	wrdreg s2  }
0xb1: {  	[dreg:$0x4] =	wrdreg s18  }
0xb2: {  	[dreg:$0x5] =	wrdreg $0x9  }
0xb3: {  	_ =	task.clear_ibuf [dreg:s8], $0x6FFFF;
	_ =	strace $0x90000046  }
0xb4: {  	s29 =	simm.s32 $0x9;
	_ =	strace $0x80000048  }
0xb5: {  	_ =	swait.ge [sflag:s29], $0x1  }
0xb6: {  	[sflag:s29] =	ssyncadd.s32 $0xFFFFFFFF  }
0xb7: {  	_ =	strace $0x90000048  }
0xb8: {  	_ =	sfence  }
0xb9: {  	s30 =	sld [smem:$0x0];
	_ =	sdelay $0x2  }
0xba: {  	s31 =	sshll.u32 s1, $0xD;
	s1 =	sshrl.u32 s1, $0x2  }
0xbb: {  	s3 =	sand.u32 $0x4000, s31;
	s1 =	sadd.s32 s1, s30  }
0xbc: {  	s0 =	sor.u32 s3, s0;
	s1 =	sshll.u32 s1, $0x11  }
0xbd: {  	s0 =	sor.u32 s1, s0  }
0xbe: {  	s0 =	sadd.s32 $0x8F2B, s0  }
0xbf: {  	[sflag:s0] =	ssyncadd.remote.s32 $0x1  }
0xc0: {  	_ =	sfence.sel $0xFFFF  }
0xc1: {  	[dreg:$0x0] =	wrdreg $0xFFFFFFFF;
	(pc) =	sbr.abs _section_cstart, $3  }
0xc2: {  	[dreg:$0x1] =	wrdreg $0xFFFFFFFF  }
0xc3: {  	_ =	task.clear_ibuf [dreg:s8], $0x2FFFF;
	_ =	strace $0x9FFFFFFF  }
0xc4: {  	(tm) =	ssettm $0x7FFFFFFF  }
0xc5: {  	_ =	shalt  }
tec
execute0_lowered:
.L_overlay_start_1:
0x0: {  	(tag) =	ssettag $0x1  }
0x1: {  	s2 =	rddreg [dreg:$0x0]  }
0x2: {  	s4 =	rddreg [dreg:$0x1]  }
0x3: {  	s6 =	rddreg [dreg:$0x2]  }
0x4: {  	s0 =	rddreg [dreg:$0x3]  }
0x5: {  	s1 =	simm.s32 $0x0;
	s3 =	srdreg.scid;
	s10 =	simm.s32 $0x3  }
0x6: {  	s11 =	simm.s32 $0x1;
	s12 =	simm.s32 $0x1000;
	s13 =	simm.s32 $0x2  }
0x7: {  	s14 =	simm.s32 $0x0;
	[smem:$0x7FF] =	sst s1;
	s5 =	sand.u32 $0x1, s3  }
0x8: {  	s3 =	sadd.s32 $0xE00, s2;
	s2 =	stileid.u32;
	_ =	strace $0x80000047  }
0x9: {  	s7 =	ssub.s32 $0x2, s5;
	s28 =	sshll.u32 s2, $0x8;
	s9 =	sshll.u32 s5, $0x7  }
0xa: {  	s29 =	sshll.u32 s2, $0x5;
	s5 =	sshll.u32 s5, $0x4;
	s8 =	sshrl.u32 s7, $0x1  }
0xb: {  	s30 =	sand.u32 $0x180, s29;
	s7 =	ssub.s32 s7, s8;
	s8 =	sor.u32 s9, s28  }
0xc: {  	s9 =	sor.u32 s5, s29;
	s6 =	sadd.s32 s30, s6;
	s4 =	sadd.s32 s4, s8  }
0xd: {  	s5 =	smax.u32 s7, $0x1;
	s31 =	sand.u32 $0x70, s9;
	s7 =	simm.s32 $0x400  }
0xe: {  	s8 =	simm.s32 $0x8000;
	s9 =	simm.s32 $0x80;
	s6 =	sadd.s32 s31, s6  }
.LBB2_1:
0xf: {  	[tilespmem:s9], [sflag:$0x1] =	stream.strided.gather [hbm4b:s4+s7], $0x6400, s8, s7, $0x38;
	[tilespmem:$0xC880] =	vst v63  }
0x10: {  	_ = 	snop  }
0x11: {  	[tilespmem:s1], [sflag:$0x3] =	stream.linear.gather [hbm4b:s3+s1], $0x80, $0x38;
	[tilespmem:$0xC880] =	vst v63  }
0x12: {  	_ =	swait.ge [sflag:s10], $0x80  }
0x13: {  	[sflag:s10] =	ssyncset.done $0x0  }
0x14: {  	[sflag:s10] =	ssyncadd.s32 $0xFFFFFF80  }
0x15: {  	v0 =	vld [tilespmem:$0x0]  }
0x16: {  	v1 =	vld [tilespmem:$0x10];
	_ =	swait.ge [sflag:s11], $0x6400  }
0x17: {  	[sflag:s11] =	ssyncset.done $0x0  }
0x18: {  	s15 =	simm.s32 $0x0;
	[sflag:s11] =	ssyncadd.s32 $0xFFFF9C00  }
.LBB2_2:
0x19: {  	s16 =	sshra.s32 s15, $0x2  }
0x1a: {  	v2 =	vld [tilespmem:s16+$0x80]  }
0x1b: {  	v3 =	vld [tilespmem:s16+$0x90]  }
0x1c: {  	v4 =	vld [tilespmem:s16+$0xA0]  }
0x1d: {  	v7 =	vld [tilespmem:s16+$0xB0]  }
0x1e: {  	v9 =	vld [tilespmem:s16+$0xC0]  }
0x1f: {  	v31 =	vld [tilespmem:s16+$0xD0]  }
0x20: {  	v11 =	vld [tilespmem:s16+$0xE0]  }
0x21: {  	v14 =	vld [tilespmem:s16+$0xF0]  }
0x22: {  	v36 =	vld [tilespmem:s16+$0x100]  }
0x23: {  	v15 =	vld [tilespmem:s16+$0x110];
	v5 =	vand.u32 $0xF, v2;
	v8 =	vand.u32 $0xF, v3  }
0x24: {  	v17 =	vld [tilespmem:s16+$0x120];
	vm0 =	vlt.s32 v2, $0x10;
	vm1 =	vlt.s32 v3, $0x10;
	v30 =	vand.u32 $0xF, v4  }
0x25: {  	v33 =	vand.u32 $0xF, v7;
	v13 =	vand.u32 $0xF, v9;
	vm14 =	vlt.s32 v4, $0x10  }
0x26: {  	vm15 =	vlt.s32 v7, $0x10;
	vm4 =	vlt.s32 v9, $0x10;
	v35 =	vand.u32 $0xF, v31  }
0x27: {  	v41 =	vld [tilespmem:s16+$0x130];
	v38 =	vand.u32 $0xF, v11;
	v16 =	vand.u32 $0xF, v14;
	vm5 =	vlt.s32 v31, $0x10  }
0x28: {  	v44 =	vld [tilespmem:s16+$0x140];
	vm6 =	vlt.s32 v11, $0x10;
	vm7 =	vlt.s32 v14, $0x10;
	v40 =	vand.u32 $0xF, v36  }
0x29: {  	v20 =	vld [tilespmem:s16+$0x150];
	v43 =	vand.u32 $0xF, v15;
	v19 =	vand.u32 $0xF, v17;
	vm8 =	vlt.s32 v36, $0x10  }
0x2a: {  	vm9 =	vlt.s32 v15, $0x10;
	v6 =	vperm.xlane v0, v5;
	v5 =	vperm.xlane v1, v5  }
0x2b: {  	vm10 =	vlt.s32 v17, $0x10;
	v10 =	vperm.xlane v0, v8;
	v8 =	vperm.xlane v1, v8  }
0x2c: {  	v47 =	vand.u32 $0xF, v41;
	v32 =	vperm.xlane v0, v30;
	v12 =	vperm.xlane v0, v33  }
0x2d: {  	v48 =	vld [tilespmem:s16+$0x160];
	v50 =	vand.u32 $0xF, v44;
	v34 =	vperm.xlane v0, v13;
	v13 =	vperm.xlane v1, v13  }
0x2e: {  	v21 =	vld [tilespmem:s16+$0x170];
	v22 =	vand.u32 $0xF, v20;
	v37 =	vperm.xlane v0, v35;
	v39 =	vperm.xlane v0, v38  }
0x2f: {  	v23 =	vld [tilespmem:s16+$0x180];
	vm11 =	vlt.s32 v41, $0x10;
	v18 =	vperm.xlane v0, v16;
	v16 =	vperm.xlane v1, v16  }
0x30: {  	v54 =	vld [tilespmem:s16+$0x190];
	vm12 =	vlt.s32 v44, $0x10;
	v42 =	vperm.xlane v0, v40;
	v11 =	vperm.xlane v1, v40  }
0x31: {  	v57 =	vld [tilespmem:s16+$0x1A0];
	vm13 =	vlt.s32 v20, $0x10;
	v45 =	vperm.xlane v0, v43;
	v14 =	vperm.xlane v1, v43  }
0x32: {  	v26 =	vld [tilespmem:s16+$0x1B0];
	v53 =	vand.u32 $0xF, v48;
	v46 =	vperm.xlane v0, v19;
	v19 =	vperm.xlane v1, v19  }
0x33: {  	v29 =	vld [tilespmem:s16+$0x1E0];
	v56 =	vand.u32 $0xF, v21;
	v49 =	vperm.xlane v0, v47;
	v51 =	vperm.xlane v0, v50  }
0x34: {  	v63 =	vld [tilespmem:s16+$0x1D0];
	v25 =	vand.u32 $0xF, v23;
	v17 =	vperm.xlane v1, v50;
	v52 =	vperm.xlane v0, v22  }
0x35: {  	v59 =	vand.u32 $0xF, v54;
	v22 =	vperm.xlane v1, v22;
	v55 =	vperm.xlane v0, v53  }
0x36: {  	v62 =	vand.u32 $0xF, v57;
	v24 =	vperm.xlane v0, v56;
	v20 =	vperm.xlane v1, v56  }
0x37: {  	v28 =	vand.u32 $0xF, v26;
	v58 =	vperm.xlane v0, v25;
	v25 =	vperm.xlane v1, v25  }
0x38: {  	v60 =	vld [tilespmem:s16+$0x1C0];
	v31 =	vand.u32 $0xF, v29;
	v61 =	vperm.xlane v0, v59;
	v27 =	vperm.xlane v0, v62  }
0x39: {  	v36 =	vperm.xlane v0, v28;
	v28 =	vperm.xlane v1, v28;
	v40 =	vand.u32 $0xF, v63  }
0x3a: {  	v3 =	vsel vm0, v6, v5;
	v2 =	vsel vm1, v10, v8;
	v5 =	vperm.xlane v1, v30  }
0x3b: {  	v10 =	vperm.xlane v1, v33;
	v4 =	vsel vm4, v34, v13;
	v13 =	vsel vm8, v42, v11  }
0x3c: {  	v41 =	vld [tilespmem:s16+$0x200];
	v11 =	vsel vm9, v45, v14;
	v9 =	vsel vm10, v46, v19;
	v14 =	vperm.xlane v1, v47  }
0x3d: {  	vm4 =	vlt.s32 v23, $0x10;
	v30 =	vperm.xlane v0, v40;
	vm8 =	vlt.s32 v60, $0x10  }
0x3e: {  	v42 =	vperm.xlane v0, v31;
	v31 =	vperm.xlane v1, v31;
	vm9 =	vlt.s32 v63, $0x10  }
0x3f: {  	vm10 =	vlt.s32 v29, $0x10;
	v15 =	vsel vm4, v58, v25;
	v6 =	vsel vm14, v32, v5  }
0x40: {  	v7 =	vsel vm15, v12, v10;
	v5 =	vperm.xlane v1, v35;
	v12 =	vperm.xlane v1, v38  }
0x41: {  	v44 =	vld [tilespmem:s16+$0x220];
	vm14 =	vlt.s32 v48, $0x10;
	vm15 =	vlt.s32 v21, $0x10;
	v46 =	vand.u32 $0xF, v41  }
0x42: {  	v21 =	vsel vm10, v42, v31;
	v33 =	vperm.xlane v0, v46;
	v10 =	vsel vm5, v37, v5  }
0x43: {  	v47 =	vld [tilespmem:s16+$0x230];
	v8 =	vsel vm6, v39, v12;
	v5 =	vsel vm7, v18, v16;
	v16 =	vsel vm11, v49, v14  }
0x44: {  	v14 =	vsel vm12, v51, v17;
	v12 =	vsel vm13, v52, v22;
	v17 =	vperm.xlane v1, v53  }
0x45: {  	v50 =	vld [tilespmem:s16+$0x250];
	vm5 =	vlt.s32 v54, $0x10;
	vm6 =	vlt.s32 v57, $0x10;
	vm7 =	vlt.s32 v26, $0x10  }
0x46: {  	v38 =	vld [tilespmem:s16+$0x1F0];
	v37 =	vand.u32 $0xF, v60;
	vm12 =	vlt.s32 v41, $0x10;
	v49 =	vand.u32 $0xF, v44  }
0x47: {  	v32 =	vld [tilespmem:s16+$0x210];
	v18 =	vsel vm7, v36, v28;
	v39 =	vperm.xlane v0, v37;
	v23 =	vperm.xlane v1, v37  }
0x48: {  	v35 =	vld [tilespmem:s16+$0x240];
	v51 =	vperm.xlane v0, v49;
	v29 =	vperm.xlane v1, v49;
	v52 =	vand.u32 $0xF, v47  }
0x49: {  	v19 =	vsel vm14, v55, v17;
	v17 =	vsel vm15, v24, v20;
	v20 =	vperm.xlane v1, v59  }
0x4a: {  	[tilespmem:s16+$0x6480] =	vst v3;
	v24 =	vperm.xlane v1, v62;
	v3 =	vperm.xlane v0, v52;
	vm14 =	vlt.s32 v44, $0x10  }
0x4b: {  	v56 =	vld [tilespmem:s16+$0x280];
	vm15 =	vlt.s32 v47, $0x10;
	v55 =	vand.u32 $0xF, v50;
	v23 =	vsel vm8, v39, v23  }
0x4c: {  	v43 =	vand.u32 $0xF, v38;
	v34 =	vand.u32 $0xF, v32;
	vm11 =	vlt.s32 v38, $0x10  }
0x4d: {  	vm13 =	vlt.s32 v32, $0x10;
	v36 =	vand.u32 $0xF, v35;
	v29 =	vsel vm14, v51, v29  }
0x4e: {  	[tilespmem:s16+$0x64A0] =	vst v6;
	v53 =	vld [tilespmem:s16+$0x260];
	vm4 =	vlt.s32 v35, $0x10;
	v57 =	vperm.xlane v0, v55;
	v6 =	vperm.xlane v1, v55  }
0x4f: {  	v22 =	vsel vm6, v27, v24;
	v27 =	vperm.xlane v1, v40;
	v45 =	vperm.xlane v0, v43  }
0x50: {  	vm8 =	vlt.s32 v56, $0x10;
	v26 =	vperm.xlane v1, v43;
	v48 =	vperm.xlane v0, v34  }
0x51: {  	[tilespmem:s16+$0x6490] =	vst v2;
	v37 =	vld [tilespmem:s16+$0x270];
	v20 =	vsel vm5, v61, v20;
	v34 =	vperm.xlane v1, v34;
	v2 =	vperm.xlane v0, v36  }
0x52: {  	v59 =	vld [tilespmem:s16+$0x290];
	v54 =	vperm.xlane v1, v36;
	vm5 =	vlt.s32 v50, $0x10;
	v36 =	vand.u32 $0xF, v56  }
0x53: {  	[tilespmem:s16+$0x64C0] =	vst v4;
	v62 =	vld [tilespmem:s16+$0x2A0];
	v58 =	vand.u32 $0xF, v53;
	v4 =	vsel vm5, v57, v6;
	vm6 =	vlt.s32 v53, $0x10  }
0x54: {  	v31 =	vld [tilespmem:s16+$0x340];
	[tilespmem:s16+$0x64E0] =	vst v8;
	v38 =	vperm.xlane v0, v36;
	v8 =	vperm.xlane v1, v36;
	v25 =	vsel vm9, v30, v27  }
0x55: {  	[tilespmem:s16+$0x6500] =	vst v13;
	v47 =	vld [tilespmem:s16+$0x2E0];
	v30 =	vperm.xlane v1, v46;
	v26 =	vsel vm11, v45, v26;
	v24 =	vsel vm13, v48, v34  }
0x56: {  	[tilespmem:s16+$0x6510] =	vst v11;
	v2 =	vsel vm4, v2, v54;
	v60 =	vperm.xlane v0, v58;
	v61 =	vand.u32 $0xF, v37  }
0x57: {  	[tilespmem:s16+$0x6520] =	vst v9;
	v27 =	vperm.xlane v1, v58;
	vm7 =	vlt.s32 v37, $0x10;
	v63 =	vperm.xlane v0, v61  }
0x58: {  	[tilespmem:s16+$0x6580] =	vst v15;
	v40 =	vld [tilespmem:s16+$0x2C0];
	v35 =	vperm.xlane v1, v61;
	v39 =	vand.u32 $0xF, v59;
	v42 =	vand.u32 $0xF, v62  }
0x59: {  	[tilespmem:s16+$0x64B0] =	vst v7;
	v43 =	vld [tilespmem:s16+$0x2D0];
	v8 =	vsel vm8, v38, v8;
	vm9 =	vlt.s32 v59, $0x10;
	vm10 =	vlt.s32 v62, $0x10  }
0x5a: {  	[tilespmem:s16+$0x65E0] =	vst v21;
	v50 =	vld [tilespmem:s16+$0x2F0];
	v56 =	vand.u32 $0xF, v47;
	vm14 =	vlt.s32 v47, $0x10;
	vm8 =	vlt.s32 v31, $0x10  }
0x5b: {  	[tilespmem:s16+$0x64D0] =	vst v10;
	v28 =	vsel vm12, v33, v30;
	v33 =	vperm.xlane v1, v52;
	v41 =	vperm.xlane v0, v39  }
0x5c: {  	[tilespmem:s16+$0x64F0] =	vst v5;
	v5 =	vsel vm6, v60, v27;
	v13 =	vperm.xlane v1, v39;
	v44 =	vperm.xlane v0, v42  }
0x5d: {  	[tilespmem:s16+$0x6530] =	vst v16;
	v45 =	vperm.xlane v1, v42;
	v58 =	vperm.xlane v0, v56;
	v39 =	vand.u32 $0xF, v31  }
0x5e: {  	[tilespmem:s16+$0x6540] =	vst v14;
	v53 =	vld [tilespmem:s16+$0x300];
	v6 =	vsel vm7, v63, v35;
	v49 =	vand.u32 $0xF, v40;
	v52 =	vand.u32 $0xF, v43  }
0x5f: {  	[tilespmem:s16+$0x6550] =	vst v12;
	v57 =	vld [tilespmem:s16+$0x310];
	vm12 =	vlt.s32 v40, $0x10;
	vm13 =	vlt.s32 v43, $0x10;
	v59 =	vand.u32 $0xF, v50  }
0x60: {  	[tilespmem:s16+$0x65B0] =	vst v18;
	v37 =	vld [tilespmem:s16+$0x2B0];
	v15 =	vperm.xlane v1, v39;
	v3 =	vsel vm15, v3, v33;
	v51 =	vperm.xlane v0, v49  }
0x61: {  	[tilespmem:s16+$0x6560] =	vst v19;
	v9 =	vsel vm9, v41, v13;
	v14 =	vperm.xlane v1, v49;
	v54 =	vperm.xlane v0, v52  }
0x62: {  	[tilespmem:s16+$0x6570] =	vst v17;
	v34 =	vld [tilespmem:s16+$0x350];
	v7 =	vsel vm10, v44, v45;
	v55 =	vperm.xlane v1, v52;
	v61 =	vperm.xlane v0, v59  }
0x63: {  	[tilespmem:s16+$0x65C0] =	vst v23;
	v18 =	vperm.xlane v1, v59;
	v62 =	vand.u32 $0xF, v53;
	vm15 =	vlt.s32 v50, $0x10  }
0x64: {  	[tilespmem:s16+$0x6620] =	vst v29;
	vm4 =	vlt.s32 v53, $0x10;
	v30 =	vand.u32 $0xF, v57;
	vm5 =	vlt.s32 v57, $0x10  }
0x65: {  	[tilespmem:s16+$0x6590] =	vst v20;
	v41 =	vperm.xlane v0, v39;
	v46 =	vand.u32 $0xF, v37;
	v27 =	vperm.xlane v0, v62  }
0x66: {  	[tilespmem:s16+$0x65A0] =	vst v22;
	v60 =	vld [tilespmem:s16+$0x320];
	vm11 =	vlt.s32 v37, $0x10;
	v22 =	vperm.xlane v1, v62;
	v32 =	vperm.xlane v0, v30  }
0x67: {  	[tilespmem:s16+$0x6650] =	vst v4;
	v17 =	vperm.xlane v1, v30;
	v42 =	vand.u32 $0xF, v34;
	vm9 =	vlt.s32 v34, $0x10  }
0x68: {  	[tilespmem:s16+$0x65D0] =	vst v25;
	v63 =	vld [tilespmem:s16+$0x330];
	v48 =	vperm.xlane v0, v46;
	v11 =	vperm.xlane v1, v46;
	v13 =	vsel vm12, v51, v14  }
0x69: {  	[tilespmem:s16+$0x65F0] =	vst v26;
	v40 =	vld [tilespmem:s16+$0x370];
	v10 =	vsel vm13, v54, v55;
	v14 =	vperm.xlane v1, v56;
	v16 =	vsel vm15, v61, v18  }
0x6a: {  	[tilespmem:s16+$0x6610] =	vst v24;
	v43 =	vld [tilespmem:s16+$0x380];
	v44 =	vperm.xlane v0, v42;
	v20 =	vperm.xlane v1, v42;
	v4 =	vsel vm8, v41, v15  }
0x6b: {  	[tilespmem:s16+$0x6640] =	vst v2;
	v12 =	vsel vm4, v27, v22;
	v33 =	vand.u32 $0xF, v60;
	v17 =	vsel vm5, v32, v17  }
0x6c: {  	[tilespmem:s16+$0x6680] =	vst v8;
	v50 =	vld [tilespmem:s16+$0x3A0];
	vm6 =	vlt.s32 v60, $0x10;
	v11 =	vsel vm11, v48, v11;
	v14 =	vsel vm14, v58, v14  }
0x6d: {  	[tilespmem:s16+$0x6600] =	vst v28;
	v53 =	vld [tilespmem:s16+$0x3B0];
	v35 =	vperm.xlane v0, v33;
	v21 =	vperm.xlane v1, v33;
	v36 =	vand.u32 $0xF, v63  }
0x6e: {  	[tilespmem:s16+$0x6660] =	vst v5;
	v37 =	vld [tilespmem:s16+$0x360];
	vm7 =	vlt.s32 v63, $0x10;
	v5 =	vsel vm9, v44, v20;
	v49 =	vand.u32 $0xF, v40  }
0x6f: {  	v28 =	vld [tilespmem:s16+$0x3F0];
	[tilespmem:s16+$0x6670] =	vst v6;
	v52 =	vand.u32 $0xF, v43;
	v38 =	vperm.xlane v0, v36;
	v25 =	vperm.xlane v1, v36  }
0x70: {  	[tilespmem:s16+$0x6630] =	vst v3;
	v62 =	vld [tilespmem:s16+$0x3D0];
	vm11 =	vlt.s32 v40, $0x10;
	v51 =	vperm.xlane v0, v49;
	v8 =	vperm.xlane v1, v49  }
0x71: {  	[tilespmem:s16+$0x6690] =	vst v9;
	vm12 =	vlt.s32 v43, $0x10;
	v54 =	vperm.xlane v0, v52;
	v15 =	vperm.xlane v1, v52  }
0x72: {  	[tilespmem:s16+$0x66A0] =	vst v7;
	v46 =	vld [tilespmem:s16+$0x390];
	v61 =	vand.u32 $0xF, v50;
	v24 =	vand.u32 $0xF, v53;
	vm14 =	vlt.s32 v50, $0x10  }
0x73: {  	[tilespmem:s16+$0x66C0] =	vst v13;
	vm15 =	vlt.s32 v53, $0x10;
	v2 =	vsel vm6, v35, v21;
	v45 =	vand.u32 $0xF, v37  }
0x74: {  	v56 =	vld [tilespmem:s16+$0x3C0];
	[tilespmem:s16+$0x66B0] =	vst v11;
	vm10 =	vlt.s32 v37, $0x10;
	v63 =	vperm.xlane v0, v61;
	v11 =	vperm.xlane v1, v61  }
0x75: {  	[tilespmem:s16+$0x66D0] =	vst v10;
	v26 =	vperm.xlane v0, v24;
	v31 =	vand.u32 $0xF, v62;
	v37 =	vand.u32 $0xF, v28  }
0x76: {  	v42 =	vld [tilespmem:s16+$0x430];
	[tilespmem:s16+$0x66F0] =	vst v16;
	vm5 =	vlt.s32 v62, $0x10;
	v3 =	vsel vm7, v38, v25;
	v47 =	vperm.xlane v0, v45  }
0x77: {  	[tilespmem:s16+$0x6740] =	vst v4;
	v48 =	vperm.xlane v1, v45;
	v55 =	vand.u32 $0xF, v46;
	v7 =	vsel vm11, v51, v8  }
0x78: {  	v32 =	vld [tilespmem:s16+$0x400];
	[tilespmem:s16+$0x6700] =	vst v12;
	vm13 =	vlt.s32 v46, $0x10;
	v59 =	vsel vm12, v54, v15;
	v15 =	vperm.xlane v1, v24  }
0x79: {  	[tilespmem:s16+$0x6710] =	vst v17;
	v27 =	vand.u32 $0xF, v56;
	v33 =	vperm.xlane v0, v31;
	v9 =	vperm.xlane v1, v31  }
0x7a: {  	[tilespmem:s16+$0x66E0] =	vst v14;
	vm4 =	vlt.s32 v56, $0x10;
	v39 =	vperm.xlane v0, v37;
	v40 =	vperm.xlane v1, v37  }
0x7b: {  	[tilespmem:s16+$0x6750] =	vst v5;
	vm7 =	vlt.s32 v28, $0x10;
	v51 =	vand.u32 $0xF, v42;
	v57 =	vperm.xlane v0, v55  }
0x7c: {  	v35 =	vld [tilespmem:s16+$0x410];
	[tilespmem:s16+$0x6720] =	vst v2;
	vm11 =	vlt.s32 v42, $0x10;
	v58 =	vperm.xlane v1, v55;
	v29 =	vperm.xlane v0, v27  }
0x7d: {  	v25 =	vld [tilespmem:s16+$0x3E0];
	v30 =	vperm.xlane v1, v27;
	v11 =	vsel vm14, v63, v11;
	[tilespmem:s16+$0x6730] =	vst v3;
	v41 =	vand.u32 $0xF, v32  }
0x7e: {  	[tilespmem:s16+$0x6770] =	vst v7;
	vm8 =	vlt.s32 v32, $0x10;
	v53 =	vperm.xlane v0, v51;
	v6 =	vsel vm10, v47, v48  }
0x7f: {  	v38 =	vld [tilespmem:s16+$0x420];
	[tilespmem:s16+$0x6780] =	vst v59;
	v2 =	vsel vm15, v26, v15;
	v43 =	vperm.xlane v0, v41;
	v7 =	vperm.xlane v1, v41  }
0x80: {  	v45 =	vld [tilespmem:s16+$0x440];
	v4 =	vsel vm5, v33, v9;
	v60 =	vsel vm13, v57, v58;
	v3 =	vsel vm4, v29, v30;
	[tilespmem:s16+$0x6760] =	vst v6  }
0x81: {  	v55 =	vld [tilespmem:s16+$0x470];
	v6 =	vsel vm7, v39, v40;
	v44 =	vand.u32 $0xF, v35;
	[tilespmem:s16+$0x67C0] =	vst v3;
	v3 =	vsel vm8, v43, v7  }
0x82: {  	[tilespmem:s16+$0x67A0] =	vst v11;
	v48 =	vld [tilespmem:s16+$0x450];
	vm9 =	vlt.s32 v35, $0x10;
	v7 =	vperm.xlane v1, v51;
	v34 =	vand.u32 $0xF, v25  }
0x83: {  	[tilespmem:s16+$0x67B0] =	vst v2;
	vm6 =	vlt.s32 v25, $0x10;
	v46 =	vperm.xlane v0, v44;
	v10 =	vperm.xlane v1, v44  }
0x84: {  	[tilespmem:s16+$0x67D0] =	vst v4;
	v47 =	vand.u32 $0xF, v38;
	vm10 =	vlt.s32 v38, $0x10;
	v36 =	vperm.xlane v0, v34  }
0x85: {  	v52 =	vld [tilespmem:s16+$0x460];
	[tilespmem:s16+$0x6790] =	vst v60;
	v54 =	vand.u32 $0xF, v45;
	v14 =	vperm.xlane v1, v34;
	v2 =	vperm.xlane v0, v47  }
0x86: {  	[tilespmem:s16+$0x67F0] =	vst v6;
	vm12 =	vlt.s32 v45, $0x10;
	v49 =	vperm.xlane v1, v47;
	v56 =	vperm.xlane v0, v54  }
0x87: {  	[tilespmem:s16+$0x6800] =	vst v3;
	v59 =	vsel vm11, v53, v7;
	v62 =	vand.u32 $0xF, v55;
	v57 =	vand.u32 $0xF, v48  }
0x88: {  	v50 =	vsel vm9, v46, v10;
	[tilespmem:s16+$0x6830] =	vst v59;
	v3 =	vperm.xlane v0, v57;
	v58 =	vperm.xlane v1, v57  }
0x89: {  	v10 =	vperm.xlane v1, v54;
	vm13 =	vlt.s32 v48, $0x10;
	v2 =	vsel vm10, v2, v49;
	[tilespmem:s16+$0x6810] =	vst v50  }
0x8a: {  	v5 =	vsel vm6, v36, v14;
	[tilespmem:s16+$0x6820] =	vst v2;
	v2 =	vsel vm13, v3, v58;
	v3 =	vand.u32 $0xF, v52  }
0x8b: {  	p0 =	sne.s32 s15, $0x18000;
	[tilespmem:s16+$0x67E0] =	vst v5;
	v60 =	vsel vm12, v56, v10;
	v61 =	vperm.xlane v0, v3;
	v3 =	vperm.xlane v1, v3  }
.Ltmp0:
0x8c: {  	vm14 =	vlt.s32 v52, $0x10;
	v63 =	vperm.xlane v0, v62;
	v6 =	vperm.xlane v1, v62;
	[tilespmem:s16+$0x6840] =	vst v60;
	(pc) =	sbr.rel @p0 .LBB2_2-.Ltmp0, $4  }
0x8d: {  	vm15 =	vlt.s32 v55, $0x10;
	[tilespmem:s16+$0x6850] =	vst v2;
	v2 =	vsel vm14, v61, v3  }
0x8e: {  	[tilespmem:s16+$0x6860] =	vst v2;
	v2 =	vsel vm15, v63, v6  }
0x8f: {  	s31 =	sadd.s32 s15, s6;
	s15 =	sadd.s32 $0x1000, s15;
	s17 =	sadd.s32 $0x6480, s16;
	[tilespmem:s16+$0x6870] =	vst v2  }
0x90: {  	[hbm4b:s31+s9] =	stream.strided.scatter [tilespmem:s17], [sflag:$0x2], $0x400, s12, s9, $0x38;
	[tilespmem:$0xC880] =	vst v63  }
0x91: {  	s14 =	sadd.s32 $0x1, s14  }
0x92: {  	p0 =	sne.s32 s14, s5  }
.Ltmp1:
0x93: {  	_ = 	snop;
	(pc) =	sbr.rel @p0 .LBB2_1-.Ltmp1, $4  }
0x94: {  	_ = 	snop  }
0x95: {  	_ =	swait.ge [sflag:s13], $0x6400  }
0x96: {  	[sflag:s13] =	ssyncset.done $0x0  }
0x97: {  	[sflag:s13] =	ssyncadd.s32 $0xFFFF9C00  }
0x98: {  	_ =	sfence.sel $0x180000  }
0x99: {  	[bflag:$0x0] =	sbarrier.arrive $0xFFFF  }
0x9a: {  	p0 =	sne.s32 s2, $0x0;
	_ =	strace $0x90000047  }
0x9b: {  	s0 =	sadd.s32 @!p0 $0x100000, s0;
	[bflag:$0x2] =	sbarrier.arrive $0xFFFF  }
0x9c: {  	[sflag:s0] =	ssyncadd.tile.s32 @!p0 $0x1;
	_ =	shalt  }
.Lfunc_end2:
_tile_overlayer_lowered:
.L_overlay_start_2:
0x9d: {  	(tag) =	ssettag $0x2  }
0x9e: {  	s0 =	rddreg [dreg:$0x0];
	s2 =	stileid.u32  }
0x9f: {  	s1 =	rddreg [dreg:$0x1];
	p0 =	sne.s32 s2, $0x0  }
0xa0: {  	s3 =	rddreg [dreg:$0x2];
	[bflag:$0x3] =	sbarrier.arrive $0xFFFF;
	s2 =	simm.s32 @!p0 $0x1C03  }
0xa1: {  	[timem:s3], [sflag:s2] =	dma.local @!p0 [hbm:s0], s1  }
0xa2: {  	s0 =	simm.s32 @!p0 $0x3  }
0xa3: {  	_ =	swait.ge @!p0 [sflag:s0], s1  }
0xa4: {  	s1 =	ssub.s32 @!p0 $0x0, s1;
	[sflag:s0] =	ssyncset.done @!p0 $0x0  }
0xa5: {  	[sflag:s0] =	ssyncadd.s32 @!p0 s1  }
0xa6: {  	[bflag:$0x3] =	sbarrier.arrive $0xFFFF  }
0xa7: {  	_ =	shalt  }

</sc_bundles>
